<compile_context>
chip_gen: v7x
topology: tpu7x:2x2x1
jax: 0.10.2.dev20260603
libtpu: 0.0.44.dev20260713+nightly
codegen_flags: <defaults>
</compile_context>

<pallas_src>
import functools

import jax
import jax.numpy as jnp
from jax import lax
from jax.experimental import pallas as pl
from jax.experimental.pallas import tpu as pltpu
from jax.experimental.pallas import tpu_sc as plsc

NC = 2
NS = 16
NW = NC * NS
K = 128
NSLOT = 4


@functools.lru_cache(maxsize=None)
def _make_emb(n_t: int, n_bt: int, n_tab: int, d: int):
    n_chunks = n_t * n_bt
    cpw = n_chunks // NW
    n_er = d // 8
    mesh = plsc.VectorSubcoreMesh(core_axis_name="c", subcore_axis_name="s")

    @functools.partial(
        pl.kernel,
        mesh=mesh,
        compiler_params=pltpu.CompilerParams(
            use_tc_tiling_on_sc=False, needs_layout_passes=False,
            disable_bounds_checks=True),
        out_type=jax.ShapeDtypeStruct((n_t, n_er, n_bt, 8, K), jnp.float32),
        scratch_types=[
            pltpu.VMEM((cpw, K), jnp.int32),
            pltpu.VMEM((NSLOT, K, d), jnp.float32),
            pltpu.VMEM((NSLOT, n_er, 8, K + 1), jnp.float32),
        ]
        + [pltpu.SemaphoreType.DMA] * (2 * NSLOT),
    )
    def emb(idx_hbm, table_hbm, out_hbm, idx_v, rows_v, tbuf_v, *sems):
        gsems, ssems = sems[:NSLOT], sems[NSLOT:]
        wid = lax.axis_index("s") * NC + lax.axis_index("c")
        m0 = wid * cpw
        pltpu.sync_copy(idx_hbm.at[wid], idx_v)

        lane = lax.iota(jnp.int32, 16)
        i_vec = lane & 7
        r_vec = [(lane >> 3) + 2 * h for h in range(d // 16)]
        z16 = lane * 0

        def fire_gather(local, s):
            pltpu.make_async_copy(
                table_hbm.at[idx_v.at[local]], rows_v.at[s], gsems[s]).start()

        for s in range(NSLOT):
            fire_gather(s, s)

        def body(it, carry):
            i = it * NSLOT
            for s in range(NSLOT):
                local = i + s
                m = m0 + local
                t = m // n_bt
                c = m - t * n_bt
                pltpu.make_async_copy(
                    table_hbm.at[pl.ds(0, K)], rows_v.at[s], gsems[s]).wait()

                @pl.when(it > 0)
                def _drain():
                    for r in range(n_er):
                        pltpu.make_async_copy(
                            tbuf_v.at[s, r, :, pl.ds(0, K)],
                            out_hbm.at[0, r, 0], ssems[s]).wait()

                @plsc.parallel_loop(0, K, 1, unroll=8)
                def _transpose(j):
                    for h in range(d // 16):
                        x = rows_v[s, j, pl.ds(16 * h, 16)]
                        plsc.store_scatter(
                            tbuf_v.at[s], [r_vec[h], i_vec, z16 + j], x)

                for r in range(n_er):
                    pltpu.make_async_copy(
                        tbuf_v.at[s, r, :, pl.ds(0, K)],
                        out_hbm.at[t, r, c], ssems[s]).start()

                @pl.when(local + NSLOT < cpw)
                def _refire():
                    fire_gather(local + NSLOT, s)
            return carry

        lax.fori_loop(0, cpw // NSLOT, body, 0)
        for s in range(NSLOT):
            for r in range(n_er):
                pltpu.make_async_copy(
                    tbuf_v.at[s, r, :, pl.ds(0, K)],
                    out_hbm.at[0, r, 0], ssems[s]).wait()

    return emb


def kernel(indices, table):
    n_b, n_t = indices.shape
    n_rows, d = table.shape
    assert n_b % K == 0 and d % 16 == 0
    n_bt = n_b // K
    assert (n_t * n_bt) % (NW * NSLOT) == 0
    pad_w = 128 // d
    table_p = jnp.pad(table, ((0, 0), (0, 128 - d)))
    table_v = table_p.reshape(pad_w * n_rows, d)
    idx_t = (indices.astype(jnp.int32) * pad_w).T.reshape(-1)
    idx3 = idx_t.reshape(NW, (n_t * n_bt) // NW, K)
    out5 = _make_emb(n_t, n_bt, pad_w * n_rows, d)(idx3, table_v)
    return out5.transpose(2, 4, 0, 1, 3).reshape(n_b, n_t, d)

# --- scband reference (transcript-rebuilt; emitter-appended) ---
"""Pipeline reference for scband-virtual-node-embedding-36404142801493 (READ-ONLY COPY).

The authoritative reference and input builder live on the scoring server;
editing this copy changes nothing except your own understanding.
"""

import jax, jax.numpy as jnp
import numpy as np

NUM_VIRTUAL_NODES = 1000000
EMBED_DIM = 32

def setup_inputs(seed: int = 0) -> dict:
    key = jax.random.key(seed)
    k_idx, k_tab = jax.random.split(key)
    indices = jax.random.randint(k_idx, (16384, 100), 0, NUM_VIRTUAL_NODES, dtype=jnp.int64) if jax.config.jax_enable_x64 else jax.random.randint(k_idx, (16384, 100), 0, NUM_VIRTUAL_NODES, dtype=jnp.int32)
    table = jax.random.normal(k_tab, (NUM_VIRTUAL_NODES, EMBED_DIM), dtype=jnp.float32)
    return {"indices": indices, "table": table}

def reference(indices, table):
    # nn.Embedding forward: gather rows of the table
    return jnp.take(table, indices, axis=0)

if __name__ == "__main__":
    import jax
    _d = setup_inputs()
    print(jax.jit(kernel)(*tuple(_d.values())))

</pallas_src>

<mosaic_0001>
#map = affine_map<(d0, d1) -> (0, 0, 0)>
#map1 = affine_map<(d0, d1) -> (0, 0)>
#map2 = affine_map<(d0, d1) -> (0, 0, 0, 0, 0)>
module attributes {stable_mosaic.version = 14 : i64} {
  func.func @emb(%arg0: i32, %arg1: i32, %arg2: memref<32x400x128xi32, #tpu.memory_space<hbm>>, %arg3: memref<4000000x32xf32, #tpu.memory_space<hbm>>, %arg4: memref<100x4x128x8x128xf32, #tpu.memory_space<hbm>>, %arg5: memref<400x128xi32, #tpu.memory_space<vmem>>, %arg6: memref<4x128x32xf32, #tpu.memory_space<vmem>>, %arg7: memref<4x4x8x129xf32, #tpu.memory_space<vmem>>, %arg8: memref<!tpu.dma_semaphore, #tpu.memory_space<semaphore_mem>>, %arg9: memref<!tpu.dma_semaphore, #tpu.memory_space<semaphore_mem>>, %arg10: memref<!tpu.dma_semaphore, #tpu.memory_space<semaphore_mem>>, %arg11: memref<!tpu.dma_semaphore, #tpu.memory_space<semaphore_mem>>, %arg12: memref<!tpu.dma_semaphore, #tpu.memory_space<semaphore_mem>>, %arg13: memref<!tpu.dma_semaphore, #tpu.memory_space<semaphore_mem>>, %arg14: memref<!tpu.dma_semaphore, #tpu.memory_space<semaphore_mem>>, %arg15: memref<!tpu.dma_semaphore, #tpu.memory_space<semaphore_mem>>) attributes {dimension_semantics = [#tpu.dimension_semantics<core_parallel>, #tpu.dimension_semantics<subcore_parallel>], iteration_bounds = array<i64: 2, 16>, scalar_prefetch = 0 : i64, scratch_operands = 11 : i64, tpu.core_type = #tpu.core_type<sc_vector_subcore>, window_params = [{transform_indices = #map}, {transform_indices = #map1}, {transform_indices = #map2}]} {
    %mul3A = arith.constant 2 : i32
    %mul3A_0 = arith.muli %arg1, %mul3A : i32
    %add3A = arith.addi %mul3A_0, %arg0 : i32
    %mul3A_1 = arith.constant 400 : i32
    %mul3A_2 = arith.muli %add3A, %mul3A_1 : i32
    "tpu.region"() ({
      %run_scoped3A = tpu.sem_alloc : memref<!tpu.dma_semaphore, #tpu.memory_space<semaphore_mem>>
      %dma_start3A_406 = arith.constant 0 : i32
      %dma_start3A_407 = arith.constant 0 : i32
      %dma_start3A_408 = tpu.memref_slice %arg2[%add3A, %dma_start3A_406, %dma_start3A_407] : memref<32x400x128xi32, #tpu.memory_space<hbm>> -> memref<1x400x128xi32, #tpu.memory_space<hbm>>
      %dma_start3A_409 = tpu.memref_squeeze %dma_start3A_408 : memref<1x400x128xi32, #tpu.memory_space<hbm>> -> memref<400x128xi32, #tpu.memory_space<hbm>>
      %dma_start3A_410 = arith.constant 0 : i32
      %dma_start3A_411 = arith.constant 0 : i32
      %dma_start3A_412 = tpu.memref_slice %arg2[%add3A, %dma_start3A_410, %dma_start3A_411] : memref<32x400x128xi32, #tpu.memory_space<hbm>> -> memref<1x400x128xi32, #tpu.memory_space<hbm>>
      %dma_start3A_413 = tpu.memref_squeeze %dma_start3A_412 : memref<1x400x128xi32, #tpu.memory_space<hbm>> -> memref<400x128xi32, #tpu.memory_space<hbm>>
      tpu.enqueue_dma source(%dma_start3A_413 : memref<400x128xi32, #tpu.memory_space<hbm>>) target(%arg5 : memref<400x128xi32, #tpu.memory_space<vmem>>) target_semaphore(%run_scoped3A : memref<!tpu.dma_semaphore, #tpu.memory_space<semaphore_mem>>)
      %dma_wait3A_414 = arith.constant 0 : i32
      %dma_wait3A_415 = arith.constant 0 : i32
      %dma_wait3A_416 = tpu.memref_slice %arg2[%add3A, %dma_wait3A_414, %dma_wait3A_415] : memref<32x400x128xi32, #tpu.memory_space<hbm>> -> memref<1x400x128xi32, #tpu.memory_space<hbm>>
      %dma_wait3A_417 = tpu.memref_squeeze %dma_wait3A_416 : memref<1x400x128xi32, #tpu.memory_space<hbm>> -> memref<400x128xi32, #tpu.memory_space<hbm>>
      %dma_wait3A_418 = arith.constant 0 : i32
      %dma_wait3A_419 = arith.constant 0 : i32
      %dma_wait3A_420 = tpu.memref_slice %arg2[%add3A, %dma_wait3A_418, %dma_wait3A_419] : memref<32x400x128xi32, #tpu.memory_space<hbm>> -> memref<1x400x128xi32, #tpu.memory_space<hbm>>
      %dma_wait3A_421 = tpu.memref_squeeze %dma_wait3A_420 : memref<1x400x128xi32, #tpu.memory_space<hbm>> -> memref<400x128xi32, #tpu.memory_space<hbm>>
      tpu.wait_dma2 semaphore(%run_scoped3A : memref<!tpu.dma_semaphore, #tpu.memory_space<semaphore_mem>>) src(%dma_wait3A_421 : memref<400x128xi32, #tpu.memory_space<hbm>>) dst(%arg5 : memref<400x128xi32, #tpu.memory_space<vmem>>)
      tpu.yield
    }) : () -> ()
    %iota3A = tpu.iota {dimensions = array<i32: 0>} : vector<16xi32>
    %and3A = arith.constant 7 : i32
    %and3A_3 = vector.broadcast %and3A : i32 to vector<16xi32>
    %and3A_4 = arith.andi %iota3A, %and3A_3 : vector<16xi32>
    %shift_right_arithmetic3A = arith.constant 3 : i32
    %shift_right_arithmetic3A_5 = vector.broadcast %shift_right_arithmetic3A : i32 to vector<16xi32>
    %shift_right_arithmetic3A_6 = arith.shrsi %iota3A, %shift_right_arithmetic3A_5 : vector<16xi32>
    %add3A_7 = arith.constant 0 : i32
    %add3A_8 = vector.broadcast %add3A_7 : i32 to vector<16xi32>
    %add3A_9 = arith.addi %shift_right_arithmetic3A_6, %add3A_8 : vector<16xi32>
    %shift_right_arithmetic3A_10 = arith.constant 3 : i32
    %shift_right_arithmetic3A_11 = vector.broadcast %shift_right_arithmetic3A_10 : i32 to vector<16xi32>
    %shift_right_arithmetic3A_12 = arith.shrsi %iota3A, %shift_right_arithmetic3A_11 : vector<16xi32>
    %add3A_13 = arith.constant 2 : i32
    %add3A_14 = vector.broadcast %add3A_13 : i32 to vector<16xi32>
    %add3A_15 = arith.addi %shift_right_arithmetic3A_12, %add3A_14 : vector<16xi32>
    %mul3A_16 = arith.constant 0 : i32
    %mul3A_17 = vector.broadcast %mul3A_16 : i32 to vector<16xi32>
    %mul3A_18 = arith.muli %iota3A, %mul3A_17 : vector<16xi32>
    %dma_start3A = arith.constant 0 : i32
    %dma_start3A_19 = arith.constant 0 : i32
    %dma_start3A_20 = arith.constant 0 : i32
    %dma_start3A_21 = arith.constant 0 : i32
    %dma_start3A_22 = tpu.memref_slice %arg6[%dma_start3A_19, %dma_start3A_20, %dma_start3A_21] : memref<4x128x32xf32, #tpu.memory_space<vmem>> -> memref<1x128x32xf32, #tpu.memory_space<vmem>>
    %dma_start3A_23 = tpu.memref_squeeze %dma_start3A_22 : memref<1x128x32xf32, #tpu.memory_space<vmem>> -> memref<128x32xf32, #tpu.memory_space<vmem>>
    %dma_start3A_24 = arith.constant 0 : i32
    %dma_start3A_25 = tpu.memref_slice %arg5[%dma_start3A, %dma_start3A_24] : memref<400x128xi32, #tpu.memory_space<vmem>> -> memref<1x128xi32, #tpu.memory_space<vmem>>
    %dma_start3A_26 = tpu.memref_squeeze %dma_start3A_25 : memref<1x128xi32, #tpu.memory_space<vmem>> -> memref<128xi32, #tpu.memory_space<vmem>>
    %dma_start3A_27 = arith.constant 0 : i32
    %dma_start3A_28 = arith.constant 0 : i32
    %dma_start3A_29 = tpu.memref_slice %arg3[%dma_start3A_27, %dma_start3A_28] : memref<4000000x32xf32, #tpu.memory_space<hbm>> -> memref<4000000x32xf32, #tpu.memory_space<hbm>>
    tpu.enqueue_indirect_dma source(%dma_start3A_29 : memref<4000000x32xf32, #tpu.memory_space<hbm>>) target(%dma_start3A_23 : memref<128x32xf32, #tpu.memory_space<vmem>>) offsets(%dma_start3A_26 : memref<128xi32, #tpu.memory_space<vmem>>) semaphore(%arg8 : memref<!tpu.dma_semaphore, #tpu.memory_space<semaphore_mem>>)
    %dma_start3A_30 = arith.constant 1 : i32
    %dma_start3A_31 = arith.constant 1 : i32
    %dma_start3A_32 = arith.constant 0 : i32
    %dma_start3A_33 = arith.constant 0 : i32
    %dma_start3A_34 = tpu.memref_slice %arg6[%dma_start3A_31, %dma_start3A_32, %dma_start3A_33] : memref<4x128x32xf32, #tpu.memory_space<vmem>> -> memref<1x128x32xf32, #tpu.memory_space<vmem>>
    %dma_start3A_35 = tpu.memref_squeeze %dma_start3A_34 : memref<1x128x32xf32, #tpu.memory_space<vmem>> -> memref<128x32xf32, #tpu.memory_space<vmem>>
    %dma_start3A_36 = arith.constant 0 : i32
    %dma_start3A_37 = tpu.memref_slice %arg5[%dma_start3A_30, %dma_start3A_36] : memref<400x128xi32, #tpu.memory_space<vmem>> -> memref<1x128xi32, #tpu.memory_space<vmem>>
    %dma_start3A_38 = tpu.memref_squeeze %dma_start3A_37 : memref<1x128xi32, #tpu.memory_space<vmem>> -> memref<128xi32, #tpu.memory_space<vmem>>
    %dma_start3A_39 = arith.constant 0 : i32
    %dma_start3A_40 = arith.constant 0 : i32
    %dma_start3A_41 = tpu.memref_slice %arg3[%dma_start3A_39, %dma_start3A_40] : memref<4000000x32xf32, #tpu.memory_space<hbm>> -> memref<4000000x32xf32, #tpu.memory_space<hbm>>
    tpu.enqueue_indirect_dma source(%dma_start3A_41 : memref<4000000x32xf32, #tpu.memory_space<hbm>>) target(%dma_start3A_35 : memref<128x32xf32, #tpu.memory_space<vmem>>) offsets(%dma_start3A_38 : memref<128xi32, #tpu.memory_space<vmem>>) semaphore(%arg9 : memref<!tpu.dma_semaphore, #tpu.memory_space<semaphore_mem>>)
    %dma_start3A_42 = arith.constant 2 : i32
    %dma_start3A_43 = arith.constant 2 : i32
    %dma_start3A_44 = arith.constant 0 : i32
    %dma_start3A_45 = arith.constant 0 : i32
    %dma_start3A_46 = tpu.memref_slice %arg6[%dma_start3A_43, %dma_start3A_44, %dma_start3A_45] : memref<4x128x32xf32, #tpu.memory_space<vmem>> -> memref<1x128x32xf32, #tpu.memory_space<vmem>>
    %dma_start3A_47 = tpu.memref_squeeze %dma_start3A_46 : memref<1x128x32xf32, #tpu.memory_space<vmem>> -> memref<128x32xf32, #tpu.memory_space<vmem>>
    %dma_start3A_48 = arith.constant 0 : i32
    %dma_start3A_49 = tpu.memref_slice %arg5[%dma_start3A_42, %dma_start3A_48] : memref<400x128xi32, #tpu.memory_space<vmem>> -> memref<1x128xi32, #tpu.memory_space<vmem>>
    %dma_start3A_50 = tpu.memref_squeeze %dma_start3A_49 : memref<1x128xi32, #tpu.memory_space<vmem>> -> memref<128xi32, #tpu.memory_space<vmem>>
    %dma_start3A_51 = arith.constant 0 : i32
    %dma_start3A_52 = arith.constant 0 : i32
    %dma_start3A_53 = tpu.memref_slice %arg3[%dma_start3A_51, %dma_start3A_52] : memref<4000000x32xf32, #tpu.memory_space<hbm>> -> memref<4000000x32xf32, #tpu.memory_space<hbm>>
    tpu.enqueue_indirect_dma source(%dma_start3A_53 : memref<4000000x32xf32, #tpu.memory_space<hbm>>) target(%dma_start3A_47 : memref<128x32xf32, #tpu.memory_space<vmem>>) offsets(%dma_start3A_50 : memref<128xi32, #tpu.memory_space<vmem>>) semaphore(%arg10 : memref<!tpu.dma_semaphore, #tpu.memory_space<semaphore_mem>>)
    %dma_start3A_54 = arith.constant 3 : i32
    %dma_start3A_55 = arith.constant 3 : i32
    %dma_start3A_56 = arith.constant 0 : i32
    %dma_start3A_57 = arith.constant 0 : i32
    %dma_start3A_58 = tpu.memref_slice %arg6[%dma_start3A_55, %dma_start3A_56, %dma_start3A_57] : memref<4x128x32xf32, #tpu.memory_space<vmem>> -> memref<1x128x32xf32, #tpu.memory_space<vmem>>
    %dma_start3A_59 = tpu.memref_squeeze %dma_start3A_58 : memref<1x128x32xf32, #tpu.memory_space<vmem>> -> memref<128x32xf32, #tpu.memory_space<vmem>>
    %dma_start3A_60 = arith.constant 0 : i32
    %dma_start3A_61 = tpu.memref_slice %arg5[%dma_start3A_54, %dma_start3A_60] : memref<400x128xi32, #tpu.memory_space<vmem>> -> memref<1x128xi32, #tpu.memory_space<vmem>>
    %dma_start3A_62 = tpu.memref_squeeze %dma_start3A_61 : memref<1x128xi32, #tpu.memory_space<vmem>> -> memref<128xi32, #tpu.memory_space<vmem>>
    %dma_start3A_63 = arith.constant 0 : i32
    %dma_start3A_64 = arith.constant 0 : i32
    %dma_start3A_65 = tpu.memref_slice %arg3[%dma_start3A_63, %dma_start3A_64] : memref<4000000x32xf32, #tpu.memory_space<hbm>> -> memref<4000000x32xf32, #tpu.memory_space<hbm>>
    tpu.enqueue_indirect_dma source(%dma_start3A_65 : memref<4000000x32xf32, #tpu.memory_space<hbm>>) target(%dma_start3A_59 : memref<128x32xf32, #tpu.memory_space<vmem>>) offsets(%dma_start3A_62 : memref<128xi32, #tpu.memory_space<vmem>>) semaphore(%arg11 : memref<!tpu.dma_semaphore, #tpu.memory_space<semaphore_mem>>)
    %scan3A = arith.constant 0 : i32
    %scan3A_66 = arith.constant 0 : i32
    %scan3A_67 = arith.constant 100 : i32
    %scan3A_68 = arith.addi %scan3A_66, %scan3A_67 : i32
    %scan3A_69 = arith.constant 1 : i32
    scf.for %scan3A_406 = %scan3A_66 to %scan3A_68 step %scan3A_69  : i32 {
      %mul3A_407 = arith.constant 4 : i32
      %mul3A_408 = arith.muli %scan3A_406, %mul3A_407 : i32
      %add3A_409 = arith.constant 0 : i32
      %add3A_410 = arith.addi %mul3A_408, %add3A_409 : i32
      %add3A_411 = arith.addi %mul3A_2, %add3A_410 : i32
      %jit3A = arith.constant 128 : i32
      %div3A = arith.divsi %add3A_411, %jit3A : i32
      %sign3A = arith.constant 0 : i32
      %sign3A_412 = arith.cmpi sgt, %add3A_411, %sign3A : i32
      %sign3A_413 = arith.extui %sign3A_412 : i1 to i32
      %sign3A_414 = arith.constant 0 : i32
      %sign3A_415 = arith.cmpi slt, %add3A_411, %sign3A_414 : i32
      %sign3A_416 = arith.extui %sign3A_415 : i1 to i32
      %sign3A_417 = arith.subi %sign3A_413, %sign3A_416 : i32
      %sign3A_418 = arith.constant 0 : i32
      %sign3A_419 = arith.cmpi sgt, %jit3A, %sign3A_418 : i32
      %sign3A_420 = arith.extui %sign3A_419 : i1 to i32
      %sign3A_421 = arith.constant 0 : i32
      %sign3A_422 = arith.cmpi slt, %jit3A, %sign3A_421 : i32
      %sign3A_423 = arith.extui %sign3A_422 : i1 to i32
      %sign3A_424 = arith.subi %sign3A_420, %sign3A_423 : i32
      %ne3A = arith.cmpi ne, %sign3A_417, %sign3A_424 : i32
      %rem3A = arith.remsi %add3A_411, %jit3A : i32
      %ne3A_425 = arith.constant 0 : i32
      %ne3A_426 = arith.cmpi ne, %rem3A, %ne3A_425 : i32
      %and3A_427 = arith.andi %ne3A, %ne3A_426 : i1
      %sub3A = arith.constant 1 : i32
      %sub3A_428 = arith.subi %div3A, %sub3A : i32
      %select_n3A = arith.select %and3A_427, %sub3A_428, %div3A : i32
      %mul3A_429 = arith.constant 128 : i32
      %mul3A_430 = arith.muli %select_n3A, %mul3A_429 : i32
      %sub3A_431 = arith.subi %add3A_411, %mul3A_430 : i32
      %dma_wait3A_432 = arith.constant 0 : i32
      %dma_wait3A_433 = arith.constant 0 : i32
      %dma_wait3A_434 = arith.constant 0 : i32
      %dma_wait3A_435 = tpu.memref_slice %arg6[%dma_wait3A_432, %dma_wait3A_433, %dma_wait3A_434] : memref<4x128x32xf32, #tpu.memory_space<vmem>> -> memref<1x128x32xf32, #tpu.memory_space<vmem>>
      %dma_wait3A_436 = tpu.memref_squeeze %dma_wait3A_435 : memref<1x128x32xf32, #tpu.memory_space<vmem>> -> memref<128x32xf32, #tpu.memory_space<vmem>>
      %dma_wait3A_437 = arith.constant 0 : i32
      %dma_wait3A_438 = arith.constant 0 : i32
      %dma_wait3A_439 = tpu.memref_slice %arg3[%dma_wait3A_437, %dma_wait3A_438] : memref<4000000x32xf32, #tpu.memory_space<hbm>> -> memref<128x32xf32, #tpu.memory_space<hbm>>
      %dma_wait3A_440 = arith.constant 0 : i32
      %dma_wait3A_441 = arith.constant 0 : i32
      %dma_wait3A_442 = tpu.memref_slice %arg6[%dma_wait3A_432, %dma_wait3A_440, %dma_wait3A_441] : memref<4x128x32xf32, #tpu.memory_space<vmem>> -> memref<1x128x32xf32, #tpu.memory_space<vmem>>
      %dma_wait3A_443 = tpu.memref_squeeze %dma_wait3A_442 : memref<1x128x32xf32, #tpu.memory_space<vmem>> -> memref<128x32xf32, #tpu.memory_space<vmem>>
      %dma_wait3A_444 = arith.constant 0 : i32
      %dma_wait3A_445 = arith.constant 0 : i32
      %dma_wait3A_446 = tpu.memref_slice %arg3[%dma_wait3A_444, %dma_wait3A_445] : memref<4000000x32xf32, #tpu.memory_space<hbm>> -> memref<128x32xf32, #tpu.memory_space<hbm>>
      tpu.wait_dma2 semaphore(%arg8 : memref<!tpu.dma_semaphore, #tpu.memory_space<semaphore_mem>>) src(%dma_wait3A_446 : memref<128x32xf32, #tpu.memory_space<hbm>>) dst(%dma_wait3A_443 : memref<128x32xf32, #tpu.memory_space<vmem>>)
      %gt3A = arith.constant 0 : i32
      %gt3A_447 = arith.cmpi sgt, %scan3A_406, %gt3A : i32
      %convert_element_type3A = arith.extui %gt3A_447 : i1 to i32
      %cond3A = arith.constant 0 : i32
      %cond3A_448 = arith.cmpi ne, %convert_element_type3A, %cond3A : i32
      scf.if %cond3A_448 {
        %dma_wait3A_941 = arith.constant 0 : i32
        %dma_wait3A_942 = arith.constant 0 : i32
        %dma_wait3A_943 = arith.constant 0 : i32
        %dma_wait3A_944 = arith.constant 0 : i32
        %dma_wait3A_945 = arith.constant 0 : i32
        %dma_wait3A_946 = arith.constant 0 : i32
        %dma_wait3A_947 = arith.constant 0 : i32
        %dma_wait3A_948 = tpu.memref_slice %arg7[%dma_wait3A_941, %dma_wait3A_942, %dma_wait3A_946, %dma_wait3A_947] : memref<4x4x8x129xf32, #tpu.memory_space<vmem>> -> memref<1x1x8x128xf32, #tpu.memory_space<vmem>>
        %dma_wait3A_949 = tpu.memref_squeeze %dma_wait3A_948 : memref<1x1x8x128xf32, #tpu.memory_space<vmem>> -> memref<8x128xf32, #tpu.memory_space<vmem>>
        %dma_wait3A_950 = arith.constant 0 : i32
        %dma_wait3A_951 = arith.constant 0 : i32
        %dma_wait3A_952 = tpu.memref_slice %arg4[%dma_wait3A_943, %dma_wait3A_944, %dma_wait3A_945, %dma_wait3A_950, %dma_wait3A_951] : memref<100x4x128x8x128xf32, #tpu.memory_space<hbm>> -> memref<1x1x1x8x128xf32, #tpu.memory_space<hbm>>
        %dma_wait3A_953 = tpu.memref_squeeze %dma_wait3A_952 : memref<1x1x1x8x128xf32, #tpu.memory_space<hbm>> -> memref<8x128xf32, #tpu.memory_space<hbm>>
        %dma_wait3A_954 = arith.constant 0 : i32
        %dma_wait3A_955 = arith.constant 0 : i32
        %dma_wait3A_956 = tpu.memref_slice %arg4[%dma_wait3A_943, %dma_wait3A_944, %dma_wait3A_945, %dma_wait3A_954, %dma_wait3A_955] : memref<100x4x128x8x128xf32, #tpu.memory_space<hbm>> -> memref<1x1x1x8x128xf32, #tpu.memory_space<hbm>>
        %dma_wait3A_957 = tpu.memref_squeeze %dma_wait3A_956 : memref<1x1x1x8x128xf32, #tpu.memory_space<hbm>> -> memref<8x128xf32, #tpu.memory_space<hbm>>
        %dma_wait3A_958 = arith.constant 0 : i32
        %dma_wait3A_959 = arith.constant 0 : i32
        %dma_wait3A_960 = tpu.memref_slice %arg7[%dma_wait3A_941, %dma_wait3A_942, %dma_wait3A_958, %dma_wait3A_959] : memref<4x4x8x129xf32, #tpu.memory_space<vmem>> -> memref<1x1x8x128xf32, #tpu.memory_space<vmem>>
        %dma_wait3A_961 = tpu.memref_squeeze %dma_wait3A_960 : memref<1x1x8x128xf32, #tpu.memory_space<vmem>> -> memref<8x128xf32, #tpu.memory_space<vmem>>
        tpu.wait_dma2 semaphore(%arg12 : memref<!tpu.dma_semaphore, #tpu.memory_space<semaphore_mem>>) src(%dma_wait3A_961 : memref<8x128xf32, #tpu.memory_space<vmem>>) dst(%dma_wait3A_957 : memref<8x128xf32, #tpu.memory_space<hbm>>)
        %dma_wait3A_962 = arith.constant 0 : i32
        %dma_wait3A_963 = arith.constant 1 : i32
        %dma_wait3A_964 = arith.constant 0 : i32
        %dma_wait3A_965 = arith.constant 1 : i32
        %dma_wait3A_966 = arith.constant 0 : i32
        %dma_wait3A_967 = arith.constant 0 : i32
        %dma_wait3A_968 = arith.constant 0 : i32
        %dma_wait3A_969 = tpu.memref_slice %arg7[%dma_wait3A_962, %dma_wait3A_963, %dma_wait3A_967, %dma_wait3A_968] : memref<4x4x8x129xf32, #tpu.memory_space<vmem>> -> memref<1x1x8x128xf32, #tpu.memory_space<vmem>>
        %dma_wait3A_970 = tpu.memref_squeeze %dma_wait3A_969 : memref<1x1x8x128xf32, #tpu.memory_space<vmem>> -> memref<8x128xf32, #tpu.memory_space<vmem>>
        %dma_wait3A_971 = arith.constant 0 : i32
        %dma_wait3A_972 = arith.constant 0 : i32
        %dma_wait3A_973 = tpu.memref_slice %arg4[%dma_wait3A_964, %dma_wait3A_965, %dma_wait3A_966, %dma_wait3A_971, %dma_wait3A_972] : memref<100x4x128x8x128xf32, #tpu.memory_space<hbm>> -> memref<1x1x1x8x128xf32, #tpu.memory_space<hbm>>
        %dma_wait3A_974 = tpu.memref_squeeze %dma_wait3A_973 : memref<1x1x1x8x128xf32, #tpu.memory_space<hbm>> -> memref<8x128xf32, #tpu.memory_space<hbm>>
        %dma_wait3A_975 = arith.constant 0 : i32
        %dma_wait3A_976 = arith.constant 0 : i32
        %dma_wait3A_977 = tpu.memref_slice %arg4[%dma_wait3A_964, %dma_wait3A_965, %dma_wait3A_966, %dma_wait3A_975, %dma_wait3A_976] : memref<100x4x128x8x128xf32, #tpu.memory_space<hbm>> -> memref<1x1x1x8x128xf32, #tpu.memory_space<hbm>>
        %dma_wait3A_978 = tpu.memref_squeeze %dma_wait3A_977 : memref<1x1x1x8x128xf32, #tpu.memory_space<hbm>> -> memref<8x128xf32, #tpu.memory_space<hbm>>
        %dma_wait3A_979 = arith.constant 0 : i32
        %dma_wait3A_980 = arith.constant 0 : i32
        %dma_wait3A_981 = tpu.memref_slice %arg7[%dma_wait3A_962, %dma_wait3A_963, %dma_wait3A_979, %dma_wait3A_980] : memref<4x4x8x129xf32, #tpu.memory_space<vmem>> -> memref<1x1x8x128xf32, #tpu.memory_space<vmem>>
        %dma_wait3A_982 = tpu.memref_squeeze %dma_wait3A_981 : memref<1x1x8x128xf32, #tpu.memory_space<vmem>> -> memref<8x128xf32, #tpu.memory_space<vmem>>
        tpu.wait_dma2 semaphore(%arg12 : memref<!tpu.dma_semaphore, #tpu.memory_space<semaphore_mem>>) src(%dma_wait3A_982 : memref<8x128xf32, #tpu.memory_space<vmem>>) dst(%dma_wait3A_978 : memref<8x128xf32, #tpu.memory_space<hbm>>)
        %dma_wait3A_983 = arith.constant 0 : i32
        %dma_wait3A_984 = arith.constant 2 : i32
        %dma_wait3A_985 = arith.constant 0 : i32
        %dma_wait3A_986 = arith.constant 2 : i32
        %dma_wait3A_987 = arith.constant 0 : i32
        %dma_wait3A_988 = arith.constant 0 : i32
        %dma_wait3A_989 = arith.constant 0 : i32
        %dma_wait3A_990 = tpu.memref_slice %arg7[%dma_wait3A_983, %dma_wait3A_984, %dma_wait3A_988, %dma_wait3A_989] : memref<4x4x8x129xf32, #tpu.memory_space<vmem>> -> memref<1x1x8x128xf32, #tpu.memory_space<vmem>>
        %dma_wait3A_991 = tpu.memref_squeeze %dma_wait3A_990 : memref<1x1x8x128xf32, #tpu.memory_space<vmem>> -> memref<8x128xf32, #tpu.memory_space<vmem>>
        %dma_wait3A_992 = arith.constant 0 : i32
        %dma_wait3A_993 = arith.constant 0 : i32
        %dma_wait3A_994 = tpu.memref_slice %arg4[%dma_wait3A_985, %dma_wait3A_986, %dma_wait3A_987, %dma_wait3A_992, %dma_wait3A_993] : memref<100x4x128x8x128xf32, #tpu.memory_space<hbm>> -> memref<1x1x1x8x128xf32, #tpu.memory_space<hbm>>
        %dma_wait3A_995 = tpu.memref_squeeze %dma_wait3A_994 : memref<1x1x1x8x128xf32, #tpu.memory_space<hbm>> -> memref<8x128xf32, #tpu.memory_space<hbm>>
        %dma_wait3A_996 = arith.constant 0 : i32
        %dma_wait3A_997 = arith.constant 0 : i32
        %dma_wait3A_998 = tpu.memref_slice %arg4[%dma_wait3A_985, %dma_wait3A_986, %dma_wait3A_987, %dma_wait3A_996, %dma_wait3A_997] : memref<100x4x128x8x128xf32, #tpu.memory_space<hbm>> -> memref<1x1x1x8x128xf32, #tpu.memory_space<hbm>>
        %dma_wait3A_999 = tpu.memref_squeeze %dma_wait3A_998 : memref<1x1x1x8x128xf32, #tpu.memory_space<hbm>> -> memref<8x128xf32, #tpu.memory_space<hbm>>
        %dma_wait3A_1000 = arith.constant 0 : i32
        %dma_wait3A_1001 = arith.constant 0 : i32
        %dma_wait3A_1002 = tpu.memref_slice %arg7[%dma_wait3A_983, %dma_wait3A_984, %dma_wait3A_1000, %dma_wait3A_1001] : memref<4x4x8x129xf32, #tpu.memory_space<vmem>> -> memref<1x1x8x128xf32, #tpu.memory_space<vmem>>
        %dma_wait3A_1003 = tpu.memref_squeeze %dma_wait3A_1002 : memref<1x1x8x128xf32, #tpu.memory_space<vmem>> -> memref<8x128xf32, #tpu.memory_space<vmem>>
        tpu.wait_dma2 semaphore(%arg12 : memref<!tpu.dma_semaphore, #tpu.memory_space<semaphore_mem>>) src(%dma_wait3A_1003 : memref<8x128xf32, #tpu.memory_space<vmem>>) dst(%dma_wait3A_999 : memref<8x128xf32, #tpu.memory_space<hbm>>)
        %dma_wait3A_1004 = arith.constant 0 : i32
        %dma_wait3A_1005 = arith.constant 3 : i32
        %dma_wait3A_1006 = arith.constant 0 : i32
        %dma_wait3A_1007 = arith.constant 3 : i32
        %dma_wait3A_1008 = arith.constant 0 : i32
        %dma_wait3A_1009 = arith.constant 0 : i32
        %dma_wait3A_1010 = arith.constant 0 : i32
        %dma_wait3A_1011 = tpu.memref_slice %arg7[%dma_wait3A_1004, %dma_wait3A_1005, %dma_wait3A_1009, %dma_wait3A_1010] : memref<4x4x8x129xf32, #tpu.memory_space<vmem>> -> memref<1x1x8x128xf32, #tpu.memory_space<vmem>>
        %dma_wait3A_1012 = tpu.memref_squeeze %dma_wait3A_1011 : memref<1x1x8x128xf32, #tpu.memory_space<vmem>> -> memref<8x128xf32, #tpu.memory_space<vmem>>
        %dma_wait3A_1013 = arith.constant 0 : i32
        %dma_wait3A_1014 = arith.constant 0 : i32
        %dma_wait3A_1015 = tpu.memref_slice %arg4[%dma_wait3A_1006, %dma_wait3A_1007, %dma_wait3A_1008, %dma_wait3A_1013, %dma_wait3A_1014] : memref<100x4x128x8x128xf32, #tpu.memory_space<hbm>> -> memref<1x1x1x8x128xf32, #tpu.memory_space<hbm>>
        %dma_wait3A_1016 = tpu.memref_squeeze %dma_wait3A_1015 : memref<1x1x1x8x128xf32, #tpu.memory_space<hbm>> -> memref<8x128xf32, #tpu.memory_space<hbm>>
        %dma_wait3A_1017 = arith.constant 0 : i32
        %dma_wait3A_1018 = arith.constant 0 : i32
        %dma_wait3A_1019 = tpu.memref_slice %arg4[%dma_wait3A_1006, %dma_wait3A_1007, %dma_wait3A_1008, %dma_wait3A_1017, %dma_wait3A_1018] : memref<100x4x128x8x128xf32, #tpu.memory_space<hbm>> -> memref<1x1x1x8x128xf32, #tpu.memory_space<hbm>>
        %dma_wait3A_1020 = tpu.memref_squeeze %dma_wait3A_1019 : memref<1x1x1x8x128xf32, #tpu.memory_space<hbm>> -> memref<8x128xf32, #tpu.memory_space<hbm>>
        %dma_wait3A_1021 = arith.constant 0 : i32
        %dma_wait3A_1022 = arith.constant 0 : i32
        %dma_wait3A_1023 = tpu.memref_slice %arg7[%dma_wait3A_1004, %dma_wait3A_1005, %dma_wait3A_1021, %dma_wait3A_1022] : memref<4x4x8x129xf32, #tpu.memory_space<vmem>> -> memref<1x1x8x128xf32, #tpu.memory_space<vmem>>
        %dma_wait3A_1024 = tpu.memref_squeeze %dma_wait3A_1023 : memref<1x1x8x128xf32, #tpu.memory_space<vmem>> -> memref<8x128xf32, #tpu.memory_space<vmem>>
        tpu.wait_dma2 semaphore(%arg12 : memref<!tpu.dma_semaphore, #tpu.memory_space<semaphore_mem>>) src(%dma_wait3A_1024 : memref<8x128xf32, #tpu.memory_space<vmem>>) dst(%dma_wait3A_1020 : memref<8x128xf32, #tpu.memory_space<hbm>>)
      } else {
      }
      %parallel_loop3A = arith.constant 0 : i32
      %parallel_loop3A_449 = arith.constant 128 : i32
      %parallel_loop3A_450 = arith.constant 1 : i32
      scf.for %parallel_loop3A_941 = %parallel_loop3A to %parallel_loop3A_449 step %parallel_loop3A_450  : i32 {
        %parallel_loop3A_942 = arith.constant 0 : i32
        %parallel_loop3A_943 = arith.index_cast %parallel_loop3A_942 : i32 to index
        %parallel_loop3A_944 = arith.index_cast %parallel_loop3A_941 : i32 to index
        %parallel_loop3A_945 = arith.constant 0 : index
        %parallel_loop3A_946 = tpu.vector_load %arg6[%parallel_loop3A_943, %parallel_loop3A_944, %parallel_loop3A_945] {strides = array<i32>} : memref<4x128x32xf32, #tpu.memory_space<vmem>>, vector<16xf32>,
        %parallel_loop3A_947 = vector.broadcast %parallel_loop3A_941 : i32 to vector<16xi32>
        %parallel_loop3A_948 = arith.addi %mul3A_18, %parallel_loop3A_947 : vector<16xi32>
        %parallel_loop3A_949 = arith.constant 0 : i32
        %parallel_loop3A_950 = arith.constant 0 : i32
        %parallel_loop3A_951 = arith.constant 0 : i32
        %parallel_loop3A_952 = arith.constant 0 : i32
        %parallel_loop3A_953 = tpu.memref_slice %arg7[%parallel_loop3A_949, %parallel_loop3A_950, %parallel_loop3A_951, %parallel_loop3A_952] : memref<4x4x8x129xf32, #tpu.memory_space<vmem>> -> memref<1x4x8x129xf32, #tpu.memory_space<vmem>>
        %parallel_loop3A_954 = tpu.memref_squeeze %parallel_loop3A_953 : memref<1x4x8x129xf32, #tpu.memory_space<vmem>> -> memref<4x8x129xf32, #tpu.memory_space<vmem>>
        tpu.vector_store_idx %parallel_loop3A_954[%add3A_9, %and3A_4, %parallel_loop3A_948], %parallel_loop3A_946 : memref<4x8x129xf32, #tpu.memory_space<vmem>>[vector<16xi32>, vector<16xi32>, vector<16xi32>], vector<16xf32>,
        %parallel_loop3A_955 = arith.constant 0 : i32
        %parallel_loop3A_956 = arith.index_cast %parallel_loop3A_955 : i32 to index
        %parallel_loop3A_957 = arith.index_cast %parallel_loop3A_941 : i32 to index
        %parallel_loop3A_958 = arith.constant 16 : index
        %parallel_loop3A_959 = tpu.vector_load %arg6[%parallel_loop3A_956, %parallel_loop3A_957, %parallel_loop3A_958] {strides = array<i32>} : memref<4x128x32xf32, #tpu.memory_space<vmem>>, vector<16xf32>,
        %parallel_loop3A_960 = vector.broadcast %parallel_loop3A_941 : i32 to vector<16xi32>
        %parallel_loop3A_961 = arith.addi %mul3A_18, %parallel_loop3A_960 : vector<16xi32>
        %parallel_loop3A_962 = arith.constant 0 : i32
        %parallel_loop3A_963 = arith.constant 0 : i32
        %parallel_loop3A_964 = arith.constant 0 : i32
        %parallel_loop3A_965 = arith.constant 0 : i32
        %parallel_loop3A_966 = tpu.memref_slice %arg7[%parallel_loop3A_962, %parallel_loop3A_963, %parallel_loop3A_964, %parallel_loop3A_965] : memref<4x4x8x129xf32, #tpu.memory_space<vmem>> -> memref<1x4x8x129xf32, #tpu.memory_space<vmem>>
        %parallel_loop3A_967 = tpu.memref_squeeze %parallel_loop3A_966 : memref<1x4x8x129xf32, #tpu.memory_space<vmem>> -> memref<4x8x129xf32, #tpu.memory_space<vmem>>
        tpu.vector_store_idx %parallel_loop3A_967[%add3A_15, %and3A_4, %parallel_loop3A_961], %parallel_loop3A_959 : memref<4x8x129xf32, #tpu.memory_space<vmem>>[vector<16xi32>, vector<16xi32>, vector<16xi32>], vector<16xf32>,
      } {sc.loop_unroll_factor = 8 : i64, sc.parallel_access}
      %dma_start3A_451 = arith.constant 0 : i32
      %dma_start3A_452 = arith.constant 0 : i32
      %dma_start3A_453 = arith.constant 0 : i32
      %dma_start3A_454 = arith.constant 0 : i32
      %dma_start3A_455 = arith.constant 0 : i32
      %dma_start3A_456 = tpu.memref_slice %arg7[%dma_start3A_451, %dma_start3A_452, %dma_start3A_454, %dma_start3A_455] : memref<4x4x8x129xf32, #tpu.memory_space<vmem>> -> memref<1x1x8x128xf32, #tpu.memory_space<vmem>>
      %dma_start3A_457 = tpu.memref_squeeze %dma_start3A_456 : memref<1x1x8x128xf32, #tpu.memory_space<vmem>> -> memref<8x128xf32, #tpu.memory_space<vmem>>
      %dma_start3A_458 = arith.constant 0 : i32
      %dma_start3A_459 = arith.constant 0 : i32
      %dma_start3A_460 = tpu.memref_slice %arg4[%select_n3A, %dma_start3A_453, %sub3A_431, %dma_start3A_458, %dma_start3A_459] : memref<100x4x128x8x128xf32, #tpu.memory_space<hbm>> -> memref<1x1x1x8x128xf32, #tpu.memory_space<hbm>>
      %dma_start3A_461 = tpu.memref_squeeze %dma_start3A_460 : memref<1x1x1x8x128xf32, #tpu.memory_space<hbm>> -> memref<8x128xf32, #tpu.memory_space<hbm>>
      %dma_start3A_462 = arith.constant 0 : i32
      %dma_start3A_463 = arith.constant 0 : i32
      %dma_start3A_464 = tpu.memref_slice %arg4[%select_n3A, %dma_start3A_453, %sub3A_431, %dma_start3A_462, %dma_start3A_463] : memref<100x4x128x8x128xf32, #tpu.memory_space<hbm>> -> memref<1x1x1x8x128xf32, #tpu.memory_space<hbm>>
      %dma_start3A_465 = tpu.memref_squeeze %dma_start3A_464 : memref<1x1x1x8x128xf32, #tpu.memory_space<hbm>> -> memref<8x128xf32, #tpu.memory_space<hbm>>
      %dma_start3A_466 = arith.constant 0 : i32
      %dma_start3A_467 = arith.constant 0 : i32
      %dma_start3A_468 = tpu.memref_slice %arg7[%dma_start3A_451, %dma_start3A_452, %dma_start3A_466, %dma_start3A_467] : memref<4x4x8x129xf32, #tpu.memory_space<vmem>> -> memref<1x1x8x128xf32, #tpu.memory_space<vmem>>
      %dma_start3A_469 = tpu.memref_squeeze %dma_start3A_468 : memref<1x1x8x128xf32, #tpu.memory_space<vmem>> -> memref<8x128xf32, #tpu.memory_space<vmem>>
      tpu.enqueue_dma source(%dma_start3A_469 : memref<8x128xf32, #tpu.memory_space<vmem>>) target(%dma_start3A_465 : memref<8x128xf32, #tpu.memory_space<hbm>>) target_semaphore(%arg12 : memref<!tpu.dma_semaphore, #tpu.memory_space<semaphore_mem>>)
      %dma_start3A_470 = arith.constant 0 : i32
      %dma_start3A_471 = arith.constant 1 : i32
      %dma_start3A_472 = arith.constant 1 : i32
      %dma_start3A_473 = arith.constant 0 : i32
      %dma_start3A_474 = arith.constant 0 : i32
      %dma_start3A_475 = tpu.memref_slice %arg7[%dma_start3A_470, %dma_start3A_471, %dma_start3A_473, %dma_start3A_474] : memref<4x4x8x129xf32, #tpu.memory_space<vmem>> -> memref<1x1x8x128xf32, #tpu.memory_space<vmem>>
      %dma_start3A_476 = tpu.memref_squeeze %dma_start3A_475 : memref<1x1x8x128xf32, #tpu.memory_space<vmem>> -> memref<8x128xf32, #tpu.memory_space<vmem>>
      %dma_start3A_477 = arith.constant 0 : i32
      %dma_start3A_478 = arith.constant 0 : i32
      %dma_start3A_479 = tpu.memref_slice %arg4[%select_n3A, %dma_start3A_472, %sub3A_431, %dma_start3A_477, %dma_start3A_478] : memref<100x4x128x8x128xf32, #tpu.memory_space<hbm>> -> memref<1x1x1x8x128xf32, #tpu.memory_space<hbm>>
      %dma_start3A_480 = tpu.memref_squeeze %dma_start3A_479 : memref<1x1x1x8x128xf32, #tpu.memory_space<hbm>> -> memref<8x128xf32, #tpu.memory_space<hbm>>
      %dma_start3A_481 = arith.constant 0 : i32
      %dma_start3A_482 = arith.constant 0 : i32
      %dma_start3A_483 = tpu.memref_slice %arg4[%select_n3A, %dma_start3A_472, %sub3A_431, %dma_start3A_481, %dma_start3A_482] : memref<100x4x128x8x128xf32, #tpu.memory_space<hbm>> -> memref<1x1x1x8x128xf32, #tpu.memory_space<hbm>>
      %dma_start3A_484 = tpu.memref_squeeze %dma_start3A_483 : memref<1x1x1x8x128xf32, #tpu.memory_space<hbm>> -> memref<8x128xf32, #tpu.memory_space<hbm>>
      %dma_start3A_485 = arith.constant 0 : i32
      %dma_start3A_486 = arith.constant 0 : i32
      %dma_start3A_487 = tpu.memref_slice %arg7[%dma_start3A_470, %dma_start3A_471, %dma_start3A_485, %dma_start3A_486] : memref<4x4x8x129xf32, #tpu.memory_space<vmem>> -> memref<1x1x8x128xf32, #tpu.memory_space<vmem>>
      %dma_start3A_488 = tpu.memref_squeeze %dma_start3A_487 : memref<1x1x8x128xf32, #tpu.memory_space<vmem>> -> memref<8x128xf32, #tpu.memory_space<vmem>>
      tpu.enqueue_dma source(%dma_start3A_488 : memref<8x128xf32, #tpu.memory_space<vmem>>) target(%dma_start3A_484 : memref<8x128xf32, #tpu.memory_space<hbm>>) target_semaphore(%arg12 : memref<!tpu.dma_semaphore, #tpu.memory_space<semaphore_mem>>)
      %dma_start3A_489 = arith.constant 0 : i32
      %dma_start3A_490 = arith.constant 2 : i32
      %dma_start3A_491 = arith.constant 2 : i32
      %dma_start3A_492 = arith.constant 0 : i32
      %dma_start3A_493 = arith.constant 0 : i32
      %dma_start3A_494 = tpu.memref_slice %arg7[%dma_start3A_489, %dma_start3A_490, %dma_start3A_492, %dma_start3A_493] : memref<4x4x8x129xf32, #tpu.memory_space<vmem>> -> memref<1x1x8x128xf32, #tpu.memory_space<vmem>>
      %dma_start3A_495 = tpu.memref_squeeze %dma_start3A_494 : memref<1x1x8x128xf32, #tpu.memory_space<vmem>> -> memref<8x128xf32, #tpu.memory_space<vmem>>
      %dma_start3A_496 = arith.constant 0 : i32
      %dma_start3A_497 = arith.constant 0 : i32
      %dma_start3A_498 = tpu.memref_slice %arg4[%select_n3A, %dma_start3A_491, %sub3A_431, %dma_start3A_496, %dma_start3A_497] : memref<100x4x128x8x128xf32, #tpu.memory_space<hbm>> -> memref<1x1x1x8x128xf32, #tpu.memory_space<hbm>>
      %dma_start3A_499 = tpu.memref_squeeze %dma_start3A_498 : memref<1x1x1x8x128xf32, #tpu.memory_space<hbm>> -> memref<8x128xf32, #tpu.memory_space<hbm>>
      %dma_start3A_500 = arith.constant 0 : i32
      %dma_start3A_501 = arith.constant 0 : i32
      %dma_start3A_502 = tpu.memref_slice %arg4[%select_n3A, %dma_start3A_491, %sub3A_431, %dma_start3A_500, %dma_start3A_501] : memref<100x4x128x8x128xf32, #tpu.memory_space<hbm>> -> memref<1x1x1x8x128xf32, #tpu.memory_space<hbm>>
      %dma_start3A_503 = tpu.memref_squeeze %dma_start3A_502 : memref<1x1x1x8x128xf32, #tpu.memory_space<hbm>> -> memref<8x128xf32, #tpu.memory_space<hbm>>
      %dma_start3A_504 = arith.constant 0 : i32
      %dma_start3A_505 = arith.constant 0 : i32
      %dma_start3A_506 = tpu.memref_slice %arg7[%dma_start3A_489, %dma_start3A_490, %dma_start3A_504, %dma_start3A_505] : memref<4x4x8x129xf32, #tpu.memory_space<vmem>> -> memref<1x1x8x128xf32, #tpu.memory_space<vmem>>
      %dma_start3A_507 = tpu.memref_squeeze %dma_start3A_506 : memref<1x1x8x128xf32, #tpu.memory_space<vmem>> -> memref<8x128xf32, #tpu.memory_space<vmem>>
      tpu.enqueue_dma source(%dma_start3A_507 : memref<8x128xf32, #tpu.memory_space<vmem>>) target(%dma_start3A_503 : memref<8x128xf32, #tpu.memory_space<hbm>>) target_semaphore(%arg12 : memref<!tpu.dma_semaphore, #tpu.memory_space<semaphore_mem>>)
      %dma_start3A_508 = arith.constant 0 : i32
      %dma_start3A_509 = arith.constant 3 : i32
      %dma_start3A_510 = arith.constant 3 : i32
      %dma_start3A_511 = arith.constant 0 : i32
      %dma_start3A_512 = arith.constant 0 : i32
      %dma_start3A_513 = tpu.memref_slice %arg7[%dma_start3A_508, %dma_start3A_509, %dma_start3A_511, %dma_start3A_512] : memref<4x4x8x129xf32, #tpu.memory_space<vmem>> -> memref<1x1x8x128xf32, #tpu.memory_space<vmem>>
      %dma_start3A_514 = tpu.memref_squeeze %dma_start3A_513 : memref<1x1x8x128xf32, #tpu.memory_space<vmem>> -> memref<8x128xf32, #tpu.memory_space<vmem>>
      %dma_start3A_515 = arith.constant 0 : i32
      %dma_start3A_516 = arith.constant 0 : i32
      %dma_start3A_517 = tpu.memref_slice %arg4[%select_n3A, %dma_start3A_510, %sub3A_431, %dma_start3A_515, %dma_start3A_516] : memref<100x4x128x8x128xf32, #tpu.memory_space<hbm>> -> memref<1x1x1x8x128xf32, #tpu.memory_space<hbm>>
      %dma_start3A_518 = tpu.memref_squeeze %dma_start3A_517 : memref<1x1x1x8x128xf32, #tpu.memory_space<hbm>> -> memref<8x128xf32, #tpu.memory_space<hbm>>
      %dma_start3A_519 = arith.constant 0 : i32
      %dma_start3A_520 = arith.constant 0 : i32
      %dma_start3A_521 = tpu.memref_slice %arg4[%select_n3A, %dma_start3A_510, %sub3A_431, %dma_start3A_519, %dma_start3A_520] : memref<100x4x128x8x128xf32, #tpu.memory_space<hbm>> -> memref<1x1x1x8x128xf32, #tpu.memory_space<hbm>>
      %dma_start3A_522 = tpu.memref_squeeze %dma_start3A_521 : memref<1x1x1x8x128xf32, #tpu.memory_space<hbm>> -> memref<8x128xf32, #tpu.memory_space<hbm>>
      %dma_start3A_523 = arith.constant 0 : i32
      %dma_start3A_524 = arith.constant 0 : i32
      %dma_start3A_525 = tpu.memref_slice %arg7[%dma_start3A_508, %dma_start3A_509, %dma_start3A_523, %dma_start3A_524] : memref<4x4x8x129xf32, #tpu.memory_space<vmem>> -> memref<1x1x8x128xf32, #tpu.memory_space<vmem>>
      %dma_start3A_526 = tpu.memref_squeeze %dma_start3A_525 : memref<1x1x8x128xf32, #tpu.memory_space<vmem>> -> memref<8x128xf32, #tpu.memory_space<vmem>>
      tpu.enqueue_dma source(%dma_start3A_526 : memref<8x128xf32, #tpu.memory_space<vmem>>) target(%dma_start3A_522 : memref<8x128xf32, #tpu.memory_space<hbm>>) target_semaphore(%arg12 : memref<!tpu.dma_semaphore, #tpu.memory_space<semaphore_mem>>)
      %add3A_527 = arith.constant 4 : i32
      %add3A_528 = arith.addi %add3A_410, %add3A_527 : i32
      %lt3A = arith.constant 400 : i32
      %lt3A_529 = arith.cmpi slt, %add3A_528, %lt3A : i32
      %convert_element_type3A_530 = arith.extui %lt3A_529 : i1 to i32
      %cond3A_531 = arith.constant 0 : i32
      %cond3A_532 = arith.cmpi ne, %convert_element_type3A_530, %cond3A_531 : i32
      scf.if %cond3A_532 {
        %add3A_941 = arith.constant 4 : i32
        %add3A_942 = arith.addi %add3A_410, %add3A_941 : i32
        %dma_start3A_943 = arith.constant 0 : i32
        %dma_start3A_944 = arith.constant 0 : i32
        %dma_start3A_945 = arith.constant 0 : i32
        %dma_start3A_946 = tpu.memref_slice %arg6[%dma_start3A_943, %dma_start3A_944, %dma_start3A_945] : memref<4x128x32xf32, #tpu.memory_space<vmem>> -> memref<1x128x32xf32, #tpu.memory_space<vmem>>
        %dma_start3A_947 = tpu.memref_squeeze %dma_start3A_946 : memref<1x128x32xf32, #tpu.memory_space<vmem>> -> memref<128x32xf32, #tpu.memory_space<vmem>>
        %dma_start3A_948 = arith.constant 0 : i32
        %dma_start3A_949 = tpu.memref_slice %arg5[%add3A_942, %dma_start3A_948] : memref<400x128xi32, #tpu.memory_space<vmem>> -> memref<1x128xi32, #tpu.memory_space<vmem>>
        %dma_start3A_950 = tpu.memref_squeeze %dma_start3A_949 : memref<1x128xi32, #tpu.memory_space<vmem>> -> memref<128xi32, #tpu.memory_space<vmem>>
        %dma_start3A_951 = arith.constant 0 : i32
        %dma_start3A_952 = arith.constant 0 : i32
        %dma_start3A_953 = tpu.memref_slice %arg3[%dma_start3A_951, %dma_start3A_952] : memref<4000000x32xf32, #tpu.memory_space<hbm>> -> memref<4000000x32xf32, #tpu.memory_space<hbm>>
        tpu.enqueue_indirect_dma source(%dma_start3A_953 : memref<4000000x32xf32, #tpu.memory_space<hbm>>) target(%dma_start3A_947 : memref<128x32xf32, #tpu.memory_space<vmem>>) offsets(%dma_start3A_950 : memref<128xi32, #tpu.memory_space<vmem>>) semaphore(%arg8 : memref<!tpu.dma_semaphore, #tpu.memory_space<semaphore_mem>>)
      } else {
      }
      %add3A_533 = arith.constant 1 : i32
      %add3A_534 = arith.addi %mul3A_408, %add3A_533 : i32
      %add3A_535 = arith.addi %mul3A_2, %add3A_534 : i32
      %jit3A_536 = arith.constant 128 : i32
      %div3A_537 = arith.divsi %add3A_535, %jit3A_536 : i32
      %sign3A_538 = arith.constant 0 : i32
      %sign3A_539 = arith.cmpi sgt, %add3A_535, %sign3A_538 : i32
      %sign3A_540 = arith.extui %sign3A_539 : i1 to i32
      %sign3A_541 = arith.constant 0 : i32
      %sign3A_542 = arith.cmpi slt, %add3A_535, %sign3A_541 : i32
      %sign3A_543 = arith.extui %sign3A_542 : i1 to i32
      %sign3A_544 = arith.subi %sign3A_540, %sign3A_543 : i32
      %sign3A_545 = arith.constant 0 : i32
      %sign3A_546 = arith.cmpi sgt, %jit3A_536, %sign3A_545 : i32
      %sign3A_547 = arith.extui %sign3A_546 : i1 to i32
      %sign3A_548 = arith.constant 0 : i32
      %sign3A_549 = arith.cmpi slt, %jit3A_536, %sign3A_548 : i32
      %sign3A_550 = arith.extui %sign3A_549 : i1 to i32
      %sign3A_551 = arith.subi %sign3A_547, %sign3A_550 : i32
      %ne3A_552 = arith.cmpi ne, %sign3A_544, %sign3A_551 : i32
      %rem3A_553 = arith.remsi %add3A_535, %jit3A_536 : i32
      %ne3A_554 = arith.constant 0 : i32
      %ne3A_555 = arith.cmpi ne, %rem3A_553, %ne3A_554 : i32
      %and3A_556 = arith.andi %ne3A_552, %ne3A_555 : i1
      %sub3A_557 = arith.constant 1 : i32
      %sub3A_558 = arith.subi %div3A_537, %sub3A_557 : i32
      %select_n3A_559 = arith.select %and3A_556, %sub3A_558, %div3A_537 : i32
      %mul3A_560 = arith.constant 128 : i32
      %mul3A_561 = arith.muli %select_n3A_559, %mul3A_560 : i32
      %sub3A_562 = arith.subi %add3A_535, %mul3A_561 : i32
      %dma_wait3A_563 = arith.constant 1 : i32
      %dma_wait3A_564 = arith.constant 0 : i32
      %dma_wait3A_565 = arith.constant 0 : i32
      %dma_wait3A_566 = tpu.memref_slice %arg6[%dma_wait3A_563, %dma_wait3A_564, %dma_wait3A_565] : memref<4x128x32xf32, #tpu.memory_space<vmem>> -> memref<1x128x32xf32, #tpu.memory_space<vmem>>
      %dma_wait3A_567 = tpu.memref_squeeze %dma_wait3A_566 : memref<1x128x32xf32, #tpu.memory_space<vmem>> -> memref<128x32xf32, #tpu.memory_space<vmem>>
      %dma_wait3A_568 = arith.constant 0 : i32
      %dma_wait3A_569 = arith.constant 0 : i32
      %dma_wait3A_570 = tpu.memref_slice %arg3[%dma_wait3A_568, %dma_wait3A_569] : memref<4000000x32xf32, #tpu.memory_space<hbm>> -> memref<128x32xf32, #tpu.memory_space<hbm>>
      %dma_wait3A_571 = arith.constant 0 : i32
      %dma_wait3A_572 = arith.constant 0 : i32
      %dma_wait3A_573 = tpu.memref_slice %arg6[%dma_wait3A_563, %dma_wait3A_571, %dma_wait3A_572] : memref<4x128x32xf32, #tpu.memory_space<vmem>> -> memref<1x128x32xf32, #tpu.memory_space<vmem>>
      %dma_wait3A_574 = tpu.memref_squeeze %dma_wait3A_573 : memref<1x128x32xf32, #tpu.memory_space<vmem>> -> memref<128x32xf32, #tpu.memory_space<vmem>>
      %dma_wait3A_575 = arith.constant 0 : i32
      %dma_wait3A_576 = arith.constant 0 : i32
      %dma_wait3A_577 = tpu.memref_slice %arg3[%dma_wait3A_575, %dma_wait3A_576] : memref<4000000x32xf32, #tpu.memory_space<hbm>> -> memref<128x32xf32, #tpu.memory_space<hbm>>
      tpu.wait_dma2 semaphore(%arg9 : memref<!tpu.dma_semaphore, #tpu.memory_space<semaphore_mem>>) src(%dma_wait3A_577 : memref<128x32xf32, #tpu.memory_space<hbm>>) dst(%dma_wait3A_574 : memref<128x32xf32, #tpu.memory_space<vmem>>)
      %gt3A_578 = arith.constant 0 : i32
      %gt3A_579 = arith.cmpi sgt, %scan3A_406, %gt3A_578 : i32
      %convert_element_type3A_580 = arith.extui %gt3A_579 : i1 to i32
      %cond3A_581 = arith.constant 0 : i32
      %cond3A_582 = arith.cmpi ne, %convert_element_type3A_580, %cond3A_581 : i32
      scf.if %cond3A_582 {
        %dma_wait3A_941 = arith.constant 1 : i32
        %dma_wait3A_942 = arith.constant 0 : i32
        %dma_wait3A_943 = arith.constant 0 : i32
        %dma_wait3A_944 = arith.constant 0 : i32
        %dma_wait3A_945 = arith.constant 0 : i32
        %dma_wait3A_946 = arith.constant 0 : i32
        %dma_wait3A_947 = arith.constant 0 : i32
        %dma_wait3A_948 = tpu.memref_slice %arg7[%dma_wait3A_941, %dma_wait3A_942, %dma_wait3A_946, %dma_wait3A_947] : memref<4x4x8x129xf32, #tpu.memory_space<vmem>> -> memref<1x1x8x128xf32, #tpu.memory_space<vmem>>
        %dma_wait3A_949 = tpu.memref_squeeze %dma_wait3A_948 : memref<1x1x8x128xf32, #tpu.memory_space<vmem>> -> memref<8x128xf32, #tpu.memory_space<vmem>>
        %dma_wait3A_950 = arith.constant 0 : i32
        %dma_wait3A_951 = arith.constant 0 : i32
        %dma_wait3A_952 = tpu.memref_slice %arg4[%dma_wait3A_943, %dma_wait3A_944, %dma_wait3A_945, %dma_wait3A_950, %dma_wait3A_951] : memref<100x4x128x8x128xf32, #tpu.memory_space<hbm>> -> memref<1x1x1x8x128xf32, #tpu.memory_space<hbm>>
        %dma_wait3A_953 = tpu.memref_squeeze %dma_wait3A_952 : memref<1x1x1x8x128xf32, #tpu.memory_space<hbm>> -> memref<8x128xf32, #tpu.memory_space<hbm>>
        %dma_wait3A_954 = arith.constant 0 : i32
        %dma_wait3A_955 = arith.constant 0 : i32
        %dma_wait3A_956 = tpu.memref_slice %arg4[%dma_wait3A_943, %dma_wait3A_944, %dma_wait3A_945, %dma_wait3A_954, %dma_wait3A_955] : memref<100x4x128x8x128xf32, #tpu.memory_space<hbm>> -> memref<1x1x1x8x128xf32, #tpu.memory_space<hbm>>
        %dma_wait3A_957 = tpu.memref_squeeze %dma_wait3A_956 : memref<1x1x1x8x128xf32, #tpu.memory_space<hbm>> -> memref<8x128xf32, #tpu.memory_space<hbm>>
        %dma_wait3A_958 = arith.constant 0 : i32
        %dma_wait3A_959 = arith.constant 0 : i32
        %dma_wait3A_960 = tpu.memref_slice %arg7[%dma_wait3A_941, %dma_wait3A_942, %dma_wait3A_958, %dma_wait3A_959] : memref<4x4x8x129xf32, #tpu.memory_space<vmem>> -> memref<1x1x8x128xf32, #tpu.memory_space<vmem>>
        %dma_wait3A_961 = tpu.memref_squeeze %dma_wait3A_960 : memref<1x1x8x128xf32, #tpu.memory_space<vmem>> -> memref<8x128xf32, #tpu.memory_space<vmem>>
        tpu.wait_dma2 semaphore(%arg13 : memref<!tpu.dma_semaphore, #tpu.memory_space<semaphore_mem>>) src(%dma_wait3A_961 : memref<8x128xf32, #tpu.memory_space<vmem>>) dst(%dma_wait3A_957 : memref<8x128xf32, #tpu.memory_space<hbm>>)
        %dma_wait3A_962 = arith.constant 1 : i32
        %dma_wait3A_963 = arith.constant 1 : i32
        %dma_wait3A_964 = arith.constant 0 : i32
        %dma_wait3A_965 = arith.constant 1 : i32
        %dma_wait3A_966 = arith.constant 0 : i32
        %dma_wait3A_967 = arith.constant 0 : i32
        %dma_wait3A_968 = arith.constant 0 : i32
        %dma_wait3A_969 = tpu.memref_slice %arg7[%dma_wait3A_962, %dma_wait3A_963, %dma_wait3A_967, %dma_wait3A_968] : memref<4x4x8x129xf32, #tpu.memory_space<vmem>> -> memref<1x1x8x128xf32, #tpu.memory_space<vmem>>
        %dma_wait3A_970 = tpu.memref_squeeze %dma_wait3A_969 : memref<1x1x8x128xf32, #tpu.memory_space<vmem>> -> memref<8x128xf32, #tpu.memory_space<vmem>>
        %dma_wait3A_971 = arith.constant 0 : i32
        %dma_wait3A_972 = arith.constant 0 : i32
        %dma_wait3A_973 = tpu.memref_slice %arg4[%dma_wait3A_964, %dma_wait3A_965, %dma_wait3A_966, %dma_wait3A_971, %dma_wait3A_972] : memref<100x4x128x8x128xf32, #tpu.memory_space<hbm>> -> memref<1x1x1x8x128xf32, #tpu.memory_space<hbm>>
        %dma_wait3A_974 = tpu.memref_squeeze %dma_wait3A_973 : memref<1x1x1x8x128xf32, #tpu.memory_space<hbm>> -> memref<8x128xf32, #tpu.memory_space<hbm>>
        %dma_wait3A_975 = arith.constant 0 : i32
        %dma_wait3A_976 = arith.constant 0 : i32
        %dma_wait3A_977 = tpu.memref_slice %arg4[%dma_wait3A_964, %dma_wait3A_965, %dma_wait3A_966, %dma_wait3A_975, %dma_wait3A_976] : memref<100x4x128x8x128xf32, #tpu.memory_space<hbm>> -> memref<1x1x1x8x128xf32, #tpu.memory_space<hbm>>
        %dma_wait3A_978 = tpu.memref_squeeze %dma_wait3A_977 : memref<1x1x1x8x128xf32, #tpu.memory_space<hbm>> -> memref<8x128xf32, #tpu.memory_space<hbm>>
        %dma_wait3A_979 = arith.constant 0 : i32
        %dma_wait3A_980 = arith.constant 0 : i32
        %dma_wait3A_981 = tpu.memref_slice %arg7[%dma_wait3A_962, %dma_wait3A_963, %dma_wait3A_979, %dma_wait3A_980] : memref<4x4x8x129xf32, #tpu.memory_space<vmem>> -> memref<1x1x8x128xf32, #tpu.memory_space<vmem>>
        %dma_wait3A_982 = tpu.memref_squeeze %dma_wait3A_981 : memref<1x1x8x128xf32, #tpu.memory_space<vmem>> -> memref<8x128xf32, #tpu.memory_space<vmem>>
        tpu.wait_dma2 semaphore(%arg13 : memref<!tpu.dma_semaphore, #tpu.memory_space<semaphore_mem>>) src(%dma_wait3A_982 : memref<8x128xf32, #tpu.memory_space<vmem>>) dst(%dma_wait3A_978 : memref<8x128xf32, #tpu.memory_space<hbm>>)
        %dma_wait3A_983 = arith.constant 1 : i32
        %dma_wait3A_984 = arith.constant 2 : i32
        %dma_wait3A_985 = arith.constant 0 : i32
        %dma_wait3A_986 = arith.constant 2 : i32
        %dma_wait3A_987 = arith.constant 0 : i32
        %dma_wait3A_988 = arith.constant 0 : i32
        %dma_wait3A_989 = arith.constant 0 : i32
        %dma_wait3A_990 = tpu.memref_slice %arg7[%dma_wait3A_983, %dma_wait3A_984, %dma_wait3A_988, %dma_wait3A_989] : memref<4x4x8x129xf32, #tpu.memory_space<vmem>> -> memref<1x1x8x128xf32, #tpu.memory_space<vmem>>
        %dma_wait3A_991 = tpu.memref_squeeze %dma_wait3A_990 : memref<1x1x8x128xf32, #tpu.memory_space<vmem>> -> memref<8x128xf32, #tpu.memory_space<vmem>>
        %dma_wait3A_992 = arith.constant 0 : i32
        %dma_wait3A_993 = arith.constant 0 : i32
        %dma_wait3A_994 = tpu.memref_slice %arg4[%dma_wait3A_985, %dma_wait3A_986, %dma_wait3A_987, %dma_wait3A_992, %dma_wait3A_993] : memref<100x4x128x8x128xf32, #tpu.memory_space<hbm>> -> memref<1x1x1x8x128xf32, #tpu.memory_space<hbm>>
        %dma_wait3A_995 = tpu.memref_squeeze %dma_wait3A_994 : memref<1x1x1x8x128xf32, #tpu.memory_space<hbm>> -> memref<8x128xf32, #tpu.memory_space<hbm>>
        %dma_wait3A_996 = arith.constant 0 : i32
        %dma_wait3A_997 = arith.constant 0 : i32
        %dma_wait3A_998 = tpu.memref_slice %arg4[%dma_wait3A_985, %dma_wait3A_986, %dma_wait3A_987, %dma_wait3A_996, %dma_wait3A_997] : memref<100x4x128x8x128xf32, #tpu.memory_space<hbm>> -> memref<1x1x1x8x128xf32, #tpu.memory_space<hbm>>
        %dma_wait3A_999 = tpu.memref_squeeze %dma_wait3A_998 : memref<1x1x1x8x128xf32, #tpu.memory_space<hbm>> -> memref<8x128xf32, #tpu.memory_space<hbm>>
        %dma_wait3A_1000 = arith.constant 0 : i32
        %dma_wait3A_1001 = arith.constant 0 : i32
        %dma_wait3A_1002 = tpu.memref_slice %arg7[%dma_wait3A_983, %dma_wait3A_984, %dma_wait3A_1000, %dma_wait3A_1001] : memref<4x4x8x129xf32, #tpu.memory_space<vmem>> -> memref<1x1x8x128xf32, #tpu.memory_space<vmem>>
        %dma_wait3A_1003 = tpu.memref_squeeze %dma_wait3A_1002 : memref<1x1x8x128xf32, #tpu.memory_space<vmem>> -> memref<8x128xf32, #tpu.memory_space<vmem>>
        tpu.wait_dma2 semaphore(%arg13 : memref<!tpu.dma_semaphore, #tpu.memory_space<semaphore_mem>>) src(%dma_wait3A_1003 : memref<8x128xf32, #tpu.memory_space<vmem>>) dst(%dma_wait3A_999 : memref<8x128xf32, #tpu.memory_space<hbm>>)
        %dma_wait3A_1004 = arith.constant 1 : i32
        %dma_wait3A_1005 = arith.constant 3 : i32
        %dma_wait3A_1006 = arith.constant 0 : i32
        %dma_wait3A_1007 = arith.constant 3 : i32
        %dma_wait3A_1008 = arith.constant 0 : i32
        %dma_wait3A_1009 = arith.constant 0 : i32
        %dma_wait3A_1010 = arith.constant 0 : i32
        %dma_wait3A_1011 = tpu.memref_slice %arg7[%dma_wait3A_1004, %dma_wait3A_1005, %dma_wait3A_1009, %dma_wait3A_1010] : memref<4x4x8x129xf32, #tpu.memory_space<vmem>> -> memref<1x1x8x128xf32, #tpu.memory_space<vmem>>
        %dma_wait3A_1012 = tpu.memref_squeeze %dma_wait3A_1011 : memref<1x1x8x128xf32, #tpu.memory_space<vmem>> -> memref<8x128xf32, #tpu.memory_space<vmem>>
        %dma_wait3A_1013 = arith.constant 0 : i32
        %dma_wait3A_1014 = arith.constant 0 : i32
        %dma_wait3A_1015 = tpu.memref_slice %arg4[%dma_wait3A_1006, %dma_wait3A_1007, %dma_wait3A_1008, %dma_wait3A_1013, %dma_wait3A_1014] : memref<100x4x128x8x128xf32, #tpu.memory_space<hbm>> -> memref<1x1x1x8x128xf32, #tpu.memory_space<hbm>>
        %dma_wait3A_1016 = tpu.memref_squeeze %dma_wait3A_1015 : memref<1x1x1x8x128xf32, #tpu.memory_space<hbm>> -> memref<8x128xf32, #tpu.memory_space<hbm>>
        %dma_wait3A_1017 = arith.constant 0 : i32
        %dma_wait3A_1018 = arith.constant 0 : i32
        %dma_wait3A_1019 = tpu.memref_slice %arg4[%dma_wait3A_1006, %dma_wait3A_1007, %dma_wait3A_1008, %dma_wait3A_1017, %dma_wait3A_1018] : memref<100x4x128x8x128xf32, #tpu.memory_space<hbm>> -> memref<1x1x1x8x128xf32, #tpu.memory_space<hbm>>
        %dma_wait3A_1020 = tpu.memref_squeeze %dma_wait3A_1019 : memref<1x1x1x8x128xf32, #tpu.memory_space<hbm>> -> memref<8x128xf32, #tpu.memory_space<hbm>>
        %dma_wait3A_1021 = arith.constant 0 : i32
        %dma_wait3A_1022 = arith.constant 0 : i32
        %dma_wait3A_1023 = tpu.memref_slice %arg7[%dma_wait3A_1004, %dma_wait3A_1005, %dma_wait3A_1021, %dma_wait3A_1022] : memref<4x4x8x129xf32, #tpu.memory_space<vmem>> -> memref<1x1x8x128xf32, #tpu.memory_space<vmem>>
        %dma_wait3A_1024 = tpu.memref_squeeze %dma_wait3A_1023 : memref<1x1x8x128xf32, #tpu.memory_space<vmem>> -> memref<8x128xf32, #tpu.memory_space<vmem>>
        tpu.wait_dma2 semaphore(%arg13 : memref<!tpu.dma_semaphore, #tpu.memory_space<semaphore_mem>>) src(%dma_wait3A_1024 : memref<8x128xf32, #tpu.memory_space<vmem>>) dst(%dma_wait3A_1020 : memref<8x128xf32, #tpu.memory_space<hbm>>)
      } else {
      }
      %parallel_loop3A_583 = arith.constant 0 : i32
      %parallel_loop3A_584 = arith.constant 128 : i32
      %parallel_loop3A_585 = arith.constant 1 : i32
      scf.for %parallel_loop3A_941 = %parallel_loop3A_583 to %parallel_loop3A_584 step %parallel_loop3A_585  : i32 {
        %parallel_loop3A_942 = arith.constant 1 : i32
        %parallel_loop3A_943 = arith.index_cast %parallel_loop3A_942 : i32 to index
        %parallel_loop3A_944 = arith.index_cast %parallel_loop3A_941 : i32 to index
        %parallel_loop3A_945 = arith.constant 0 : index
        %parallel_loop3A_946 = tpu.vector_load %arg6[%parallel_loop3A_943, %parallel_loop3A_944, %parallel_loop3A_945] {strides = array<i32>} : memref<4x128x32xf32, #tpu.memory_space<vmem>>, vector<16xf32>,
        %parallel_loop3A_947 = vector.broadcast %parallel_loop3A_941 : i32 to vector<16xi32>
        %parallel_loop3A_948 = arith.addi %mul3A_18, %parallel_loop3A_947 : vector<16xi32>
        %parallel_loop3A_949 = arith.constant 1 : i32
        %parallel_loop3A_950 = arith.constant 0 : i32
        %parallel_loop3A_951 = arith.constant 0 : i32
        %parallel_loop3A_952 = arith.constant 0 : i32
        %parallel_loop3A_953 = tpu.memref_slice %arg7[%parallel_loop3A_949, %parallel_loop3A_950, %parallel_loop3A_951, %parallel_loop3A_952] : memref<4x4x8x129xf32, #tpu.memory_space<vmem>> -> memref<1x4x8x129xf32, #tpu.memory_space<vmem>>
        %parallel_loop3A_954 = tpu.memref_squeeze %parallel_loop3A_953 : memref<1x4x8x129xf32, #tpu.memory_space<vmem>> -> memref<4x8x129xf32, #tpu.memory_space<vmem>>
        tpu.vector_store_idx %parallel_loop3A_954[%add3A_9, %and3A_4, %parallel_loop3A_948], %parallel_loop3A_946 : memref<4x8x129xf32, #tpu.memory_space<vmem>>[vector<16xi32>, vector<16xi32>, vector<16xi32>], vector<16xf32>,
        %parallel_loop3A_955 = arith.constant 1 : i32
        %parallel_loop3A_956 = arith.index_cast %parallel_loop3A_955 : i32 to index
        %parallel_loop3A_957 = arith.index_cast %parallel_loop3A_941 : i32 to index
        %parallel_loop3A_958 = arith.constant 16 : index
        %parallel_loop3A_959 = tpu.vector_load %arg6[%parallel_loop3A_956, %parallel_loop3A_957, %parallel_loop3A_958] {strides = array<i32>} : memref<4x128x32xf32, #tpu.memory_space<vmem>>, vector<16xf32>,
        %parallel_loop3A_960 = vector.broadcast %parallel_loop3A_941 : i32 to vector<16xi32>
        %parallel_loop3A_961 = arith.addi %mul3A_18, %parallel_loop3A_960 : vector<16xi32>
        %parallel_loop3A_962 = arith.constant 1 : i32
        %parallel_loop3A_963 = arith.constant 0 : i32
        %parallel_loop3A_964 = arith.constant 0 : i32
        %parallel_loop3A_965 = arith.constant 0 : i32
        %parallel_loop3A_966 = tpu.memref_slice %arg7[%parallel_loop3A_962, %parallel_loop3A_963, %parallel_loop3A_964, %parallel_loop3A_965] : memref<4x4x8x129xf32, #tpu.memory_space<vmem>> -> memref<1x4x8x129xf32, #tpu.memory_space<vmem>>
        %parallel_loop3A_967 = tpu.memref_squeeze %parallel_loop3A_966 : memref<1x4x8x129xf32, #tpu.memory_space<vmem>> -> memref<4x8x129xf32, #tpu.memory_space<vmem>>
        tpu.vector_store_idx %parallel_loop3A_967[%add3A_15, %and3A_4, %parallel_loop3A_961], %parallel_loop3A_959 : memref<4x8x129xf32, #tpu.memory_space<vmem>>[vector<16xi32>, vector<16xi32>, vector<16xi32>], vector<16xf32>,
      } {sc.loop_unroll_factor = 8 : i64, sc.parallel_access}
      %dma_start3A_586 = arith.constant 1 : i32
      %dma_start3A_587 = arith.constant 0 : i32
      %dma_start3A_588 = arith.constant 0 : i32
      %dma_start3A_589 = arith.constant 0 : i32
      %dma_start3A_590 = arith.constant 0 : i32
      %dma_start3A_591 = tpu.memref_slice %arg7[%dma_start3A_586, %dma_start3A_587, %dma_start3A_589, %dma_start3A_590] : memref<4x4x8x129xf32, #tpu.memory_space<vmem>> -> memref<1x1x8x128xf32, #tpu.memory_space<vmem>>
      %dma_start3A_592 = tpu.memref_squeeze %dma_start3A_591 : memref<1x1x8x128xf32, #tpu.memory_space<vmem>> -> memref<8x128xf32, #tpu.memory_space<vmem>>
      %dma_start3A_593 = arith.constant 0 : i32
      %dma_start3A_594 = arith.constant 0 : i32
      %dma_start3A_595 = tpu.memref_slice %arg4[%select_n3A_559, %dma_start3A_588, %sub3A_562, %dma_start3A_593, %dma_start3A_594] : memref<100x4x128x8x128xf32, #tpu.memory_space<hbm>> -> memref<1x1x1x8x128xf32, #tpu.memory_space<hbm>>
      %dma_start3A_596 = tpu.memref_squeeze %dma_start3A_595 : memref<1x1x1x8x128xf32, #tpu.memory_space<hbm>> -> memref<8x128xf32, #tpu.memory_space<hbm>>
      %dma_start3A_597 = arith.constant 0 : i32
      %dma_start3A_598 = arith.constant 0 : i32
      %dma_start3A_599 = tpu.memref_slice %arg4[%select_n3A_559, %dma_start3A_588, %sub3A_562, %dma_start3A_597, %dma_start3A_598] : memref<100x4x128x8x128xf32, #tpu.memory_space<hbm>> -> memref<1x1x1x8x128xf32, #tpu.memory_space<hbm>>
      %dma_start3A_600 = tpu.memref_squeeze %dma_start3A_599 : memref<1x1x1x8x128xf32, #tpu.memory_space<hbm>> -> memref<8x128xf32, #tpu.memory_space<hbm>>
      %dma_start3A_601 = arith.constant 0 : i32
      %dma_start3A_602 = arith.constant 0 : i32
      %dma_start3A_603 = tpu.memref_slice %arg7[%dma_start3A_586, %dma_start3A_587, %dma_start3A_601, %dma_start3A_602] : memref<4x4x8x129xf32, #tpu.memory_space<vmem>> -> memref<1x1x8x128xf32, #tpu.memory_space<vmem>>
      %dma_start3A_604 = tpu.memref_squeeze %dma_start3A_603 : memref<1x1x8x128xf32, #tpu.memory_space<vmem>> -> memref<8x128xf32, #tpu.memory_space<vmem>>
      tpu.enqueue_dma source(%dma_start3A_604 : memref<8x128xf32, #tpu.memory_space<vmem>>) target(%dma_start3A_600 : memref<8x128xf32, #tpu.memory_space<hbm>>) target_semaphore(%arg13 : memref<!tpu.dma_semaphore, #tpu.memory_space<semaphore_mem>>)
      %dma_start3A_605 = arith.constant 1 : i32
      %dma_start3A_606 = arith.constant 1 : i32
      %dma_start3A_607 = arith.constant 1 : i32
      %dma_start3A_608 = arith.constant 0 : i32
      %dma_start3A_609 = arith.constant 0 : i32
      %dma_start3A_610 = tpu.memref_slice %arg7[%dma_start3A_605, %dma_start3A_606, %dma_start3A_608, %dma_start3A_609] : memref<4x4x8x129xf32, #tpu.memory_space<vmem>> -> memref<1x1x8x128xf32, #tpu.memory_space<vmem>>
      %dma_start3A_611 = tpu.memref_squeeze %dma_start3A_610 : memref<1x1x8x128xf32, #tpu.memory_space<vmem>> -> memref<8x128xf32, #tpu.memory_space<vmem>>
      %dma_start3A_612 = arith.constant 0 : i32
      %dma_start3A_613 = arith.constant 0 : i32
      %dma_start3A_614 = tpu.memref_slice %arg4[%select_n3A_559, %dma_start3A_607, %sub3A_562, %dma_start3A_612, %dma_start3A_613] : memref<100x4x128x8x128xf32, #tpu.memory_space<hbm>> -> memref<1x1x1x8x128xf32, #tpu.memory_space<hbm>>
      %dma_start3A_615 = tpu.memref_squeeze %dma_start3A_614 : memref<1x1x1x8x128xf32, #tpu.memory_space<hbm>> -> memref<8x128xf32, #tpu.memory_space<hbm>>
      %dma_start3A_616 = arith.constant 0 : i32
      %dma_start3A_617 = arith.constant 0 : i32
      %dma_start3A_618 = tpu.memref_slice %arg4[%select_n3A_559, %dma_start3A_607, %sub3A_562, %dma_start3A_616, %dma_start3A_617] : memref<100x4x128x8x128xf32, #tpu.memory_space<hbm>> -> memref<1x1x1x8x128xf32, #tpu.memory_space<hbm>>
      %dma_start3A_619 = tpu.memref_squeeze %dma_start3A_618 : memref<1x1x1x8x128xf32, #tpu.memory_space<hbm>> -> memref<8x128xf32, #tpu.memory_space<hbm>>
      %dma_start3A_620 = arith.constant 0 : i32
      %dma_start3A_621 = arith.constant 0 : i32
      %dma_start3A_622 = tpu.memref_slice %arg7[%dma_start3A_605, %dma_start3A_606, %dma_start3A_620, %dma_start3A_621] : memref<4x4x8x129xf32, #tpu.memory_space<vmem>> -> memref<1x1x8x128xf32, #tpu.memory_space<vmem>>
      %dma_start3A_623 = tpu.memref_squeeze %dma_start3A_622 : memref<1x1x8x128xf32, #tpu.memory_space<vmem>> -> memref<8x128xf32, #tpu.memory_space<vmem>>
      tpu.enqueue_dma source(%dma_start3A_623 : memref<8x128xf32, #tpu.memory_space<vmem>>) target(%dma_start3A_619 : memref<8x128xf32, #tpu.memory_space<hbm>>) target_semaphore(%arg13 : memref<!tpu.dma_semaphore, #tpu.memory_space<semaphore_mem>>)
      %dma_start3A_624 = arith.constant 1 : i32
      %dma_start3A_625 = arith.constant 2 : i32
      %dma_start3A_626 = arith.constant 2 : i32
      %dma_start3A_627 = arith.constant 0 : i32
      %dma_start3A_628 = arith.constant 0 : i32
      %dma_start3A_629 = tpu.memref_slice %arg7[%dma_start3A_624, %dma_start3A_625, %dma_start3A_627, %dma_start3A_628] : memref<4x4x8x129xf32, #tpu.memory_space<vmem>> -> memref<1x1x8x128xf32, #tpu.memory_space<vmem>>
      %dma_start3A_630 = tpu.memref_squeeze %dma_start3A_629 : memref<1x1x8x128xf32, #tpu.memory_space<vmem>> -> memref<8x128xf32, #tpu.memory_space<vmem>>
      %dma_start3A_631 = arith.constant 0 : i32
      %dma_start3A_632 = arith.constant 0 : i32
      %dma_start3A_633 = tpu.memref_slice %arg4[%select_n3A_559, %dma_start3A_626, %sub3A_562, %dma_start3A_631, %dma_start3A_632] : memref<100x4x128x8x128xf32, #tpu.memory_space<hbm>> -> memref<1x1x1x8x128xf32, #tpu.memory_space<hbm>>
      %dma_start3A_634 = tpu.memref_squeeze %dma_start3A_633 : memref<1x1x1x8x128xf32, #tpu.memory_space<hbm>> -> memref<8x128xf32, #tpu.memory_space<hbm>>
      %dma_start3A_635 = arith.constant 0 : i32
      %dma_start3A_636 = arith.constant 0 : i32
      %dma_start3A_637 = tpu.memref_slice %arg4[%select_n3A_559, %dma_start3A_626, %sub3A_562, %dma_start3A_635, %dma_start3A_636] : memref<100x4x128x8x128xf32, #tpu.memory_space<hbm>> -> memref<1x1x1x8x128xf32, #tpu.memory_space<hbm>>
      %dma_start3A_638 = tpu.memref_squeeze %dma_start3A_637 : memref<1x1x1x8x128xf32, #tpu.memory_space<hbm>> -> memref<8x128xf32, #tpu.memory_space<hbm>>
      %dma_start3A_639 = arith.constant 0 : i32
      %dma_start3A_640 = arith.constant 0 : i32
      %dma_start3A_641 = tpu.memref_slice %arg7[%dma_start3A_624, %dma_start3A_625, %dma_start3A_639, %dma_start3A_640] : memref<4x4x8x129xf32, #tpu.memory_space<vmem>> -> memref<1x1x8x128xf32, #tpu.memory_space<vmem>>
      %dma_start3A_642 = tpu.memref_squeeze %dma_start3A_641 : memref<1x1x8x128xf32, #tpu.memory_space<vmem>> -> memref<8x128xf32, #tpu.memory_space<vmem>>
      tpu.enqueue_dma source(%dma_start3A_642 : memref<8x128xf32, #tpu.memory_space<vmem>>) target(%dma_start3A_638 : memref<8x128xf32, #tpu.memory_space<hbm>>) target_semaphore(%arg13 : memref<!tpu.dma_semaphore, #tpu.memory_space<semaphore_mem>>)
      %dma_start3A_643 = arith.constant 1 : i32
      %dma_start3A_644 = arith.constant 3 : i32
      %dma_start3A_645 = arith.constant 3 : i32
      %dma_start3A_646 = arith.constant 0 : i32
      %dma_start3A_647 = arith.constant 0 : i32
      %dma_start3A_648 = tpu.memref_slice %arg7[%dma_start3A_643, %dma_start3A_644, %dma_start3A_646, %dma_start3A_647] : memref<4x4x8x129xf32, #tpu.memory_space<vmem>> -> memref<1x1x8x128xf32, #tpu.memory_space<vmem>>
      %dma_start3A_649 = tpu.memref_squeeze %dma_start3A_648 : memref<1x1x8x128xf32, #tpu.memory_space<vmem>> -> memref<8x128xf32, #tpu.memory_space<vmem>>
      %dma_start3A_650 = arith.constant 0 : i32
      %dma_start3A_651 = arith.constant 0 : i32
      %dma_start3A_652 = tpu.memref_slice %arg4[%select_n3A_559, %dma_start3A_645, %sub3A_562, %dma_start3A_650, %dma_start3A_651] : memref<100x4x128x8x128xf32, #tpu.memory_space<hbm>> -> memref<1x1x1x8x128xf32, #tpu.memory_space<hbm>>
      %dma_start3A_653 = tpu.memref_squeeze %dma_start3A_652 : memref<1x1x1x8x128xf32, #tpu.memory_space<hbm>> -> memref<8x128xf32, #tpu.memory_space<hbm>>
      %dma_start3A_654 = arith.constant 0 : i32
      %dma_start3A_655 = arith.constant 0 : i32
      %dma_start3A_656 = tpu.memref_slice %arg4[%select_n3A_559, %dma_start3A_645, %sub3A_562, %dma_start3A_654, %dma_start3A_655] : memref<100x4x128x8x128xf32, #tpu.memory_space<hbm>> -> memref<1x1x1x8x128xf32, #tpu.memory_space<hbm>>
      %dma_start3A_657 = tpu.memref_squeeze %dma_start3A_656 : memref<1x1x1x8x128xf32, #tpu.memory_space<hbm>> -> memref<8x128xf32, #tpu.memory_space<hbm>>
      %dma_start3A_658 = arith.constant 0 : i32
      %dma_start3A_659 = arith.constant 0 : i32
      %dma_start3A_660 = tpu.memref_slice %arg7[%dma_start3A_643, %dma_start3A_644, %dma_start3A_658, %dma_start3A_659] : memref<4x4x8x129xf32, #tpu.memory_space<vmem>> -> memref<1x1x8x128xf32, #tpu.memory_space<vmem>>
      %dma_start3A_661 = tpu.memref_squeeze %dma_start3A_660 : memref<1x1x8x128xf32, #tpu.memory_space<vmem>> -> memref<8x128xf32, #tpu.memory_space<vmem>>
      tpu.enqueue_dma source(%dma_start3A_661 : memref<8x128xf32, #tpu.memory_space<vmem>>) target(%dma_start3A_657 : memref<8x128xf32, #tpu.memory_space<hbm>>) target_semaphore(%arg13 : memref<!tpu.dma_semaphore, #tpu.memory_space<semaphore_mem>>)
      %add3A_662 = arith.constant 4 : i32
      %add3A_663 = arith.addi %add3A_534, %add3A_662 : i32
      %lt3A_664 = arith.constant 400 : i32
      %lt3A_665 = arith.cmpi slt, %add3A_663, %lt3A_664 : i32
      %convert_element_type3A_666 = arith.extui %lt3A_665 : i1 to i32
      %cond3A_667 = arith.constant 0 : i32
      %cond3A_668 = arith.cmpi ne, %convert_element_type3A_666, %cond3A_667 : i32
      scf.if %cond3A_668 {
        %add3A_941 = arith.constant 4 : i32
        %add3A_942 = arith.addi %add3A_534, %add3A_941 : i32
        %dma_start3A_943 = arith.constant 1 : i32
        %dma_start3A_944 = arith.constant 0 : i32
        %dma_start3A_945 = arith.constant 0 : i32
        %dma_start3A_946 = tpu.memref_slice %arg6[%dma_start3A_943, %dma_start3A_944, %dma_start3A_945] : memref<4x128x32xf32, #tpu.memory_space<vmem>> -> memref<1x128x32xf32, #tpu.memory_space<vmem>>
        %dma_start3A_947 = tpu.memref_squeeze %dma_start3A_946 : memref<1x128x32xf32, #tpu.memory_space<vmem>> -> memref<128x32xf32, #tpu.memory_space<vmem>>
        %dma_start3A_948 = arith.constant 0 : i32
        %dma_start3A_949 = tpu.memref_slice %arg5[%add3A_942, %dma_start3A_948] : memref<400x128xi32, #tpu.memory_space<vmem>> -> memref<1x128xi32, #tpu.memory_space<vmem>>
        %dma_start3A_950 = tpu.memref_squeeze %dma_start3A_949 : memref<1x128xi32, #tpu.memory_space<vmem>> -> memref<128xi32, #tpu.memory_space<vmem>>
        %dma_start3A_951 = arith.constant 0 : i32
        %dma_start3A_952 = arith.constant 0 : i32
        %dma_start3A_953 = tpu.memref_slice %arg3[%dma_start3A_951, %dma_start3A_952] : memref<4000000x32xf32, #tpu.memory_space<hbm>> -> memref<4000000x32xf32, #tpu.memory_space<hbm>>
        tpu.enqueue_indirect_dma source(%dma_start3A_953 : memref<4000000x32xf32, #tpu.memory_space<hbm>>) target(%dma_start3A_947 : memref<128x32xf32, #tpu.memory_space<vmem>>) offsets(%dma_start3A_950 : memref<128xi32, #tpu.memory_space<vmem>>) semaphore(%arg9 : memref<!tpu.dma_semaphore, #tpu.memory_space<semaphore_mem>>)
      } else {
      }
      %add3A_669 = arith.constant 2 : i32
      %add3A_670 = arith.addi %mul3A_408, %add3A_669 : i32
      %add3A_671 = arith.addi %mul3A_2, %add3A_670 : i32
      %jit3A_672 = arith.constant 128 : i32
      %div3A_673 = arith.divsi %add3A_671, %jit3A_672 : i32
      %sign3A_674 = arith.constant 0 : i32
      %sign3A_675 = arith.cmpi sgt, %add3A_671, %sign3A_674 : i32
      %sign3A_676 = arith.extui %sign3A_675 : i1 to i32
      %sign3A_677 = arith.constant 0 : i32
      %sign3A_678 = arith.cmpi slt, %add3A_671, %sign3A_677 : i32
      %sign3A_679 = arith.extui %sign3A_678 : i1 to i32
      %sign3A_680 = arith.subi %sign3A_676, %sign3A_679 : i32
      %sign3A_681 = arith.constant 0 : i32
      %sign3A_682 = arith.cmpi sgt, %jit3A_672, %sign3A_681 : i32
      %sign3A_683 = arith.extui %sign3A_682 : i1 to i32
      %sign3A_684 = arith.constant 0 : i32
      %sign3A_685 = arith.cmpi slt, %jit3A_672, %sign3A_684 : i32
      %sign3A_686 = arith.extui %sign3A_685 : i1 to i32
      %sign3A_687 = arith.subi %sign3A_683, %sign3A_686 : i32
      %ne3A_688 = arith.cmpi ne, %sign3A_680, %sign3A_687 : i32
      %rem3A_689 = arith.remsi %add3A_671, %jit3A_672 : i32
      %ne3A_690 = arith.constant 0 : i32
      %ne3A_691 = arith.cmpi ne, %rem3A_689, %ne3A_690 : i32
      %and3A_692 = arith.andi %ne3A_688, %ne3A_691 : i1
      %sub3A_693 = arith.constant 1 : i32
      %sub3A_694 = arith.subi %div3A_673, %sub3A_693 : i32
      %select_n3A_695 = arith.select %and3A_692, %sub3A_694, %div3A_673 : i32
      %mul3A_696 = arith.constant 128 : i32
      %mul3A_697 = arith.muli %select_n3A_695, %mul3A_696 : i32
      %sub3A_698 = arith.subi %add3A_671, %mul3A_697 : i32
      %dma_wait3A_699 = arith.constant 2 : i32
      %dma_wait3A_700 = arith.constant 0 : i32
      %dma_wait3A_701 = arith.constant 0 : i32
      %dma_wait3A_702 = tpu.memref_slice %arg6[%dma_wait3A_699, %dma_wait3A_700, %dma_wait3A_701] : memref<4x128x32xf32, #tpu.memory_space<vmem>> -> memref<1x128x32xf32, #tpu.memory_space<vmem>>
      %dma_wait3A_703 = tpu.memref_squeeze %dma_wait3A_702 : memref<1x128x32xf32, #tpu.memory_space<vmem>> -> memref<128x32xf32, #tpu.memory_space<vmem>>
      %dma_wait3A_704 = arith.constant 0 : i32
      %dma_wait3A_705 = arith.constant 0 : i32
      %dma_wait3A_706 = tpu.memref_slice %arg3[%dma_wait3A_704, %dma_wait3A_705] : memref<4000000x32xf32, #tpu.memory_space<hbm>> -> memref<128x32xf32, #tpu.memory_space<hbm>>
      %dma_wait3A_707 = arith.constant 0 : i32
      %dma_wait3A_708 = arith.constant 0 : i32
      %dma_wait3A_709 = tpu.memref_slice %arg6[%dma_wait3A_699, %dma_wait3A_707, %dma_wait3A_708] : memref<4x128x32xf32, #tpu.memory_space<vmem>> -> memref<1x128x32xf32, #tpu.memory_space<vmem>>
      %dma_wait3A_710 = tpu.memref_squeeze %dma_wait3A_709 : memref<1x128x32xf32, #tpu.memory_space<vmem>> -> memref<128x32xf32, #tpu.memory_space<vmem>>
      %dma_wait3A_711 = arith.constant 0 : i32
      %dma_wait3A_712 = arith.constant 0 : i32
      %dma_wait3A_713 = tpu.memref_slice %arg3[%dma_wait3A_711, %dma_wait3A_712] : memref<4000000x32xf32, #tpu.memory_space<hbm>> -> memref<128x32xf32, #tpu.memory_space<hbm>>
      tpu.wait_dma2 semaphore(%arg10 : memref<!tpu.dma_semaphore, #tpu.memory_space<semaphore_mem>>) src(%dma_wait3A_713 : memref<128x32xf32, #tpu.memory_space<hbm>>) dst(%dma_wait3A_710 : memref<128x32xf32, #tpu.memory_space<vmem>>)
      %gt3A_714 = arith.constant 0 : i32
      %gt3A_715 = arith.cmpi sgt, %scan3A_406, %gt3A_714 : i32
      %convert_element_type3A_716 = arith.extui %gt3A_715 : i1 to i32
      %cond3A_717 = arith.constant 0 : i32
      %cond3A_718 = arith.cmpi ne, %convert_element_type3A_716, %cond3A_717 : i32
      scf.if %cond3A_718 {
        %dma_wait3A_941 = arith.constant 2 : i32
        %dma_wait3A_942 = arith.constant 0 : i32
        %dma_wait3A_943 = arith.constant 0 : i32
        %dma_wait3A_944 = arith.constant 0 : i32
        %dma_wait3A_945 = arith.constant 0 : i32
        %dma_wait3A_946 = arith.constant 0 : i32
        %dma_wait3A_947 = arith.constant 0 : i32
        %dma_wait3A_948 = tpu.memref_slice %arg7[%dma_wait3A_941, %dma_wait3A_942, %dma_wait3A_946, %dma_wait3A_947] : memref<4x4x8x129xf32, #tpu.memory_space<vmem>> -> memref<1x1x8x128xf32, #tpu.memory_space<vmem>>
        %dma_wait3A_949 = tpu.memref_squeeze %dma_wait3A_948 : memref<1x1x8x128xf32, #tpu.memory_space<vmem>> -> memref<8x128xf32, #tpu.memory_space<vmem>>
        %dma_wait3A_950 = arith.constant 0 : i32
        %dma_wait3A_951 = arith.constant 0 : i32
        %dma_wait3A_952 = tpu.memref_slice %arg4[%dma_wait3A_943, %dma_wait3A_944, %dma_wait3A_945, %dma_wait3A_950, %dma_wait3A_951] : memref<100x4x128x8x128xf32, #tpu.memory_space<hbm>> -> memref<1x1x1x8x128xf32, #tpu.memory_space<hbm>>
        %dma_wait3A_953 = tpu.memref_squeeze %dma_wait3A_952 : memref<1x1x1x8x128xf32, #tpu.memory_space<hbm>> -> memref<8x128xf32, #tpu.memory_space<hbm>>
        %dma_wait3A_954 = arith.constant 0 : i32
        %dma_wait3A_955 = arith.constant 0 : i32
        %dma_wait3A_956 = tpu.memref_slice %arg4[%dma_wait3A_943, %dma_wait3A_944, %dma_wait3A_945, %dma_wait3A_954, %dma_wait3A_955] : memref<100x4x128x8x128xf32, #tpu.memory_space<hbm>> -> memref<1x1x1x8x128xf32, #tpu.memory_space<hbm>>
        %dma_wait3A_957 = tpu.memref_squeeze %dma_wait3A_956 : memref<1x1x1x8x128xf32, #tpu.memory_space<hbm>> -> memref<8x128xf32, #tpu.memory_space<hbm>>
        %dma_wait3A_958 = arith.constant 0 : i32
        %dma_wait3A_959 = arith.constant 0 : i32
        %dma_wait3A_960 = tpu.memref_slice %arg7[%dma_wait3A_941, %dma_wait3A_942, %dma_wait3A_958, %dma_wait3A_959] : memref<4x4x8x129xf32, #tpu.memory_space<vmem>> -> memref<1x1x8x128xf32, #tpu.memory_space<vmem>>
        %dma_wait3A_961 = tpu.memref_squeeze %dma_wait3A_960 : memref<1x1x8x128xf32, #tpu.memory_space<vmem>> -> memref<8x128xf32, #tpu.memory_space<vmem>>
        tpu.wait_dma2 semaphore(%arg14 : memref<!tpu.dma_semaphore, #tpu.memory_space<semaphore_mem>>) src(%dma_wait3A_961 : memref<8x128xf32, #tpu.memory_space<vmem>>) dst(%dma_wait3A_957 : memref<8x128xf32, #tpu.memory_space<hbm>>)
        %dma_wait3A_962 = arith.constant 2 : i32
        %dma_wait3A_963 = arith.constant 1 : i32
        %dma_wait3A_964 = arith.constant 0 : i32
        %dma_wait3A_965 = arith.constant 1 : i32
        %dma_wait3A_966 = arith.constant 0 : i32
        %dma_wait3A_967 = arith.constant 0 : i32
        %dma_wait3A_968 = arith.constant 0 : i32
        %dma_wait3A_969 = tpu.memref_slice %arg7[%dma_wait3A_962, %dma_wait3A_963, %dma_wait3A_967, %dma_wait3A_968] : memref<4x4x8x129xf32, #tpu.memory_space<vmem>> -> memref<1x1x8x128xf32, #tpu.memory_space<vmem>>
        %dma_wait3A_970 = tpu.memref_squeeze %dma_wait3A_969 : memref<1x1x8x128xf32, #tpu.memory_space<vmem>> -> memref<8x128xf32, #tpu.memory_space<vmem>>
        %dma_wait3A_971 = arith.constant 0 : i32
        %dma_wait3A_972 = arith.constant 0 : i32
        %dma_wait3A_973 = tpu.memref_slice %arg4[%dma_wait3A_964, %dma_wait3A_965, %dma_wait3A_966, %dma_wait3A_971, %dma_wait3A_972] : memref<100x4x128x8x128xf32, #tpu.memory_space<hbm>> -> memref<1x1x1x8x128xf32, #tpu.memory_space<hbm>>
        %dma_wait3A_974 = tpu.memref_squeeze %dma_wait3A_973 : memref<1x1x1x8x128xf32, #tpu.memory_space<hbm>> -> memref<8x128xf32, #tpu.memory_space<hbm>>
        %dma_wait3A_975 = arith.constant 0 : i32
        %dma_wait3A_976 = arith.constant 0 : i32
        %dma_wait3A_977 = tpu.memref_slice %arg4[%dma_wait3A_964, %dma_wait3A_965, %dma_wait3A_966, %dma_wait3A_975, %dma_wait3A_976] : memref<100x4x128x8x128xf32, #tpu.memory_space<hbm>> -> memref<1x1x1x8x128xf32, #tpu.memory_space<hbm>>
        %dma_wait3A_978 = tpu.memref_squeeze %dma_wait3A_977 : memref<1x1x1x8x128xf32, #tpu.memory_space<hbm>> -> memref<8x128xf32, #tpu.memory_space<hbm>>
        %dma_wait3A_979 = arith.constant 0 : i32
        %dma_wait3A_980 = arith.constant 0 : i32
        %dma_wait3A_981 = tpu.memref_slice %arg7[%dma_wait3A_962, %dma_wait3A_963, %dma_wait3A_979, %dma_wait3A_980] : memref<4x4x8x129xf32, #tpu.memory_space<vmem>> -> memref<1x1x8x128xf32, #tpu.memory_space<vmem>>
        %dma_wait3A_982 = tpu.memref_squeeze %dma_wait3A_981 : memref<1x1x8x128xf32, #tpu.memory_space<vmem>> -> memref<8x128xf32, #tpu.memory_space<vmem>>
        tpu.wait_dma2 semaphore(%arg14 : memref<!tpu.dma_semaphore, #tpu.memory_space<semaphore_mem>>) src(%dma_wait3A_982 : memref<8x128xf32, #tpu.memory_space<vmem>>) dst(%dma_wait3A_978 : memref<8x128xf32, #tpu.memory_space<hbm>>)
        %dma_wait3A_983 = arith.constant 2 : i32
        %dma_wait3A_984 = arith.constant 2 : i32
        %dma_wait3A_985 = arith.constant 0 : i32
        %dma_wait3A_986 = arith.constant 2 : i32
        %dma_wait3A_987 = arith.constant 0 : i32
        %dma_wait3A_988 = arith.constant 0 : i32
        %dma_wait3A_989 = arith.constant 0 : i32
        %dma_wait3A_990 = tpu.memref_slice %arg7[%dma_wait3A_983, %dma_wait3A_984, %dma_wait3A_988, %dma_wait3A_989] : memref<4x4x8x129xf32, #tpu.memory_space<vmem>> -> memref<1x1x8x128xf32, #tpu.memory_space<vmem>>
        %dma_wait3A_991 = tpu.memref_squeeze %dma_wait3A_990 : memref<1x1x8x128xf32, #tpu.memory_space<vmem>> -> memref<8x128xf32, #tpu.memory_space<vmem>>
        %dma_wait3A_992 = arith.constant 0 : i32
        %dma_wait3A_993 = arith.constant 0 : i32
        %dma_wait3A_994 = tpu.memref_slice %arg4[%dma_wait3A_985, %dma_wait3A_986, %dma_wait3A_987, %dma_wait3A_992, %dma_wait3A_993] : memref<100x4x128x8x128xf32, #tpu.memory_space<hbm>> -> memref<1x1x1x8x128xf32, #tpu.memory_space<hbm>>
        %dma_wait3A_995 = tpu.memref_squeeze %dma_wait3A_994 : memref<1x1x1x8x128xf32, #tpu.memory_space<hbm>> -> memref<8x128xf32, #tpu.memory_space<hbm>>
        %dma_wait3A_996 = arith.constant 0 : i32
        %dma_wait3A_997 = arith.constant 0 : i32
        %dma_wait3A_998 = tpu.memref_slice %arg4[%dma_wait3A_985, %dma_wait3A_986, %dma_wait3A_987, %dma_wait3A_996, %dma_wait3A_997] : memref<100x4x128x8x128xf32, #tpu.memory_space<hbm>> -> memref<1x1x1x8x128xf32, #tpu.memory_space<hbm>>
        %dma_wait3A_999 = tpu.memref_squeeze %dma_wait3A_998 : memref<1x1x1x8x128xf32, #tpu.memory_space<hbm>> -> memref<8x128xf32, #tpu.memory_space<hbm>>
        %dma_wait3A_1000 = arith.constant 0 : i32
        %dma_wait3A_1001 = arith.constant 0 : i32
        %dma_wait3A_1002 = tpu.memref_slice %arg7[%dma_wait3A_983, %dma_wait3A_984, %dma_wait3A_1000, %dma_wait3A_1001] : memref<4x4x8x129xf32, #tpu.memory_space<vmem>> -> memref<1x1x8x128xf32, #tpu.memory_space<vmem>>
        %dma_wait3A_1003 = tpu.memref_squeeze %dma_wait3A_1002 : memref<1x1x8x128xf32, #tpu.memory_space<vmem>> -> memref<8x128xf32, #tpu.memory_space<vmem>>
        tpu.wait_dma2 semaphore(%arg14 : memref<!tpu.dma_semaphore, #tpu.memory_space<semaphore_mem>>) src(%dma_wait3A_1003 : memref<8x128xf32, #tpu.memory_space<vmem>>) dst(%dma_wait3A_999 : memref<8x128xf32, #tpu.memory_space<hbm>>)
        %dma_wait3A_1004 = arith.constant 2 : i32
        %dma_wait3A_1005 = arith.constant 3 : i32
        %dma_wait3A_1006 = arith.constant 0 : i32
        %dma_wait3A_1007 = arith.constant 3 : i32
        %dma_wait3A_1008 = arith.constant 0 : i32
        %dma_wait3A_1009 = arith.constant 0 : i32
        %dma_wait3A_1010 = arith.constant 0 : i32
        %dma_wait3A_1011 = tpu.memref_slice %arg7[%dma_wait3A_1004, %dma_wait3A_1005, %dma_wait3A_1009, %dma_wait3A_1010] : memref<4x4x8x129xf32, #tpu.memory_space<vmem>> -> memref<1x1x8x128xf32, #tpu.memory_space<vmem>>
        %dma_wait3A_1012 = tpu.memref_squeeze %dma_wait3A_1011 : memref<1x1x8x128xf32, #tpu.memory_space<vmem>> -> memref<8x128xf32, #tpu.memory_space<vmem>>
        %dma_wait3A_1013 = arith.constant 0 : i32
        %dma_wait3A_1014 = arith.constant 0 : i32
        %dma_wait3A_1015 = tpu.memref_slice %arg4[%dma_wait3A_1006, %dma_wait3A_1007, %dma_wait3A_1008, %dma_wait3A_1013, %dma_wait3A_1014] : memref<100x4x128x8x128xf32, #tpu.memory_space<hbm>> -> memref<1x1x1x8x128xf32, #tpu.memory_space<hbm>>
        %dma_wait3A_1016 = tpu.memref_squeeze %dma_wait3A_1015 : memref<1x1x1x8x128xf32, #tpu.memory_space<hbm>> -> memref<8x128xf32, #tpu.memory_space<hbm>>
        %dma_wait3A_1017 = arith.constant 0 : i32
        %dma_wait3A_1018 = arith.constant 0 : i32
        %dma_wait3A_1019 = tpu.memref_slice %arg4[%dma_wait3A_1006, %dma_wait3A_1007, %dma_wait3A_1008, %dma_wait3A_1017, %dma_wait3A_1018] : memref<100x4x128x8x128xf32, #tpu.memory_space<hbm>> -> memref<1x1x1x8x128xf32, #tpu.memory_space<hbm>>
        %dma_wait3A_1020 = tpu.memref_squeeze %dma_wait3A_1019 : memref<1x1x1x8x128xf32, #tpu.memory_space<hbm>> -> memref<8x128xf32, #tpu.memory_space<hbm>>
        %dma_wait3A_1021 = arith.constant 0 : i32
        %dma_wait3A_1022 = arith.constant 0 : i32
        %dma_wait3A_1023 = tpu.memref_slice %arg7[%dma_wait3A_1004, %dma_wait3A_1005, %dma_wait3A_1021, %dma_wait3A_1022] : memref<4x4x8x129xf32, #tpu.memory_space<vmem>> -> memref<1x1x8x128xf32, #tpu.memory_space<vmem>>
        %dma_wait3A_1024 = tpu.memref_squeeze %dma_wait3A_1023 : memref<1x1x8x128xf32, #tpu.memory_space<vmem>> -> memref<8x128xf32, #tpu.memory_space<vmem>>
        tpu.wait_dma2 semaphore(%arg14 : memref<!tpu.dma_semaphore, #tpu.memory_space<semaphore_mem>>) src(%dma_wait3A_1024 : memref<8x128xf32, #tpu.memory_space<vmem>>) dst(%dma_wait3A_1020 : memref<8x128xf32, #tpu.memory_space<hbm>>)
      } else {
      }
      %parallel_loop3A_719 = arith.constant 0 : i32
      %parallel_loop3A_720 = arith.constant 128 : i32
      %parallel_loop3A_721 = arith.constant 1 : i32
      scf.for %parallel_loop3A_941 = %parallel_loop3A_719 to %parallel_loop3A_720 step %parallel_loop3A_721  : i32 {
        %parallel_loop3A_942 = arith.constant 2 : i32
        %parallel_loop3A_943 = arith.index_cast %parallel_loop3A_942 : i32 to index
        %parallel_loop3A_944 = arith.index_cast %parallel_loop3A_941 : i32 to index
        %parallel_loop3A_945 = arith.constant 0 : index
        %parallel_loop3A_946 = tpu.vector_load %arg6[%parallel_loop3A_943, %parallel_loop3A_944, %parallel_loop3A_945] {strides = array<i32>} : memref<4x128x32xf32, #tpu.memory_space<vmem>>, vector<16xf32>,
        %parallel_loop3A_947 = vector.broadcast %parallel_loop3A_941 : i32 to vector<16xi32>
        %parallel_loop3A_948 = arith.addi %mul3A_18, %parallel_loop3A_947 : vector<16xi32>
        %parallel_loop3A_949 = arith.constant 2 : i32
        %parallel_loop3A_950 = arith.constant 0 : i32
        %parallel_loop3A_951 = arith.constant 0 : i32
        %parallel_loop3A_952 = arith.constant 0 : i32
        %parallel_loop3A_953 = tpu.memref_slice %arg7[%parallel_loop3A_949, %parallel_loop3A_950, %parallel_loop3A_951, %parallel_loop3A_952] : memref<4x4x8x129xf32, #tpu.memory_space<vmem>> -> memref<1x4x8x129xf32, #tpu.memory_space<vmem>>
        %parallel_loop3A_954 = tpu.memref_squeeze %parallel_loop3A_953 : memref<1x4x8x129xf32, #tpu.memory_space<vmem>> -> memref<4x8x129xf32, #tpu.memory_space<vmem>>
        tpu.vector_store_idx %parallel_loop3A_954[%add3A_9, %and3A_4, %parallel_loop3A_948], %parallel_loop3A_946 : memref<4x8x129xf32, #tpu.memory_space<vmem>>[vector<16xi32>, vector<16xi32>, vector<16xi32>], vector<16xf32>,
        %parallel_loop3A_955 = arith.constant 2 : i32
        %parallel_loop3A_956 = arith.index_cast %parallel_loop3A_955 : i32 to index
        %parallel_loop3A_957 = arith.index_cast %parallel_loop3A_941 : i32 to index
        %parallel_loop3A_958 = arith.constant 16 : index
        %parallel_loop3A_959 = tpu.vector_load %arg6[%parallel_loop3A_956, %parallel_loop3A_957, %parallel_loop3A_958] {strides = array<i32>} : memref<4x128x32xf32, #tpu.memory_space<vmem>>, vector<16xf32>,
        %parallel_loop3A_960 = vector.broadcast %parallel_loop3A_941 : i32 to vector<16xi32>
        %parallel_loop3A_961 = arith.addi %mul3A_18, %parallel_loop3A_960 : vector<16xi32>
        %parallel_loop3A_962 = arith.constant 2 : i32
        %parallel_loop3A_963 = arith.constant 0 : i32
        %parallel_loop3A_964 = arith.constant 0 : i32
        %parallel_loop3A_965 = arith.constant 0 : i32
        %parallel_loop3A_966 = tpu.memref_slice %arg7[%parallel_loop3A_962, %parallel_loop3A_963, %parallel_loop3A_964, %parallel_loop3A_965] : memref<4x4x8x129xf32, #tpu.memory_space<vmem>> -> memref<1x4x8x129xf32, #tpu.memory_space<vmem>>
        %parallel_loop3A_967 = tpu.memref_squeeze %parallel_loop3A_966 : memref<1x4x8x129xf32, #tpu.memory_space<vmem>> -> memref<4x8x129xf32, #tpu.memory_space<vmem>>
        tpu.vector_store_idx %parallel_loop3A_967[%add3A_15, %and3A_4, %parallel_loop3A_961], %parallel_loop3A_959 : memref<4x8x129xf32, #tpu.memory_space<vmem>>[vector<16xi32>, vector<16xi32>, vector<16xi32>], vector<16xf32>,
      } {sc.loop_unroll_factor = 8 : i64, sc.parallel_access}
      %dma_start3A_722 = arith.constant 2 : i32
      %dma_start3A_723 = arith.constant 0 : i32
      %dma_start3A_724 = arith.constant 0 : i32
      %dma_start3A_725 = arith.constant 0 : i32
      %dma_start3A_726 = arith.constant 0 : i32
      %dma_start3A_727 = tpu.memref_slice %arg7[%dma_start3A_722, %dma_start3A_723, %dma_start3A_725, %dma_start3A_726] : memref<4x4x8x129xf32, #tpu.memory_space<vmem>> -> memref<1x1x8x128xf32, #tpu.memory_space<vmem>>
      %dma_start3A_728 = tpu.memref_squeeze %dma_start3A_727 : memref<1x1x8x128xf32, #tpu.memory_space<vmem>> -> memref<8x128xf32, #tpu.memory_space<vmem>>
      %dma_start3A_729 = arith.constant 0 : i32
      %dma_start3A_730 = arith.constant 0 : i32
      %dma_start3A_731 = tpu.memref_slice %arg4[%select_n3A_695, %dma_start3A_724, %sub3A_698, %dma_start3A_729, %dma_start3A_730] : memref<100x4x128x8x128xf32, #tpu.memory_space<hbm>> -> memref<1x1x1x8x128xf32, #tpu.memory_space<hbm>>
      %dma_start3A_732 = tpu.memref_squeeze %dma_start3A_731 : memref<1x1x1x8x128xf32, #tpu.memory_space<hbm>> -> memref<8x128xf32, #tpu.memory_space<hbm>>
      %dma_start3A_733 = arith.constant 0 : i32
      %dma_start3A_734 = arith.constant 0 : i32
      %dma_start3A_735 = tpu.memref_slice %arg4[%select_n3A_695, %dma_start3A_724, %sub3A_698, %dma_start3A_733, %dma_start3A_734] : memref<100x4x128x8x128xf32, #tpu.memory_space<hbm>> -> memref<1x1x1x8x128xf32, #tpu.memory_space<hbm>>
      %dma_start3A_736 = tpu.memref_squeeze %dma_start3A_735 : memref<1x1x1x8x128xf32, #tpu.memory_space<hbm>> -> memref<8x128xf32, #tpu.memory_space<hbm>>
      %dma_start3A_737 = arith.constant 0 : i32
      %dma_start3A_738 = arith.constant 0 : i32
      %dma_start3A_739 = tpu.memref_slice %arg7[%dma_start3A_722, %dma_start3A_723, %dma_start3A_737, %dma_start3A_738] : memref<4x4x8x129xf32, #tpu.memory_space<vmem>> -> memref<1x1x8x128xf32, #tpu.memory_space<vmem>>
      %dma_start3A_740 = tpu.memref_squeeze %dma_start3A_739 : memref<1x1x8x128xf32, #tpu.memory_space<vmem>> -> memref<8x128xf32, #tpu.memory_space<vmem>>
      tpu.enqueue_dma source(%dma_start3A_740 : memref<8x128xf32, #tpu.memory_space<vmem>>) target(%dma_start3A_736 : memref<8x128xf32, #tpu.memory_space<hbm>>) target_semaphore(%arg14 : memref<!tpu.dma_semaphore, #tpu.memory_space<semaphore_mem>>)
      %dma_start3A_741 = arith.constant 2 : i32
      %dma_start3A_742 = arith.constant 1 : i32
      %dma_start3A_743 = arith.constant 1 : i32
      %dma_start3A_744 = arith.constant 0 : i32
      %dma_start3A_745 = arith.constant 0 : i32
      %dma_start3A_746 = tpu.memref_slice %arg7[%dma_start3A_741, %dma_start3A_742, %dma_start3A_744, %dma_start3A_745] : memref<4x4x8x129xf32, #tpu.memory_space<vmem>> -> memref<1x1x8x128xf32, #tpu.memory_space<vmem>>
      %dma_start3A_747 = tpu.memref_squeeze %dma_start3A_746 : memref<1x1x8x128xf32, #tpu.memory_space<vmem>> -> memref<8x128xf32, #tpu.memory_space<vmem>>
      %dma_start3A_748 = arith.constant 0 : i32
      %dma_start3A_749 = arith.constant 0 : i32
      %dma_start3A_750 = tpu.memref_slice %arg4[%select_n3A_695, %dma_start3A_743, %sub3A_698, %dma_start3A_748, %dma_start3A_749] : memref<100x4x128x8x128xf32, #tpu.memory_space<hbm>> -> memref<1x1x1x8x128xf32, #tpu.memory_space<hbm>>
      %dma_start3A_751 = tpu.memref_squeeze %dma_start3A_750 : memref<1x1x1x8x128xf32, #tpu.memory_space<hbm>> -> memref<8x128xf32, #tpu.memory_space<hbm>>
      %dma_start3A_752 = arith.constant 0 : i32
      %dma_start3A_753 = arith.constant 0 : i32
      %dma_start3A_754 = tpu.memref_slice %arg4[%select_n3A_695, %dma_start3A_743, %sub3A_698, %dma_start3A_752, %dma_start3A_753] : memref<100x4x128x8x128xf32, #tpu.memory_space<hbm>> -> memref<1x1x1x8x128xf32, #tpu.memory_space<hbm>>
      %dma_start3A_755 = tpu.memref_squeeze %dma_start3A_754 : memref<1x1x1x8x128xf32, #tpu.memory_space<hbm>> -> memref<8x128xf32, #tpu.memory_space<hbm>>
      %dma_start3A_756 = arith.constant 0 : i32
      %dma_start3A_757 = arith.constant 0 : i32
      %dma_start3A_758 = tpu.memref_slice %arg7[%dma_start3A_741, %dma_start3A_742, %dma_start3A_756, %dma_start3A_757] : memref<4x4x8x129xf32, #tpu.memory_space<vmem>> -> memref<1x1x8x128xf32, #tpu.memory_space<vmem>>
      %dma_start3A_759 = tpu.memref_squeeze %dma_start3A_758 : memref<1x1x8x128xf32, #tpu.memory_space<vmem>> -> memref<8x128xf32, #tpu.memory_space<vmem>>
      tpu.enqueue_dma source(%dma_start3A_759 : memref<8x128xf32, #tpu.memory_space<vmem>>) target(%dma_start3A_755 : memref<8x128xf32, #tpu.memory_space<hbm>>) target_semaphore(%arg14 : memref<!tpu.dma_semaphore, #tpu.memory_space<semaphore_mem>>)
      %dma_start3A_760 = arith.constant 2 : i32
      %dma_start3A_761 = arith.constant 2 : i32
      %dma_start3A_762 = arith.constant 2 : i32
      %dma_start3A_763 = arith.constant 0 : i32
      %dma_start3A_764 = arith.constant 0 : i32
      %dma_start3A_765 = tpu.memref_slice %arg7[%dma_start3A_760, %dma_start3A_761, %dma_start3A_763, %dma_start3A_764] : memref<4x4x8x129xf32, #tpu.memory_space<vmem>> -> memref<1x1x8x128xf32, #tpu.memory_space<vmem>>
      %dma_start3A_766 = tpu.memref_squeeze %dma_start3A_765 : memref<1x1x8x128xf32, #tpu.memory_space<vmem>> -> memref<8x128xf32, #tpu.memory_space<vmem>>
      %dma_start3A_767 = arith.constant 0 : i32
      %dma_start3A_768 = arith.constant 0 : i32
      %dma_start3A_769 = tpu.memref_slice %arg4[%select_n3A_695, %dma_start3A_762, %sub3A_698, %dma_start3A_767, %dma_start3A_768] : memref<100x4x128x8x128xf32, #tpu.memory_space<hbm>> -> memref<1x1x1x8x128xf32, #tpu.memory_space<hbm>>
      %dma_start3A_770 = tpu.memref_squeeze %dma_start3A_769 : memref<1x1x1x8x128xf32, #tpu.memory_space<hbm>> -> memref<8x128xf32, #tpu.memory_space<hbm>>
      %dma_start3A_771 = arith.constant 0 : i32
      %dma_start3A_772 = arith.constant 0 : i32
      %dma_start3A_773 = tpu.memref_slice %arg4[%select_n3A_695, %dma_start3A_762, %sub3A_698, %dma_start3A_771, %dma_start3A_772] : memref<100x4x128x8x128xf32, #tpu.memory_space<hbm>> -> memref<1x1x1x8x128xf32, #tpu.memory_space<hbm>>
      %dma_start3A_774 = tpu.memref_squeeze %dma_start3A_773 : memref<1x1x1x8x128xf32, #tpu.memory_space<hbm>> -> memref<8x128xf32, #tpu.memory_space<hbm>>
      %dma_start3A_775 = arith.constant 0 : i32
      %dma_start3A_776 = arith.constant 0 : i32
      %dma_start3A_777 = tpu.memref_slice %arg7[%dma_start3A_760, %dma_start3A_761, %dma_start3A_775, %dma_start3A_776] : memref<4x4x8x129xf32, #tpu.memory_space<vmem>> -> memref<1x1x8x128xf32, #tpu.memory_space<vmem>>
      %dma_start3A_778 = tpu.memref_squeeze %dma_start3A_777 : memref<1x1x8x128xf32, #tpu.memory_space<vmem>> -> memref<8x128xf32, #tpu.memory_space<vmem>>
      tpu.enqueue_dma source(%dma_start3A_778 : memref<8x128xf32, #tpu.memory_space<vmem>>) target(%dma_start3A_774 : memref<8x128xf32, #tpu.memory_space<hbm>>) target_semaphore(%arg14 : memref<!tpu.dma_semaphore, #tpu.memory_space<semaphore_mem>>)
      %dma_start3A_779 = arith.constant 2 : i32
      %dma_start3A_780 = arith.constant 3 : i32
      %dma_start3A_781 = arith.constant 3 : i32
      %dma_start3A_782 = arith.constant 0 : i32
      %dma_start3A_783 = arith.constant 0 : i32
      %dma_start3A_784 = tpu.memref_slice %arg7[%dma_start3A_779, %dma_start3A_780, %dma_start3A_782, %dma_start3A_783] : memref<4x4x8x129xf32, #tpu.memory_space<vmem>> -> memref<1x1x8x128xf32, #tpu.memory_space<vmem>>
      %dma_start3A_785 = tpu.memref_squeeze %dma_start3A_784 : memref<1x1x8x128xf32, #tpu.memory_space<vmem>> -> memref<8x128xf32, #tpu.memory_space<vmem>>
      %dma_start3A_786 = arith.constant 0 : i32
      %dma_start3A_787 = arith.constant 0 : i32
      %dma_start3A_788 = tpu.memref_slice %arg4[%select_n3A_695, %dma_start3A_781, %sub3A_698, %dma_start3A_786, %dma_start3A_787] : memref<100x4x128x8x128xf32, #tpu.memory_space<hbm>> -> memref<1x1x1x8x128xf32, #tpu.memory_space<hbm>>
      %dma_start3A_789 = tpu.memref_squeeze %dma_start3A_788 : memref<1x1x1x8x128xf32, #tpu.memory_space<hbm>> -> memref<8x128xf32, #tpu.memory_space<hbm>>
      %dma_start3A_790 = arith.constant 0 : i32
      %dma_start3A_791 = arith.constant 0 : i32
      %dma_start3A_792 = tpu.memref_slice %arg4[%select_n3A_695, %dma_start3A_781, %sub3A_698, %dma_start3A_790, %dma_start3A_791] : memref<100x4x128x8x128xf32, #tpu.memory_space<hbm>> -> memref<1x1x1x8x128xf32, #tpu.memory_space<hbm>>
      %dma_start3A_793 = tpu.memref_squeeze %dma_start3A_792 : memref<1x1x1x8x128xf32, #tpu.memory_space<hbm>> -> memref<8x128xf32, #tpu.memory_space<hbm>>
      %dma_start3A_794 = arith.constant 0 : i32
      %dma_start3A_795 = arith.constant 0 : i32
      %dma_start3A_796 = tpu.memref_slice %arg7[%dma_start3A_779, %dma_start3A_780, %dma_start3A_794, %dma_start3A_795] : memref<4x4x8x129xf32, #tpu.memory_space<vmem>> -> memref<1x1x8x128xf32, #tpu.memory_space<vmem>>
      %dma_start3A_797 = tpu.memref_squeeze %dma_start3A_796 : memref<1x1x8x128xf32, #tpu.memory_space<vmem>> -> memref<8x128xf32, #tpu.memory_space<vmem>>
      tpu.enqueue_dma source(%dma_start3A_797 : memref<8x128xf32, #tpu.memory_space<vmem>>) target(%dma_start3A_793 : memref<8x128xf32, #tpu.memory_space<hbm>>) target_semaphore(%arg14 : memref<!tpu.dma_semaphore, #tpu.memory_space<semaphore_mem>>)
      %add3A_798 = arith.constant 4 : i32
      %add3A_799 = arith.addi %add3A_670, %add3A_798 : i32
      %lt3A_800 = arith.constant 400 : i32
      %lt3A_801 = arith.cmpi slt, %add3A_799, %lt3A_800 : i32
      %convert_element_type3A_802 = arith.extui %lt3A_801 : i1 to i32
      %cond3A_803 = arith.constant 0 : i32
      %cond3A_804 = arith.cmpi ne, %convert_element_type3A_802, %cond3A_803 : i32
      scf.if %cond3A_804 {
        %add3A_941 = arith.constant 4 : i32
        %add3A_942 = arith.addi %add3A_670, %add3A_941 : i32
        %dma_start3A_943 = arith.constant 2 : i32
        %dma_start3A_944 = arith.constant 0 : i32
        %dma_start3A_945 = arith.constant 0 : i32
        %dma_start3A_946 = tpu.memref_slice %arg6[%dma_start3A_943, %dma_start3A_944, %dma_start3A_945] : memref<4x128x32xf32, #tpu.memory_space<vmem>> -> memref<1x128x32xf32, #tpu.memory_space<vmem>>
        %dma_start3A_947 = tpu.memref_squeeze %dma_start3A_946 : memref<1x128x32xf32, #tpu.memory_space<vmem>> -> memref<128x32xf32, #tpu.memory_space<vmem>>
        %dma_start3A_948 = arith.constant 0 : i32
        %dma_start3A_949 = tpu.memref_slice %arg5[%add3A_942, %dma_start3A_948] : memref<400x128xi32, #tpu.memory_space<vmem>> -> memref<1x128xi32, #tpu.memory_space<vmem>>
        %dma_start3A_950 = tpu.memref_squeeze %dma_start3A_949 : memref<1x128xi32, #tpu.memory_space<vmem>> -> memref<128xi32, #tpu.memory_space<vmem>>
        %dma_start3A_951 = arith.constant 0 : i32
        %dma_start3A_952 = arith.constant 0 : i32
        %dma_start3A_953 = tpu.memref_slice %arg3[%dma_start3A_951, %dma_start3A_952] : memref<4000000x32xf32, #tpu.memory_space<hbm>> -> memref<4000000x32xf32, #tpu.memory_space<hbm>>
        tpu.enqueue_indirect_dma source(%dma_start3A_953 : memref<4000000x32xf32, #tpu.memory_space<hbm>>) target(%dma_start3A_947 : memref<128x32xf32, #tpu.memory_space<vmem>>) offsets(%dma_start3A_950 : memref<128xi32, #tpu.memory_space<vmem>>) semaphore(%arg10 : memref<!tpu.dma_semaphore, #tpu.memory_space<semaphore_mem>>)
      } else {
      }
      %add3A_805 = arith.constant 3 : i32
      %add3A_806 = arith.addi %mul3A_408, %add3A_805 : i32
      %add3A_807 = arith.addi %mul3A_2, %add3A_806 : i32
      %jit3A_808 = arith.constant 128 : i32
      %div3A_809 = arith.divsi %add3A_807, %jit3A_808 : i32
      %sign3A_810 = arith.constant 0 : i32
      %sign3A_811 = arith.cmpi sgt, %add3A_807, %sign3A_810 : i32
      %sign3A_812 = arith.extui %sign3A_811 : i1 to i32
      %sign3A_813 = arith.constant 0 : i32
      %sign3A_814 = arith.cmpi slt, %add3A_807, %sign3A_813 : i32
      %sign3A_815 = arith.extui %sign3A_814 : i1 to i32
      %sign3A_816 = arith.subi %sign3A_812, %sign3A_815 : i32
      %sign3A_817 = arith.constant 0 : i32
      %sign3A_818 = arith.cmpi sgt, %jit3A_808, %sign3A_817 : i32
      %sign3A_819 = arith.extui %sign3A_818 : i1 to i32
      %sign3A_820 = arith.constant 0 : i32
      %sign3A_821 = arith.cmpi slt, %jit3A_808, %sign3A_820 : i32
      %sign3A_822 = arith.extui %sign3A_821 : i1 to i32
      %sign3A_823 = arith.subi %sign3A_819, %sign3A_822 : i32
      %ne3A_824 = arith.cmpi ne, %sign3A_816, %sign3A_823 : i32
      %rem3A_825 = arith.remsi %add3A_807, %jit3A_808 : i32
      %ne3A_826 = arith.constant 0 : i32
      %ne3A_827 = arith.cmpi ne, %rem3A_825, %ne3A_826 : i32
      %and3A_828 = arith.andi %ne3A_824, %ne3A_827 : i1
      %sub3A_829 = arith.constant 1 : i32
      %sub3A_830 = arith.subi %div3A_809, %sub3A_829 : i32
      %select_n3A_831 = arith.select %and3A_828, %sub3A_830, %div3A_809 : i32
      %mul3A_832 = arith.constant 128 : i32
      %mul3A_833 = arith.muli %select_n3A_831, %mul3A_832 : i32
      %sub3A_834 = arith.subi %add3A_807, %mul3A_833 : i32
      %dma_wait3A_835 = arith.constant 3 : i32
      %dma_wait3A_836 = arith.constant 0 : i32
      %dma_wait3A_837 = arith.constant 0 : i32
      %dma_wait3A_838 = tpu.memref_slice %arg6[%dma_wait3A_835, %dma_wait3A_836, %dma_wait3A_837] : memref<4x128x32xf32, #tpu.memory_space<vmem>> -> memref<1x128x32xf32, #tpu.memory_space<vmem>>
      %dma_wait3A_839 = tpu.memref_squeeze %dma_wait3A_838 : memref<1x128x32xf32, #tpu.memory_space<vmem>> -> memref<128x32xf32, #tpu.memory_space<vmem>>
      %dma_wait3A_840 = arith.constant 0 : i32
      %dma_wait3A_841 = arith.constant 0 : i32
      %dma_wait3A_842 = tpu.memref_slice %arg3[%dma_wait3A_840, %dma_wait3A_841] : memref<4000000x32xf32, #tpu.memory_space<hbm>> -> memref<128x32xf32, #tpu.memory_space<hbm>>
      %dma_wait3A_843 = arith.constant 0 : i32
      %dma_wait3A_844 = arith.constant 0 : i32
      %dma_wait3A_845 = tpu.memref_slice %arg6[%dma_wait3A_835, %dma_wait3A_843, %dma_wait3A_844] : memref<4x128x32xf32, #tpu.memory_space<vmem>> -> memref<1x128x32xf32, #tpu.memory_space<vmem>>
      %dma_wait3A_846 = tpu.memref_squeeze %dma_wait3A_845 : memref<1x128x32xf32, #tpu.memory_space<vmem>> -> memref<128x32xf32, #tpu.memory_space<vmem>>
      %dma_wait3A_847 = arith.constant 0 : i32
      %dma_wait3A_848 = arith.constant 0 : i32
      %dma_wait3A_849 = tpu.memref_slice %arg3[%dma_wait3A_847, %dma_wait3A_848] : memref<4000000x32xf32, #tpu.memory_space<hbm>> -> memref<128x32xf32, #tpu.memory_space<hbm>>
      tpu.wait_dma2 semaphore(%arg11 : memref<!tpu.dma_semaphore, #tpu.memory_space<semaphore_mem>>) src(%dma_wait3A_849 : memref<128x32xf32, #tpu.memory_space<hbm>>) dst(%dma_wait3A_846 : memref<128x32xf32, #tpu.memory_space<vmem>>)
      %gt3A_850 = arith.constant 0 : i32
      %gt3A_851 = arith.cmpi sgt, %scan3A_406, %gt3A_850 : i32
      %convert_element_type3A_852 = arith.extui %gt3A_851 : i1 to i32
      %cond3A_853 = arith.constant 0 : i32
      %cond3A_854 = arith.cmpi ne, %convert_element_type3A_852, %cond3A_853 : i32
      scf.if %cond3A_854 {
        %dma_wait3A_941 = arith.constant 3 : i32
        %dma_wait3A_942 = arith.constant 0 : i32
        %dma_wait3A_943 = arith.constant 0 : i32
        %dma_wait3A_944 = arith.constant 0 : i32
        %dma_wait3A_945 = arith.constant 0 : i32
        %dma_wait3A_946 = arith.constant 0 : i32
        %dma_wait3A_947 = arith.constant 0 : i32
        %dma_wait3A_948 = tpu.memref_slice %arg7[%dma_wait3A_941, %dma_wait3A_942, %dma_wait3A_946, %dma_wait3A_947] : memref<4x4x8x129xf32, #tpu.memory_space<vmem>> -> memref<1x1x8x128xf32, #tpu.memory_space<vmem>>
        %dma_wait3A_949 = tpu.memref_squeeze %dma_wait3A_948 : memref<1x1x8x128xf32, #tpu.memory_space<vmem>> -> memref<8x128xf32, #tpu.memory_space<vmem>>
        %dma_wait3A_950 = arith.constant 0 : i32
        %dma_wait3A_951 = arith.constant 0 : i32
        %dma_wait3A_952 = tpu.memref_slice %arg4[%dma_wait3A_943, %dma_wait3A_944, %dma_wait3A_945, %dma_wait3A_950, %dma_wait3A_951] : memref<100x4x128x8x128xf32, #tpu.memory_space<hbm>> -> memref<1x1x1x8x128xf32, #tpu.memory_space<hbm>>
        %dma_wait3A_953 = tpu.memref_squeeze %dma_wait3A_952 : memref<1x1x1x8x128xf32, #tpu.memory_space<hbm>> -> memref<8x128xf32, #tpu.memory_space<hbm>>
        %dma_wait3A_954 = arith.constant 0 : i32
        %dma_wait3A_955 = arith.constant 0 : i32
        %dma_wait3A_956 = tpu.memref_slice %arg4[%dma_wait3A_943, %dma_wait3A_944, %dma_wait3A_945, %dma_wait3A_954, %dma_wait3A_955] : memref<100x4x128x8x128xf32, #tpu.memory_space<hbm>> -> memref<1x1x1x8x128xf32, #tpu.memory_space<hbm>>
        %dma_wait3A_957 = tpu.memref_squeeze %dma_wait3A_956 : memref<1x1x1x8x128xf32, #tpu.memory_space<hbm>> -> memref<8x128xf32, #tpu.memory_space<hbm>>
        %dma_wait3A_958 = arith.constant 0 : i32
        %dma_wait3A_959 = arith.constant 0 : i32
        %dma_wait3A_960 = tpu.memref_slice %arg7[%dma_wait3A_941, %dma_wait3A_942, %dma_wait3A_958, %dma_wait3A_959] : memref<4x4x8x129xf32, #tpu.memory_space<vmem>> -> memref<1x1x8x128xf32, #tpu.memory_space<vmem>>
        %dma_wait3A_961 = tpu.memref_squeeze %dma_wait3A_960 : memref<1x1x8x128xf32, #tpu.memory_space<vmem>> -> memref<8x128xf32, #tpu.memory_space<vmem>>
        tpu.wait_dma2 semaphore(%arg15 : memref<!tpu.dma_semaphore, #tpu.memory_space<semaphore_mem>>) src(%dma_wait3A_961 : memref<8x128xf32, #tpu.memory_space<vmem>>) dst(%dma_wait3A_957 : memref<8x128xf32, #tpu.memory_space<hbm>>)
        %dma_wait3A_962 = arith.constant 3 : i32
        %dma_wait3A_963 = arith.constant 1 : i32
        %dma_wait3A_964 = arith.constant 0 : i32
        %dma_wait3A_965 = arith.constant 1 : i32
        %dma_wait3A_966 = arith.constant 0 : i32
        %dma_wait3A_967 = arith.constant 0 : i32
        %dma_wait3A_968 = arith.constant 0 : i32
        %dma_wait3A_969 = tpu.memref_slice %arg7[%dma_wait3A_962, %dma_wait3A_963, %dma_wait3A_967, %dma_wait3A_968] : memref<4x4x8x129xf32, #tpu.memory_space<vmem>> -> memref<1x1x8x128xf32, #tpu.memory_space<vmem>>
        %dma_wait3A_970 = tpu.memref_squeeze %dma_wait3A_969 : memref<1x1x8x128xf32, #tpu.memory_space<vmem>> -> memref<8x128xf32, #tpu.memory_space<vmem>>
        %dma_wait3A_971 = arith.constant 0 : i32
        %dma_wait3A_972 = arith.constant 0 : i32
        %dma_wait3A_973 = tpu.memref_slice %arg4[%dma_wait3A_964, %dma_wait3A_965, %dma_wait3A_966, %dma_wait3A_971, %dma_wait3A_972] : memref<100x4x128x8x128xf32, #tpu.memory_space<hbm>> -> memref<1x1x1x8x128xf32, #tpu.memory_space<hbm>>
        %dma_wait3A_974 = tpu.memref_squeeze %dma_wait3A_973 : memref<1x1x1x8x128xf32, #tpu.memory_space<hbm>> -> memref<8x128xf32, #tpu.memory_space<hbm>>
        %dma_wait3A_975 = arith.constant 0 : i32
        %dma_wait3A_976 = arith.constant 0 : i32
        %dma_wait3A_977 = tpu.memref_slice %arg4[%dma_wait3A_964, %dma_wait3A_965, %dma_wait3A_966, %dma_wait3A_975, %dma_wait3A_976] : memref<100x4x128x8x128xf32, #tpu.memory_space<hbm>> -> memref<1x1x1x8x128xf32, #tpu.memory_space<hbm>>
        %dma_wait3A_978 = tpu.memref_squeeze %dma_wait3A_977 : memref<1x1x1x8x128xf32, #tpu.memory_space<hbm>> -> memref<8x128xf32, #tpu.memory_space<hbm>>
        %dma_wait3A_979 = arith.constant 0 : i32
        %dma_wait3A_980 = arith.constant 0 : i32
        %dma_wait3A_981 = tpu.memref_slice %arg7[%dma_wait3A_962, %dma_wait3A_963, %dma_wait3A_979, %dma_wait3A_980] : memref<4x4x8x129xf32, #tpu.memory_space<vmem>> -> memref<1x1x8x128xf32, #tpu.memory_space<vmem>>
        %dma_wait3A_982 = tpu.memref_squeeze %dma_wait3A_981 : memref<1x1x8x128xf32, #tpu.memory_space<vmem>> -> memref<8x128xf32, #tpu.memory_space<vmem>>
        tpu.wait_dma2 semaphore(%arg15 : memref<!tpu.dma_semaphore, #tpu.memory_space<semaphore_mem>>) src(%dma_wait3A_982 : memref<8x128xf32, #tpu.memory_space<vmem>>) dst(%dma_wait3A_978 : memref<8x128xf32, #tpu.memory_space<hbm>>)
        %dma_wait3A_983 = arith.constant 3 : i32
        %dma_wait3A_984 = arith.constant 2 : i32
        %dma_wait3A_985 = arith.constant 0 : i32
        %dma_wait3A_986 = arith.constant 2 : i32
        %dma_wait3A_987 = arith.constant 0 : i32
        %dma_wait3A_988 = arith.constant 0 : i32
        %dma_wait3A_989 = arith.constant 0 : i32
        %dma_wait3A_990 = tpu.memref_slice %arg7[%dma_wait3A_983, %dma_wait3A_984, %dma_wait3A_988, %dma_wait3A_989] : memref<4x4x8x129xf32, #tpu.memory_space<vmem>> -> memref<1x1x8x128xf32, #tpu.memory_space<vmem>>
        %dma_wait3A_991 = tpu.memref_squeeze %dma_wait3A_990 : memref<1x1x8x128xf32, #tpu.memory_space<vmem>> -> memref<8x128xf32, #tpu.memory_space<vmem>>
        %dma_wait3A_992 = arith.constant 0 : i32
        %dma_wait3A_993 = arith.constant 0 : i32
        %dma_wait3A_994 = tpu.memref_slice %arg4[%dma_wait3A_985, %dma_wait3A_986, %dma_wait3A_987, %dma_wait3A_992, %dma_wait3A_993] : memref<100x4x128x8x128xf32, #tpu.memory_space<hbm>> -> memref<1x1x1x8x128xf32, #tpu.memory_space<hbm>>
        %dma_wait3A_995 = tpu.memref_squeeze %dma_wait3A_994 : memref<1x1x1x8x128xf32, #tpu.memory_space<hbm>> -> memref<8x128xf32, #tpu.memory_space<hbm>>
        %dma_wait3A_996 = arith.constant 0 : i32
        %dma_wait3A_997 = arith.constant 0 : i32
        %dma_wait3A_998 = tpu.memref_slice %arg4[%dma_wait3A_985, %dma_wait3A_986, %dma_wait3A_987, %dma_wait3A_996, %dma_wait3A_997] : memref<100x4x128x8x128xf32, #tpu.memory_space<hbm>> -> memref<1x1x1x8x128xf32, #tpu.memory_space<hbm>>
        %dma_wait3A_999 = tpu.memref_squeeze %dma_wait3A_998 : memref<1x1x1x8x128xf32, #tpu.memory_space<hbm>> -> memref<8x128xf32, #tpu.memory_space<hbm>>
        %dma_wait3A_1000 = arith.constant 0 : i32
        %dma_wait3A_1001 = arith.constant 0 : i32
        %dma_wait3A_1002 = tpu.memref_slice %arg7[%dma_wait3A_983, %dma_wait3A_984, %dma_wait3A_1000, %dma_wait3A_1001] : memref<4x4x8x129xf32, #tpu.memory_space<vmem>> -> memref<1x1x8x128xf32, #tpu.memory_space<vmem>>
        %dma_wait3A_1003 = tpu.memref_squeeze %dma_wait3A_1002 : memref<1x1x8x128xf32, #tpu.memory_space<vmem>> -> memref<8x128xf32, #tpu.memory_space<vmem>>
        tpu.wait_dma2 semaphore(%arg15 : memref<!tpu.dma_semaphore, #tpu.memory_space<semaphore_mem>>) src(%dma_wait3A_1003 : memref<8x128xf32, #tpu.memory_space<vmem>>) dst(%dma_wait3A_999 : memref<8x128xf32, #tpu.memory_space<hbm>>)
        %dma_wait3A_1004 = arith.constant 3 : i32
        %dma_wait3A_1005 = arith.constant 3 : i32
        %dma_wait3A_1006 = arith.constant 0 : i32
        %dma_wait3A_1007 = arith.constant 3 : i32
        %dma_wait3A_1008 = arith.constant 0 : i32
        %dma_wait3A_1009 = arith.constant 0 : i32
        %dma_wait3A_1010 = arith.constant 0 : i32
        %dma_wait3A_1011 = tpu.memref_slice %arg7[%dma_wait3A_1004, %dma_wait3A_1005, %dma_wait3A_1009, %dma_wait3A_1010] : memref<4x4x8x129xf32, #tpu.memory_space<vmem>> -> memref<1x1x8x128xf32, #tpu.memory_space<vmem>>
        %dma_wait3A_1012 = tpu.memref_squeeze %dma_wait3A_1011 : memref<1x1x8x128xf32, #tpu.memory_space<vmem>> -> memref<8x128xf32, #tpu.memory_space<vmem>>
        %dma_wait3A_1013 = arith.constant 0 : i32
        %dma_wait3A_1014 = arith.constant 0 : i32
        %dma_wait3A_1015 = tpu.memref_slice %arg4[%dma_wait3A_1006, %dma_wait3A_1007, %dma_wait3A_1008, %dma_wait3A_1013, %dma_wait3A_1014] : memref<100x4x128x8x128xf32, #tpu.memory_space<hbm>> -> memref<1x1x1x8x128xf32, #tpu.memory_space<hbm>>
        %dma_wait3A_1016 = tpu.memref_squeeze %dma_wait3A_1015 : memref<1x1x1x8x128xf32, #tpu.memory_space<hbm>> -> memref<8x128xf32, #tpu.memory_space<hbm>>
        %dma_wait3A_1017 = arith.constant 0 : i32
        %dma_wait3A_1018 = arith.constant 0 : i32
        %dma_wait3A_1019 = tpu.memref_slice %arg4[%dma_wait3A_1006, %dma_wait3A_1007, %dma_wait3A_1008, %dma_wait3A_1017, %dma_wait3A_1018] : memref<100x4x128x8x128xf32, #tpu.memory_space<hbm>> -> memref<1x1x1x8x128xf32, #tpu.memory_space<hbm>>
        %dma_wait3A_1020 = tpu.memref_squeeze %dma_wait3A_1019 : memref<1x1x1x8x128xf32, #tpu.memory_space<hbm>> -> memref<8x128xf32, #tpu.memory_space<hbm>>
        %dma_wait3A_1021 = arith.constant 0 : i32
        %dma_wait3A_1022 = arith.constant 0 : i32
        %dma_wait3A_1023 = tpu.memref_slice %arg7[%dma_wait3A_1004, %dma_wait3A_1005, %dma_wait3A_1021, %dma_wait3A_1022] : memref<4x4x8x129xf32, #tpu.memory_space<vmem>> -> memref<1x1x8x128xf32, #tpu.memory_space<vmem>>
        %dma_wait3A_1024 = tpu.memref_squeeze %dma_wait3A_1023 : memref<1x1x8x128xf32, #tpu.memory_space<vmem>> -> memref<8x128xf32, #tpu.memory_space<vmem>>
        tpu.wait_dma2 semaphore(%arg15 : memref<!tpu.dma_semaphore, #tpu.memory_space<semaphore_mem>>) src(%dma_wait3A_1024 : memref<8x128xf32, #tpu.memory_space<vmem>>) dst(%dma_wait3A_1020 : memref<8x128xf32, #tpu.memory_space<hbm>>)
      } else {
      }
      %parallel_loop3A_855 = arith.constant 0 : i32
      %parallel_loop3A_856 = arith.constant 128 : i32
      %parallel_loop3A_857 = arith.constant 1 : i32
      scf.for %parallel_loop3A_941 = %parallel_loop3A_855 to %parallel_loop3A_856 step %parallel_loop3A_857  : i32 {
        %parallel_loop3A_942 = arith.constant 3 : i32
        %parallel_loop3A_943 = arith.index_cast %parallel_loop3A_942 : i32 to index
        %parallel_loop3A_944 = arith.index_cast %parallel_loop3A_941 : i32 to index
        %parallel_loop3A_945 = arith.constant 0 : index
        %parallel_loop3A_946 = tpu.vector_load %arg6[%parallel_loop3A_943, %parallel_loop3A_944, %parallel_loop3A_945] {strides = array<i32>} : memref<4x128x32xf32, #tpu.memory_space<vmem>>, vector<16xf32>,
        %parallel_loop3A_947 = vector.broadcast %parallel_loop3A_941 : i32 to vector<16xi32>
        %parallel_loop3A_948 = arith.addi %mul3A_18, %parallel_loop3A_947 : vector<16xi32>
        %parallel_loop3A_949 = arith.constant 3 : i32
        %parallel_loop3A_950 = arith.constant 0 : i32
        %parallel_loop3A_951 = arith.constant 0 : i32
        %parallel_loop3A_952 = arith.constant 0 : i32
        %parallel_loop3A_953 = tpu.memref_slice %arg7[%parallel_loop3A_949, %parallel_loop3A_950, %parallel_loop3A_951, %parallel_loop3A_952] : memref<4x4x8x129xf32, #tpu.memory_space<vmem>> -> memref<1x4x8x129xf32, #tpu.memory_space<vmem>>
        %parallel_loop3A_954 = tpu.memref_squeeze %parallel_loop3A_953 : memref<1x4x8x129xf32, #tpu.memory_space<vmem>> -> memref<4x8x129xf32, #tpu.memory_space<vmem>>
        tpu.vector_store_idx %parallel_loop3A_954[%add3A_9, %and3A_4, %parallel_loop3A_948], %parallel_loop3A_946 : memref<4x8x129xf32, #tpu.memory_space<vmem>>[vector<16xi32>, vector<16xi32>, vector<16xi32>], vector<16xf32>,
        %parallel_loop3A_955 = arith.constant 3 : i32
        %parallel_loop3A_956 = arith.index_cast %parallel_loop3A_955 : i32 to index
        %parallel_loop3A_957 = arith.index_cast %parallel_loop3A_941 : i32 to index
        %parallel_loop3A_958 = arith.constant 16 : index
        %parallel_loop3A_959 = tpu.vector_load %arg6[%parallel_loop3A_956, %parallel_loop3A_957, %parallel_loop3A_958] {strides = array<i32>} : memref<4x128x32xf32, #tpu.memory_space<vmem>>, vector<16xf32>,
        %parallel_loop3A_960 = vector.broadcast %parallel_loop3A_941 : i32 to vector<16xi32>
        %parallel_loop3A_961 = arith.addi %mul3A_18, %parallel_loop3A_960 : vector<16xi32>
        %parallel_loop3A_962 = arith.constant 3 : i32
        %parallel_loop3A_963 = arith.constant 0 : i32
        %parallel_loop3A_964 = arith.constant 0 : i32
        %parallel_loop3A_965 = arith.constant 0 : i32
        %parallel_loop3A_966 = tpu.memref_slice %arg7[%parallel_loop3A_962, %parallel_loop3A_963, %parallel_loop3A_964, %parallel_loop3A_965] : memref<4x4x8x129xf32, #tpu.memory_space<vmem>> -> memref<1x4x8x129xf32, #tpu.memory_space<vmem>>
        %parallel_loop3A_967 = tpu.memref_squeeze %parallel_loop3A_966 : memref<1x4x8x129xf32, #tpu.memory_space<vmem>> -> memref<4x8x129xf32, #tpu.memory_space<vmem>>
        tpu.vector_store_idx %parallel_loop3A_967[%add3A_15, %and3A_4, %parallel_loop3A_961], %parallel_loop3A_959 : memref<4x8x129xf32, #tpu.memory_space<vmem>>[vector<16xi32>, vector<16xi32>, vector<16xi32>], vector<16xf32>,
      } {sc.loop_unroll_factor = 8 : i64, sc.parallel_access}
      %dma_start3A_858 = arith.constant 3 : i32
      %dma_start3A_859 = arith.constant 0 : i32
      %dma_start3A_860 = arith.constant 0 : i32
      %dma_start3A_861 = arith.constant 0 : i32
      %dma_start3A_862 = arith.constant 0 : i32
      %dma_start3A_863 = tpu.memref_slice %arg7[%dma_start3A_858, %dma_start3A_859, %dma_start3A_861, %dma_start3A_862] : memref<4x4x8x129xf32, #tpu.memory_space<vmem>> -> memref<1x1x8x128xf32, #tpu.memory_space<vmem>>
      %dma_start3A_864 = tpu.memref_squeeze %dma_start3A_863 : memref<1x1x8x128xf32, #tpu.memory_space<vmem>> -> memref<8x128xf32, #tpu.memory_space<vmem>>
      %dma_start3A_865 = arith.constant 0 : i32
      %dma_start3A_866 = arith.constant 0 : i32
      %dma_start3A_867 = tpu.memref_slice %arg4[%select_n3A_831, %dma_start3A_860, %sub3A_834, %dma_start3A_865, %dma_start3A_866] : memref<100x4x128x8x128xf32, #tpu.memory_space<hbm>> -> memref<1x1x1x8x128xf32, #tpu.memory_space<hbm>>
      %dma_start3A_868 = tpu.memref_squeeze %dma_start3A_867 : memref<1x1x1x8x128xf32, #tpu.memory_space<hbm>> -> memref<8x128xf32, #tpu.memory_space<hbm>>
      %dma_start3A_869 = arith.constant 0 : i32
      %dma_start3A_870 = arith.constant 0 : i32
      %dma_start3A_871 = tpu.memref_slice %arg4[%select_n3A_831, %dma_start3A_860, %sub3A_834, %dma_start3A_869, %dma_start3A_870] : memref<100x4x128x8x128xf32, #tpu.memory_space<hbm>> -> memref<1x1x1x8x128xf32, #tpu.memory_space<hbm>>
      %dma_start3A_872 = tpu.memref_squeeze %dma_start3A_871 : memref<1x1x1x8x128xf32, #tpu.memory_space<hbm>> -> memref<8x128xf32, #tpu.memory_space<hbm>>
      %dma_start3A_873 = arith.constant 0 : i32
      %dma_start3A_874 = arith.constant 0 : i32
      %dma_start3A_875 = tpu.memref_slice %arg7[%dma_start3A_858, %dma_start3A_859, %dma_start3A_873, %dma_start3A_874] : memref<4x4x8x129xf32, #tpu.memory_space<vmem>> -> memref<1x1x8x128xf32, #tpu.memory_space<vmem>>
      %dma_start3A_876 = tpu.memref_squeeze %dma_start3A_875 : memref<1x1x8x128xf32, #tpu.memory_space<vmem>> -> memref<8x128xf32, #tpu.memory_space<vmem>>
      tpu.enqueue_dma source(%dma_start3A_876 : memref<8x128xf32, #tpu.memory_space<vmem>>) target(%dma_start3A_872 : memref<8x128xf32, #tpu.memory_space<hbm>>) target_semaphore(%arg15 : memref<!tpu.dma_semaphore, #tpu.memory_space<semaphore_mem>>)
      %dma_start3A_877 = arith.constant 3 : i32
      %dma_start3A_878 = arith.constant 1 : i32
      %dma_start3A_879 = arith.constant 1 : i32
      %dma_start3A_880 = arith.constant 0 : i32
      %dma_start3A_881 = arith.constant 0 : i32
      %dma_start3A_882 = tpu.memref_slice %arg7[%dma_start3A_877, %dma_start3A_878, %dma_start3A_880, %dma_start3A_881] : memref<4x4x8x129xf32, #tpu.memory_space<vmem>> -> memref<1x1x8x128xf32, #tpu.memory_space<vmem>>
      %dma_start3A_883 = tpu.memref_squeeze %dma_start3A_882 : memref<1x1x8x128xf32, #tpu.memory_space<vmem>> -> memref<8x128xf32, #tpu.memory_space<vmem>>
      %dma_start3A_884 = arith.constant 0 : i32
      %dma_start3A_885 = arith.constant 0 : i32
      %dma_start3A_886 = tpu.memref_slice %arg4[%select_n3A_831, %dma_start3A_879, %sub3A_834, %dma_start3A_884, %dma_start3A_885] : memref<100x4x128x8x128xf32, #tpu.memory_space<hbm>> -> memref<1x1x1x8x128xf32, #tpu.memory_space<hbm>>
      %dma_start3A_887 = tpu.memref_squeeze %dma_start3A_886 : memref<1x1x1x8x128xf32, #tpu.memory_space<hbm>> -> memref<8x128xf32, #tpu.memory_space<hbm>>
      %dma_start3A_888 = arith.constant 0 : i32
      %dma_start3A_889 = arith.constant 0 : i32
      %dma_start3A_890 = tpu.memref_slice %arg4[%select_n3A_831, %dma_start3A_879, %sub3A_834, %dma_start3A_888, %dma_start3A_889] : memref<100x4x128x8x128xf32, #tpu.memory_space<hbm>> -> memref<1x1x1x8x128xf32, #tpu.memory_space<hbm>>
      %dma_start3A_891 = tpu.memref_squeeze %dma_start3A_890 : memref<1x1x1x8x128xf32, #tpu.memory_space<hbm>> -> memref<8x128xf32, #tpu.memory_space<hbm>>
      %dma_start3A_892 = arith.constant 0 : i32
      %dma_start3A_893 = arith.constant 0 : i32
      %dma_start3A_894 = tpu.memref_slice %arg7[%dma_start3A_877, %dma_start3A_878, %dma_start3A_892, %dma_start3A_893] : memref<4x4x8x129xf32, #tpu.memory_space<vmem>> -> memref<1x1x8x128xf32, #tpu.memory_space<vmem>>
      %dma_start3A_895 = tpu.memref_squeeze %dma_start3A_894 : memref<1x1x8x128xf32, #tpu.memory_space<vmem>> -> memref<8x128xf32, #tpu.memory_space<vmem>>
      tpu.enqueue_dma source(%dma_start3A_895 : memref<8x128xf32, #tpu.memory_space<vmem>>) target(%dma_start3A_891 : memref<8x128xf32, #tpu.memory_space<hbm>>) target_semaphore(%arg15 : memref<!tpu.dma_semaphore, #tpu.memory_space<semaphore_mem>>)
      %dma_start3A_896 = arith.constant 3 : i32
      %dma_start3A_897 = arith.constant 2 : i32
      %dma_start3A_898 = arith.constant 2 : i32
      %dma_start3A_899 = arith.constant 0 : i32
      %dma_start3A_900 = arith.constant 0 : i32
      %dma_start3A_901 = tpu.memref_slice %arg7[%dma_start3A_896, %dma_start3A_897, %dma_start3A_899, %dma_start3A_900] : memref<4x4x8x129xf32, #tpu.memory_space<vmem>> -> memref<1x1x8x128xf32, #tpu.memory_space<vmem>>
      %dma_start3A_902 = tpu.memref_squeeze %dma_start3A_901 : memref<1x1x8x128xf32, #tpu.memory_space<vmem>> -> memref<8x128xf32, #tpu.memory_space<vmem>>
      %dma_start3A_903 = arith.constant 0 : i32
      %dma_start3A_904 = arith.constant 0 : i32
      %dma_start3A_905 = tpu.memref_slice %arg4[%select_n3A_831, %dma_start3A_898, %sub3A_834, %dma_start3A_903, %dma_start3A_904] : memref<100x4x128x8x128xf32, #tpu.memory_space<hbm>> -> memref<1x1x1x8x128xf32, #tpu.memory_space<hbm>>
      %dma_start3A_906 = tpu.memref_squeeze %dma_start3A_905 : memref<1x1x1x8x128xf32, #tpu.memory_space<hbm>> -> memref<8x128xf32, #tpu.memory_space<hbm>>
      %dma_start3A_907 = arith.constant 0 : i32
      %dma_start3A_908 = arith.constant 0 : i32
      %dma_start3A_909 = tpu.memref_slice %arg4[%select_n3A_831, %dma_start3A_898, %sub3A_834, %dma_start3A_907, %dma_start3A_908] : memref<100x4x128x8x128xf32, #tpu.memory_space<hbm>> -> memref<1x1x1x8x128xf32, #tpu.memory_space<hbm>>
      %dma_start3A_910 = tpu.memref_squeeze %dma_start3A_909 : memref<1x1x1x8x128xf32, #tpu.memory_space<hbm>> -> memref<8x128xf32, #tpu.memory_space<hbm>>
      %dma_start3A_911 = arith.constant 0 : i32
      %dma_start3A_912 = arith.constant 0 : i32
      %dma_start3A_913 = tpu.memref_slice %arg7[%dma_start3A_896, %dma_start3A_897, %dma_start3A_911, %dma_start3A_912] : memref<4x4x8x129xf32, #tpu.memory_space<vmem>> -> memref<1x1x8x128xf32, #tpu.memory_space<vmem>>
      %dma_start3A_914 = tpu.memref_squeeze %dma_start3A_913 : memref<1x1x8x128xf32, #tpu.memory_space<vmem>> -> memref<8x128xf32, #tpu.memory_space<vmem>>
      tpu.enqueue_dma source(%dma_start3A_914 : memref<8x128xf32, #tpu.memory_space<vmem>>) target(%dma_start3A_910 : memref<8x128xf32, #tpu.memory_space<hbm>>) target_semaphore(%arg15 : memref<!tpu.dma_semaphore, #tpu.memory_space<semaphore_mem>>)
      %dma_start3A_915 = arith.constant 3 : i32
      %dma_start3A_916 = arith.constant 3 : i32
      %dma_start3A_917 = arith.constant 3 : i32
      %dma_start3A_918 = arith.constant 0 : i32
      %dma_start3A_919 = arith.constant 0 : i32
      %dma_start3A_920 = tpu.memref_slice %arg7[%dma_start3A_915, %dma_start3A_916, %dma_start3A_918, %dma_start3A_919] : memref<4x4x8x129xf32, #tpu.memory_space<vmem>> -> memref<1x1x8x128xf32, #tpu.memory_space<vmem>>
      %dma_start3A_921 = tpu.memref_squeeze %dma_start3A_920 : memref<1x1x8x128xf32, #tpu.memory_space<vmem>> -> memref<8x128xf32, #tpu.memory_space<vmem>>
      %dma_start3A_922 = arith.constant 0 : i32
      %dma_start3A_923 = arith.constant 0 : i32
      %dma_start3A_924 = tpu.memref_slice %arg4[%select_n3A_831, %dma_start3A_917, %sub3A_834, %dma_start3A_922, %dma_start3A_923] : memref<100x4x128x8x128xf32, #tpu.memory_space<hbm>> -> memref<1x1x1x8x128xf32, #tpu.memory_space<hbm>>
      %dma_start3A_925 = tpu.memref_squeeze %dma_start3A_924 : memref<1x1x1x8x128xf32, #tpu.memory_space<hbm>> -> memref<8x128xf32, #tpu.memory_space<hbm>>
      %dma_start3A_926 = arith.constant 0 : i32
      %dma_start3A_927 = arith.constant 0 : i32
      %dma_start3A_928 = tpu.memref_slice %arg4[%select_n3A_831, %dma_start3A_917, %sub3A_834, %dma_start3A_926, %dma_start3A_927] : memref<100x4x128x8x128xf32, #tpu.memory_space<hbm>> -> memref<1x1x1x8x128xf32, #tpu.memory_space<hbm>>
      %dma_start3A_929 = tpu.memref_squeeze %dma_start3A_928 : memref<1x1x1x8x128xf32, #tpu.memory_space<hbm>> -> memref<8x128xf32, #tpu.memory_space<hbm>>
      %dma_start3A_930 = arith.constant 0 : i32
      %dma_start3A_931 = arith.constant 0 : i32
      %dma_start3A_932 = tpu.memref_slice %arg7[%dma_start3A_915, %dma_start3A_916, %dma_start3A_930, %dma_start3A_931] : memref<4x4x8x129xf32, #tpu.memory_space<vmem>> -> memref<1x1x8x128xf32, #tpu.memory_space<vmem>>
      %dma_start3A_933 = tpu.memref_squeeze %dma_start3A_932 : memref<1x1x8x128xf32, #tpu.memory_space<vmem>> -> memref<8x128xf32, #tpu.memory_space<vmem>>
      tpu.enqueue_dma source(%dma_start3A_933 : memref<8x128xf32, #tpu.memory_space<vmem>>) target(%dma_start3A_929 : memref<8x128xf32, #tpu.memory_space<hbm>>) target_semaphore(%arg15 : memref<!tpu.dma_semaphore, #tpu.memory_space<semaphore_mem>>)
      %add3A_934 = arith.constant 4 : i32
      %add3A_935 = arith.addi %add3A_806, %add3A_934 : i32
      %lt3A_936 = arith.constant 400 : i32
      %lt3A_937 = arith.cmpi slt, %add3A_935, %lt3A_936 : i32
      %convert_element_type3A_938 = arith.extui %lt3A_937 : i1 to i32
      %cond3A_939 = arith.constant 0 : i32
      %cond3A_940 = arith.cmpi ne, %convert_element_type3A_938, %cond3A_939 : i32
      scf.if %cond3A_940 {
        %add3A_941 = arith.constant 4 : i32
        %add3A_942 = arith.addi %add3A_806, %add3A_941 : i32
        %dma_start3A_943 = arith.constant 3 : i32
        %dma_start3A_944 = arith.constant 0 : i32
        %dma_start3A_945 = arith.constant 0 : i32
        %dma_start3A_946 = tpu.memref_slice %arg6[%dma_start3A_943, %dma_start3A_944, %dma_start3A_945] : memref<4x128x32xf32, #tpu.memory_space<vmem>> -> memref<1x128x32xf32, #tpu.memory_space<vmem>>
        %dma_start3A_947 = tpu.memref_squeeze %dma_start3A_946 : memref<1x128x32xf32, #tpu.memory_space<vmem>> -> memref<128x32xf32, #tpu.memory_space<vmem>>
        %dma_start3A_948 = arith.constant 0 : i32
        %dma_start3A_949 = tpu.memref_slice %arg5[%add3A_942, %dma_start3A_948] : memref<400x128xi32, #tpu.memory_space<vmem>> -> memref<1x128xi32, #tpu.memory_space<vmem>>
        %dma_start3A_950 = tpu.memref_squeeze %dma_start3A_949 : memref<1x128xi32, #tpu.memory_space<vmem>> -> memref<128xi32, #tpu.memory_space<vmem>>
        %dma_start3A_951 = arith.constant 0 : i32
        %dma_start3A_952 = arith.constant 0 : i32
        %dma_start3A_953 = tpu.memref_slice %arg3[%dma_start3A_951, %dma_start3A_952] : memref<4000000x32xf32, #tpu.memory_space<hbm>> -> memref<4000000x32xf32, #tpu.memory_space<hbm>>
        tpu.enqueue_indirect_dma source(%dma_start3A_953 : memref<4000000x32xf32, #tpu.memory_space<hbm>>) target(%dma_start3A_947 : memref<128x32xf32, #tpu.memory_space<vmem>>) offsets(%dma_start3A_950 : memref<128xi32, #tpu.memory_space<vmem>>) semaphore(%arg11 : memref<!tpu.dma_semaphore, #tpu.memory_space<semaphore_mem>>)
      } else {
      }
    }
    %scan3A_70 = arith.constant 100 : i32
    %dma_wait3A = arith.constant 0 : i32
    %dma_wait3A_71 = arith.constant 0 : i32
    %dma_wait3A_72 = arith.constant 0 : i32
    %dma_wait3A_73 = arith.constant 0 : i32
    %dma_wait3A_74 = arith.constant 0 : i32
    %dma_wait3A_75 = arith.constant 0 : i32
    %dma_wait3A_76 = arith.constant 0 : i32
    %dma_wait3A_77 = tpu.memref_slice %arg7[%dma_wait3A, %dma_wait3A_71, %dma_wait3A_75, %dma_wait3A_76] : memref<4x4x8x129xf32, #tpu.memory_space<vmem>> -> memref<1x1x8x128xf32, #tpu.memory_space<vmem>>
    %dma_wait3A_78 = tpu.memref_squeeze %dma_wait3A_77 : memref<1x1x8x128xf32, #tpu.memory_space<vmem>> -> memref<8x128xf32, #tpu.memory_space<vmem>>
    %dma_wait3A_79 = arith.constant 0 : i32
    %dma_wait3A_80 = arith.constant 0 : i32
    %dma_wait3A_81 = tpu.memref_slice %arg4[%dma_wait3A_72, %dma_wait3A_73, %dma_wait3A_74, %dma_wait3A_79, %dma_wait3A_80] : memref<100x4x128x8x128xf32, #tpu.memory_space<hbm>> -> memref<1x1x1x8x128xf32, #tpu.memory_space<hbm>>
    %dma_wait3A_82 = tpu.memref_squeeze %dma_wait3A_81 : memref<1x1x1x8x128xf32, #tpu.memory_space<hbm>> -> memref<8x128xf32, #tpu.memory_space<hbm>>
    %dma_wait3A_83 = arith.constant 0 : i32
    %dma_wait3A_84 = arith.constant 0 : i32
    %dma_wait3A_85 = tpu.memref_slice %arg4[%dma_wait3A_72, %dma_wait3A_73, %dma_wait3A_74, %dma_wait3A_83, %dma_wait3A_84] : memref<100x4x128x8x128xf32, #tpu.memory_space<hbm>> -> memref<1x1x1x8x128xf32, #tpu.memory_space<hbm>>
    %dma_wait3A_86 = tpu.memref_squeeze %dma_wait3A_85 : memref<1x1x1x8x128xf32, #tpu.memory_space<hbm>> -> memref<8x128xf32, #tpu.memory_space<hbm>>
    %dma_wait3A_87 = arith.constant 0 : i32
    %dma_wait3A_88 = arith.constant 0 : i32
    %dma_wait3A_89 = tpu.memref_slice %arg7[%dma_wait3A, %dma_wait3A_71, %dma_wait3A_87, %dma_wait3A_88] : memref<4x4x8x129xf32, #tpu.memory_space<vmem>> -> memref<1x1x8x128xf32, #tpu.memory_space<vmem>>
    %dma_wait3A_90 = tpu.memref_squeeze %dma_wait3A_89 : memref<1x1x8x128xf32, #tpu.memory_space<vmem>> -> memref<8x128xf32, #tpu.memory_space<vmem>>
    tpu.wait_dma2 semaphore(%arg12 : memref<!tpu.dma_semaphore, #tpu.memory_space<semaphore_mem>>) src(%dma_wait3A_90 : memref<8x128xf32, #tpu.memory_space<vmem>>) dst(%dma_wait3A_86 : memref<8x128xf32, #tpu.memory_space<hbm>>)
    %dma_wait3A_91 = arith.constant 0 : i32
    %dma_wait3A_92 = arith.constant 1 : i32
    %dma_wait3A_93 = arith.constant 0 : i32
    %dma_wait3A_94 = arith.constant 1 : i32
    %dma_wait3A_95 = arith.constant 0 : i32
    %dma_wait3A_96 = arith.constant 0 : i32
    %dma_wait3A_97 = arith.constant 0 : i32
    %dma_wait3A_98 = tpu.memref_slice %arg7[%dma_wait3A_91, %dma_wait3A_92, %dma_wait3A_96, %dma_wait3A_97] : memref<4x4x8x129xf32, #tpu.memory_space<vmem>> -> memref<1x1x8x128xf32, #tpu.memory_space<vmem>>
    %dma_wait3A_99 = tpu.memref_squeeze %dma_wait3A_98 : memref<1x1x8x128xf32, #tpu.memory_space<vmem>> -> memref<8x128xf32, #tpu.memory_space<vmem>>
    %dma_wait3A_100 = arith.constant 0 : i32
    %dma_wait3A_101 = arith.constant 0 : i32
    %dma_wait3A_102 = tpu.memref_slice %arg4[%dma_wait3A_93, %dma_wait3A_94, %dma_wait3A_95, %dma_wait3A_100, %dma_wait3A_101] : memref<100x4x128x8x128xf32, #tpu.memory_space<hbm>> -> memref<1x1x1x8x128xf32, #tpu.memory_space<hbm>>
    %dma_wait3A_103 = tpu.memref_squeeze %dma_wait3A_102 : memref<1x1x1x8x128xf32, #tpu.memory_space<hbm>> -> memref<8x128xf32, #tpu.memory_space<hbm>>
    %dma_wait3A_104 = arith.constant 0 : i32
    %dma_wait3A_105 = arith.constant 0 : i32
    %dma_wait3A_106 = tpu.memref_slice %arg4[%dma_wait3A_93, %dma_wait3A_94, %dma_wait3A_95, %dma_wait3A_104, %dma_wait3A_105] : memref<100x4x128x8x128xf32, #tpu.memory_space<hbm>> -> memref<1x1x1x8x128xf32, #tpu.memory_space<hbm>>
    %dma_wait3A_107 = tpu.memref_squeeze %dma_wait3A_106 : memref<1x1x1x8x128xf32, #tpu.memory_space<hbm>> -> memref<8x128xf32, #tpu.memory_space<hbm>>
    %dma_wait3A_108 = arith.constant 0 : i32
    %dma_wait3A_109 = arith.constant 0 : i32
    %dma_wait3A_110 = tpu.memref_slice %arg7[%dma_wait3A_91, %dma_wait3A_92, %dma_wait3A_108, %dma_wait3A_109] : memref<4x4x8x129xf32, #tpu.memory_space<vmem>> -> memref<1x1x8x128xf32, #tpu.memory_space<vmem>>
    %dma_wait3A_111 = tpu.memref_squeeze %dma_wait3A_110 : memref<1x1x8x128xf32, #tpu.memory_space<vmem>> -> memref<8x128xf32, #tpu.memory_space<vmem>>
    tpu.wait_dma2 semaphore(%arg12 : memref<!tpu.dma_semaphore, #tpu.memory_space<semaphore_mem>>) src(%dma_wait3A_111 : memref<8x128xf32, #tpu.memory_space<vmem>>) dst(%dma_wait3A_107 : memref<8x128xf32, #tpu.memory_space<hbm>>)
    %dma_wait3A_112 = arith.constant 0 : i32
    %dma_wait3A_113 = arith.constant 2 : i32
    %dma_wait3A_114 = arith.constant 0 : i32
    %dma_wait3A_115 = arith.constant 2 : i32
    %dma_wait3A_116 = arith.constant 0 : i32
    %dma_wait3A_117 = arith.constant 0 : i32
    %dma_wait3A_118 = arith.constant 0 : i32
    %dma_wait3A_119 = tpu.memref_slice %arg7[%dma_wait3A_112, %dma_wait3A_113, %dma_wait3A_117, %dma_wait3A_118] : memref<4x4x8x129xf32, #tpu.memory_space<vmem>> -> memref<1x1x8x128xf32, #tpu.memory_space<vmem>>
    %dma_wait3A_120 = tpu.memref_squeeze %dma_wait3A_119 : memref<1x1x8x128xf32, #tpu.memory_space<vmem>> -> memref<8x128xf32, #tpu.memory_space<vmem>>
    %dma_wait3A_121 = arith.constant 0 : i32
    %dma_wait3A_122 = arith.constant 0 : i32
    %dma_wait3A_123 = tpu.memref_slice %arg4[%dma_wait3A_114, %dma_wait3A_115, %dma_wait3A_116, %dma_wait3A_121, %dma_wait3A_122] : memref<100x4x128x8x128xf32, #tpu.memory_space<hbm>> -> memref<1x1x1x8x128xf32, #tpu.memory_space<hbm>>
    %dma_wait3A_124 = tpu.memref_squeeze %dma_wait3A_123 : memref<1x1x1x8x128xf32, #tpu.memory_space<hbm>> -> memref<8x128xf32, #tpu.memory_space<hbm>>
    %dma_wait3A_125 = arith.constant 0 : i32
    %dma_wait3A_126 = arith.constant 0 : i32
    %dma_wait3A_127 = tpu.memref_slice %arg4[%dma_wait3A_114, %dma_wait3A_115, %dma_wait3A_116, %dma_wait3A_125, %dma_wait3A_126] : memref<100x4x128x8x128xf32, #tpu.memory_space<hbm>> -> memref<1x1x1x8x128xf32, #tpu.memory_space<hbm>>
    %dma_wait3A_128 = tpu.memref_squeeze %dma_wait3A_127 : memref<1x1x1x8x128xf32, #tpu.memory_space<hbm>> -> memref<8x128xf32, #tpu.memory_space<hbm>>
    %dma_wait3A_129 = arith.constant 0 : i32
    %dma_wait3A_130 = arith.constant 0 : i32
    %dma_wait3A_131 = tpu.memref_slice %arg7[%dma_wait3A_112, %dma_wait3A_113, %dma_wait3A_129, %dma_wait3A_130] : memref<4x4x8x129xf32, #tpu.memory_space<vmem>> -> memref<1x1x8x128xf32, #tpu.memory_space<vmem>>
    %dma_wait3A_132 = tpu.memref_squeeze %dma_wait3A_131 : memref<1x1x8x128xf32, #tpu.memory_space<vmem>> -> memref<8x128xf32, #tpu.memory_space<vmem>>
    tpu.wait_dma2 semaphore(%arg12 : memref<!tpu.dma_semaphore, #tpu.memory_space<semaphore_mem>>) src(%dma_wait3A_132 : memref<8x128xf32, #tpu.memory_space<vmem>>) dst(%dma_wait3A_128 : memref<8x128xf32, #tpu.memory_space<hbm>>)
    %dma_wait3A_133 = arith.constant 0 : i32
    %dma_wait3A_134 = arith.constant 3 : i32
    %dma_wait3A_135 = arith.constant 0 : i32
    %dma_wait3A_136 = arith.constant 3 : i32
    %dma_wait3A_137 = arith.constant 0 : i32
    %dma_wait3A_138 = arith.constant 0 : i32
    %dma_wait3A_139 = arith.constant 0 : i32
    %dma_wait3A_140 = tpu.memref_slice %arg7[%dma_wait3A_133, %dma_wait3A_134, %dma_wait3A_138, %dma_wait3A_139] : memref<4x4x8x129xf32, #tpu.memory_space<vmem>> -> memref<1x1x8x128xf32, #tpu.memory_space<vmem>>
    %dma_wait3A_141 = tpu.memref_squeeze %dma_wait3A_140 : memref<1x1x8x128xf32, #tpu.memory_space<vmem>> -> memref<8x128xf32, #tpu.memory_space<vmem>>
    %dma_wait3A_142 = arith.constant 0 : i32
    %dma_wait3A_143 = arith.constant 0 : i32
    %dma_wait3A_144 = tpu.memref_slice %arg4[%dma_wait3A_135, %dma_wait3A_136, %dma_wait3A_137, %dma_wait3A_142, %dma_wait3A_143] : memref<100x4x128x8x128xf32, #tpu.memory_space<hbm>> -> memref<1x1x1x8x128xf32, #tpu.memory_space<hbm>>
    %dma_wait3A_145 = tpu.memref_squeeze %dma_wait3A_144 : memref<1x1x1x8x128xf32, #tpu.memory_space<hbm>> -> memref<8x128xf32, #tpu.memory_space<hbm>>
    %dma_wait3A_146 = arith.constant 0 : i32
    %dma_wait3A_147 = arith.constant 0 : i32
    %dma_wait3A_148 = tpu.memref_slice %arg4[%dma_wait3A_135, %dma_wait3A_136, %dma_wait3A_137, %dma_wait3A_146, %dma_wait3A_147] : memref<100x4x128x8x128xf32, #tpu.memory_space<hbm>> -> memref<1x1x1x8x128xf32, #tpu.memory_space<hbm>>
    %dma_wait3A_149 = tpu.memref_squeeze %dma_wait3A_148 : memref<1x1x1x8x128xf32, #tpu.memory_space<hbm>> -> memref<8x128xf32, #tpu.memory_space<hbm>>
    %dma_wait3A_150 = arith.constant 0 : i32
    %dma_wait3A_151 = arith.constant 0 : i32
    %dma_wait3A_152 = tpu.memref_slice %arg7[%dma_wait3A_133, %dma_wait3A_134, %dma_wait3A_150, %dma_wait3A_151] : memref<4x4x8x129xf32, #tpu.memory_space<vmem>> -> memref<1x1x8x128xf32, #tpu.memory_space<vmem>>
    %dma_wait3A_153 = tpu.memref_squeeze %dma_wait3A_152 : memref<1x1x8x128xf32, #tpu.memory_space<vmem>> -> memref<8x128xf32, #tpu.memory_space<vmem>>
    tpu.wait_dma2 semaphore(%arg12 : memref<!tpu.dma_semaphore, #tpu.memory_space<semaphore_mem>>) src(%dma_wait3A_153 : memref<8x128xf32, #tpu.memory_space<vmem>>) dst(%dma_wait3A_149 : memref<8x128xf32, #tpu.memory_space<hbm>>)
    %dma_wait3A_154 = arith.constant 1 : i32
    %dma_wait3A_155 = arith.constant 0 : i32
    %dma_wait3A_156 = arith.constant 0 : i32
    %dma_wait3A_157 = arith.constant 0 : i32
    %dma_wait3A_158 = arith.constant 0 : i32
    %dma_wait3A_159 = arith.constant 0 : i32
    %dma_wait3A_160 = arith.constant 0 : i32
    %dma_wait3A_161 = tpu.memref_slice %arg7[%dma_wait3A_154, %dma_wait3A_155, %dma_wait3A_159, %dma_wait3A_160] : memref<4x4x8x129xf32, #tpu.memory_space<vmem>> -> memref<1x1x8x128xf32, #tpu.memory_space<vmem>>
    %dma_wait3A_162 = tpu.memref_squeeze %dma_wait3A_161 : memref<1x1x8x128xf32, #tpu.memory_space<vmem>> -> memref<8x128xf32, #tpu.memory_space<vmem>>
    %dma_wait3A_163 = arith.constant 0 : i32
    %dma_wait3A_164 = arith.constant 0 : i32
    %dma_wait3A_165 = tpu.memref_slice %arg4[%dma_wait3A_156, %dma_wait3A_157, %dma_wait3A_158, %dma_wait3A_163, %dma_wait3A_164] : memref<100x4x128x8x128xf32, #tpu.memory_space<hbm>> -> memref<1x1x1x8x128xf32, #tpu.memory_space<hbm>>
    %dma_wait3A_166 = tpu.memref_squeeze %dma_wait3A_165 : memref<1x1x1x8x128xf32, #tpu.memory_space<hbm>> -> memref<8x128xf32, #tpu.memory_space<hbm>>
    %dma_wait3A_167 = arith.constant 0 : i32
    %dma_wait3A_168 = arith.constant 0 : i32
    %dma_wait3A_169 = tpu.memref_slice %arg4[%dma_wait3A_156, %dma_wait3A_157, %dma_wait3A_158, %dma_wait3A_167, %dma_wait3A_168] : memref<100x4x128x8x128xf32, #tpu.memory_space<hbm>> -> memref<1x1x1x8x128xf32, #tpu.memory_space<hbm>>
    %dma_wait3A_170 = tpu.memref_squeeze %dma_wait3A_169 : memref<1x1x1x8x128xf32, #tpu.memory_space<hbm>> -> memref<8x128xf32, #tpu.memory_space<hbm>>
    %dma_wait3A_171 = arith.constant 0 : i32
    %dma_wait3A_172 = arith.constant 0 : i32
    %dma_wait3A_173 = tpu.memref_slice %arg7[%dma_wait3A_154, %dma_wait3A_155, %dma_wait3A_171, %dma_wait3A_172] : memref<4x4x8x129xf32, #tpu.memory_space<vmem>> -> memref<1x1x8x128xf32, #tpu.memory_space<vmem>>
    %dma_wait3A_174 = tpu.memref_squeeze %dma_wait3A_173 : memref<1x1x8x128xf32, #tpu.memory_space<vmem>> -> memref<8x128xf32, #tpu.memory_space<vmem>>
    tpu.wait_dma2 semaphore(%arg13 : memref<!tpu.dma_semaphore, #tpu.memory_space<semaphore_mem>>) src(%dma_wait3A_174 : memref<8x128xf32, #tpu.memory_space<vmem>>) dst(%dma_wait3A_170 : memref<8x128xf32, #tpu.memory_space<hbm>>)
    %dma_wait3A_175 = arith.constant 1 : i32
    %dma_wait3A_176 = arith.constant 1 : i32
    %dma_wait3A_177 = arith.constant 0 : i32
    %dma_wait3A_178 = arith.constant 1 : i32
    %dma_wait3A_179 = arith.constant 0 : i32
    %dma_wait3A_180 = arith.constant 0 : i32
    %dma_wait3A_181 = arith.constant 0 : i32
    %dma_wait3A_182 = tpu.memref_slice %arg7[%dma_wait3A_175, %dma_wait3A_176, %dma_wait3A_180, %dma_wait3A_181] : memref<4x4x8x129xf32, #tpu.memory_space<vmem>> -> memref<1x1x8x128xf32, #tpu.memory_space<vmem>>
    %dma_wait3A_183 = tpu.memref_squeeze %dma_wait3A_182 : memref<1x1x8x128xf32, #tpu.memory_space<vmem>> -> memref<8x128xf32, #tpu.memory_space<vmem>>
    %dma_wait3A_184 = arith.constant 0 : i32
    %dma_wait3A_185 = arith.constant 0 : i32
    %dma_wait3A_186 = tpu.memref_slice %arg4[%dma_wait3A_177, %dma_wait3A_178, %dma_wait3A_179, %dma_wait3A_184, %dma_wait3A_185] : memref<100x4x128x8x128xf32, #tpu.memory_space<hbm>> -> memref<1x1x1x8x128xf32, #tpu.memory_space<hbm>>
    %dma_wait3A_187 = tpu.memref_squeeze %dma_wait3A_186 : memref<1x1x1x8x128xf32, #tpu.memory_space<hbm>> -> memref<8x128xf32, #tpu.memory_space<hbm>>
    %dma_wait3A_188 = arith.constant 0 : i32
    %dma_wait3A_189 = arith.constant 0 : i32
    %dma_wait3A_190 = tpu.memref_slice %arg4[%dma_wait3A_177, %dma_wait3A_178, %dma_wait3A_179, %dma_wait3A_188, %dma_wait3A_189] : memref<100x4x128x8x128xf32, #tpu.memory_space<hbm>> -> memref<1x1x1x8x128xf32, #tpu.memory_space<hbm>>
    %dma_wait3A_191 = tpu.memref_squeeze %dma_wait3A_190 : memref<1x1x1x8x128xf32, #tpu.memory_space<hbm>> -> memref<8x128xf32, #tpu.memory_space<hbm>>
    %dma_wait3A_192 = arith.constant 0 : i32
    %dma_wait3A_193 = arith.constant 0 : i32
    %dma_wait3A_194 = tpu.memref_slice %arg7[%dma_wait3A_175, %dma_wait3A_176, %dma_wait3A_192, %dma_wait3A_193] : memref<4x4x8x129xf32, #tpu.memory_space<vmem>> -> memref<1x1x8x128xf32, #tpu.memory_space<vmem>>
    %dma_wait3A_195 = tpu.memref_squeeze %dma_wait3A_194 : memref<1x1x8x128xf32, #tpu.memory_space<vmem>> -> memref<8x128xf32, #tpu.memory_space<vmem>>
    tpu.wait_dma2 semaphore(%arg13 : memref<!tpu.dma_semaphore, #tpu.memory_space<semaphore_mem>>) src(%dma_wait3A_195 : memref<8x128xf32, #tpu.memory_space<vmem>>) dst(%dma_wait3A_191 : memref<8x128xf32, #tpu.memory_space<hbm>>)
    %dma_wait3A_196 = arith.constant 1 : i32
    %dma_wait3A_197 = arith.constant 2 : i32
    %dma_wait3A_198 = arith.constant 0 : i32
    %dma_wait3A_199 = arith.constant 2 : i32
    %dma_wait3A_200 = arith.constant 0 : i32
    %dma_wait3A_201 = arith.constant 0 : i32
    %dma_wait3A_202 = arith.constant 0 : i32
    %dma_wait3A_203 = tpu.memref_slice %arg7[%dma_wait3A_196, %dma_wait3A_197, %dma_wait3A_201, %dma_wait3A_202] : memref<4x4x8x129xf32, #tpu.memory_space<vmem>> -> memref<1x1x8x128xf32, #tpu.memory_space<vmem>>
    %dma_wait3A_204 = tpu.memref_squeeze %dma_wait3A_203 : memref<1x1x8x128xf32, #tpu.memory_space<vmem>> -> memref<8x128xf32, #tpu.memory_space<vmem>>
    %dma_wait3A_205 = arith.constant 0 : i32
    %dma_wait3A_206 = arith.constant 0 : i32
    %dma_wait3A_207 = tpu.memref_slice %arg4[%dma_wait3A_198, %dma_wait3A_199, %dma_wait3A_200, %dma_wait3A_205, %dma_wait3A_206] : memref<100x4x128x8x128xf32, #tpu.memory_space<hbm>> -> memref<1x1x1x8x128xf32, #tpu.memory_space<hbm>>
    %dma_wait3A_208 = tpu.memref_squeeze %dma_wait3A_207 : memref<1x1x1x8x128xf32, #tpu.memory_space<hbm>> -> memref<8x128xf32, #tpu.memory_space<hbm>>
    %dma_wait3A_209 = arith.constant 0 : i32
    %dma_wait3A_210 = arith.constant 0 : i32
    %dma_wait3A_211 = tpu.memref_slice %arg4[%dma_wait3A_198, %dma_wait3A_199, %dma_wait3A_200, %dma_wait3A_209, %dma_wait3A_210] : memref<100x4x128x8x128xf32, #tpu.memory_space<hbm>> -> memref<1x1x1x8x128xf32, #tpu.memory_space<hbm>>
    %dma_wait3A_212 = tpu.memref_squeeze %dma_wait3A_211 : memref<1x1x1x8x128xf32, #tpu.memory_space<hbm>> -> memref<8x128xf32, #tpu.memory_space<hbm>>
    %dma_wait3A_213 = arith.constant 0 : i32
    %dma_wait3A_214 = arith.constant 0 : i32
    %dma_wait3A_215 = tpu.memref_slice %arg7[%dma_wait3A_196, %dma_wait3A_197, %dma_wait3A_213, %dma_wait3A_214] : memref<4x4x8x129xf32, #tpu.memory_space<vmem>> -> memref<1x1x8x128xf32, #tpu.memory_space<vmem>>
    %dma_wait3A_216 = tpu.memref_squeeze %dma_wait3A_215 : memref<1x1x8x128xf32, #tpu.memory_space<vmem>> -> memref<8x128xf32, #tpu.memory_space<vmem>>
    tpu.wait_dma2 semaphore(%arg13 : memref<!tpu.dma_semaphore, #tpu.memory_space<semaphore_mem>>) src(%dma_wait3A_216 : memref<8x128xf32, #tpu.memory_space<vmem>>) dst(%dma_wait3A_212 : memref<8x128xf32, #tpu.memory_space<hbm>>)
    %dma_wait3A_217 = arith.constant 1 : i32
    %dma_wait3A_218 = arith.constant 3 : i32
    %dma_wait3A_219 = arith.constant 0 : i32
    %dma_wait3A_220 = arith.constant 3 : i32
    %dma_wait3A_221 = arith.constant 0 : i32
    %dma_wait3A_222 = arith.constant 0 : i32
    %dma_wait3A_223 = arith.constant 0 : i32
    %dma_wait3A_224 = tpu.memref_slice %arg7[%dma_wait3A_217, %dma_wait3A_218, %dma_wait3A_222, %dma_wait3A_223] : memref<4x4x8x129xf32, #tpu.memory_space<vmem>> -> memref<1x1x8x128xf32, #tpu.memory_space<vmem>>
    %dma_wait3A_225 = tpu.memref_squeeze %dma_wait3A_224 : memref<1x1x8x128xf32, #tpu.memory_space<vmem>> -> memref<8x128xf32, #tpu.memory_space<vmem>>
    %dma_wait3A_226 = arith.constant 0 : i32
    %dma_wait3A_227 = arith.constant 0 : i32
    %dma_wait3A_228 = tpu.memref_slice %arg4[%dma_wait3A_219, %dma_wait3A_220, %dma_wait3A_221, %dma_wait3A_226, %dma_wait3A_227] : memref<100x4x128x8x128xf32, #tpu.memory_space<hbm>> -> memref<1x1x1x8x128xf32, #tpu.memory_space<hbm>>
    %dma_wait3A_229 = tpu.memref_squeeze %dma_wait3A_228 : memref<1x1x1x8x128xf32, #tpu.memory_space<hbm>> -> memref<8x128xf32, #tpu.memory_space<hbm>>
    %dma_wait3A_230 = arith.constant 0 : i32
    %dma_wait3A_231 = arith.constant 0 : i32
    %dma_wait3A_232 = tpu.memref_slice %arg4[%dma_wait3A_219, %dma_wait3A_220, %dma_wait3A_221, %dma_wait3A_230, %dma_wait3A_231] : memref<100x4x128x8x128xf32, #tpu.memory_space<hbm>> -> memref<1x1x1x8x128xf32, #tpu.memory_space<hbm>>
    %dma_wait3A_233 = tpu.memref_squeeze %dma_wait3A_232 : memref<1x1x1x8x128xf32, #tpu.memory_space<hbm>> -> memref<8x128xf32, #tpu.memory_space<hbm>>
    %dma_wait3A_234 = arith.constant 0 : i32
    %dma_wait3A_235 = arith.constant 0 : i32
    %dma_wait3A_236 = tpu.memref_slice %arg7[%dma_wait3A_217, %dma_wait3A_218, %dma_wait3A_234, %dma_wait3A_235] : memref<4x4x8x129xf32, #tpu.memory_space<vmem>> -> memref<1x1x8x128xf32, #tpu.memory_space<vmem>>
    %dma_wait3A_237 = tpu.memref_squeeze %dma_wait3A_236 : memref<1x1x8x128xf32, #tpu.memory_space<vmem>> -> memref<8x128xf32, #tpu.memory_space<vmem>>
    tpu.wait_dma2 semaphore(%arg13 : memref<!tpu.dma_semaphore, #tpu.memory_space<semaphore_mem>>) src(%dma_wait3A_237 : memref<8x128xf32, #tpu.memory_space<vmem>>) dst(%dma_wait3A_233 : memref<8x128xf32, #tpu.memory_space<hbm>>)
    %dma_wait3A_238 = arith.constant 2 : i32
    %dma_wait3A_239 = arith.constant 0 : i32
    %dma_wait3A_240 = arith.constant 0 : i32
    %dma_wait3A_241 = arith.constant 0 : i32
    %dma_wait3A_242 = arith.constant 0 : i32
    %dma_wait3A_243 = arith.constant 0 : i32
    %dma_wait3A_244 = arith.constant 0 : i32
    %dma_wait3A_245 = tpu.memref_slice %arg7[%dma_wait3A_238, %dma_wait3A_239, %dma_wait3A_243, %dma_wait3A_244] : memref<4x4x8x129xf32, #tpu.memory_space<vmem>> -> memref<1x1x8x128xf32, #tpu.memory_space<vmem>>
    %dma_wait3A_246 = tpu.memref_squeeze %dma_wait3A_245 : memref<1x1x8x128xf32, #tpu.memory_space<vmem>> -> memref<8x128xf32, #tpu.memory_space<vmem>>
    %dma_wait3A_247 = arith.constant 0 : i32
    %dma_wait3A_248 = arith.constant 0 : i32
    %dma_wait3A_249 = tpu.memref_slice %arg4[%dma_wait3A_240, %dma_wait3A_241, %dma_wait3A_242, %dma_wait3A_247, %dma_wait3A_248] : memref<100x4x128x8x128xf32, #tpu.memory_space<hbm>> -> memref<1x1x1x8x128xf32, #tpu.memory_space<hbm>>
    %dma_wait3A_250 = tpu.memref_squeeze %dma_wait3A_249 : memref<1x1x1x8x128xf32, #tpu.memory_space<hbm>> -> memref<8x128xf32, #tpu.memory_space<hbm>>
    %dma_wait3A_251 = arith.constant 0 : i32
    %dma_wait3A_252 = arith.constant 0 : i32
    %dma_wait3A_253 = tpu.memref_slice %arg4[%dma_wait3A_240, %dma_wait3A_241, %dma_wait3A_242, %dma_wait3A_251, %dma_wait3A_252] : memref<100x4x128x8x128xf32, #tpu.memory_space<hbm>> -> memref<1x1x1x8x128xf32, #tpu.memory_space<hbm>>
    %dma_wait3A_254 = tpu.memref_squeeze %dma_wait3A_253 : memref<1x1x1x8x128xf32, #tpu.memory_space<hbm>> -> memref<8x128xf32, #tpu.memory_space<hbm>>
    %dma_wait3A_255 = arith.constant 0 : i32
    %dma_wait3A_256 = arith.constant 0 : i32
    %dma_wait3A_257 = tpu.memref_slice %arg7[%dma_wait3A_238, %dma_wait3A_239, %dma_wait3A_255, %dma_wait3A_256] : memref<4x4x8x129xf32, #tpu.memory_space<vmem>> -> memref<1x1x8x128xf32, #tpu.memory_space<vmem>>
    %dma_wait3A_258 = tpu.memref_squeeze %dma_wait3A_257 : memref<1x1x8x128xf32, #tpu.memory_space<vmem>> -> memref<8x128xf32, #tpu.memory_space<vmem>>
    tpu.wait_dma2 semaphore(%arg14 : memref<!tpu.dma_semaphore, #tpu.memory_space<semaphore_mem>>) src(%dma_wait3A_258 : memref<8x128xf32, #tpu.memory_space<vmem>>) dst(%dma_wait3A_254 : memref<8x128xf32, #tpu.memory_space<hbm>>)
    %dma_wait3A_259 = arith.constant 2 : i32
    %dma_wait3A_260 = arith.constant 1 : i32
    %dma_wait3A_261 = arith.constant 0 : i32
    %dma_wait3A_262 = arith.constant 1 : i32
    %dma_wait3A_263 = arith.constant 0 : i32
    %dma_wait3A_264 = arith.constant 0 : i32
    %dma_wait3A_265 = arith.constant 0 : i32
    %dma_wait3A_266 = tpu.memref_slice %arg7[%dma_wait3A_259, %dma_wait3A_260, %dma_wait3A_264, %dma_wait3A_265] : memref<4x4x8x129xf32, #tpu.memory_space<vmem>> -> memref<1x1x8x128xf32, #tpu.memory_space<vmem>>
    %dma_wait3A_267 = tpu.memref_squeeze %dma_wait3A_266 : memref<1x1x8x128xf32, #tpu.memory_space<vmem>> -> memref<8x128xf32, #tpu.memory_space<vmem>>
    %dma_wait3A_268 = arith.constant 0 : i32
    %dma_wait3A_269 = arith.constant 0 : i32
    %dma_wait3A_270 = tpu.memref_slice %arg4[%dma_wait3A_261, %dma_wait3A_262, %dma_wait3A_263, %dma_wait3A_268, %dma_wait3A_269] : memref<100x4x128x8x128xf32, #tpu.memory_space<hbm>> -> memref<1x1x1x8x128xf32, #tpu.memory_space<hbm>>
    %dma_wait3A_271 = tpu.memref_squeeze %dma_wait3A_270 : memref<1x1x1x8x128xf32, #tpu.memory_space<hbm>> -> memref<8x128xf32, #tpu.memory_space<hbm>>
    %dma_wait3A_272 = arith.constant 0 : i32
    %dma_wait3A_273 = arith.constant 0 : i32
    %dma_wait3A_274 = tpu.memref_slice %arg4[%dma_wait3A_261, %dma_wait3A_262, %dma_wait3A_263, %dma_wait3A_272, %dma_wait3A_273] : memref<100x4x128x8x128xf32, #tpu.memory_space<hbm>> -> memref<1x1x1x8x128xf32, #tpu.memory_space<hbm>>
    %dma_wait3A_275 = tpu.memref_squeeze %dma_wait3A_274 : memref<1x1x1x8x128xf32, #tpu.memory_space<hbm>> -> memref<8x128xf32, #tpu.memory_space<hbm>>
    %dma_wait3A_276 = arith.constant 0 : i32
    %dma_wait3A_277 = arith.constant 0 : i32
    %dma_wait3A_278 = tpu.memref_slice %arg7[%dma_wait3A_259, %dma_wait3A_260, %dma_wait3A_276, %dma_wait3A_277] : memref<4x4x8x129xf32, #tpu.memory_space<vmem>> -> memref<1x1x8x128xf32, #tpu.memory_space<vmem>>
    %dma_wait3A_279 = tpu.memref_squeeze %dma_wait3A_278 : memref<1x1x8x128xf32, #tpu.memory_space<vmem>> -> memref<8x128xf32, #tpu.memory_space<vmem>>
    tpu.wait_dma2 semaphore(%arg14 : memref<!tpu.dma_semaphore, #tpu.memory_space<semaphore_mem>>) src(%dma_wait3A_279 : memref<8x128xf32, #tpu.memory_space<vmem>>) dst(%dma_wait3A_275 : memref<8x128xf32, #tpu.memory_space<hbm>>)
    %dma_wait3A_280 = arith.constant 2 : i32
    %dma_wait3A_281 = arith.constant 2 : i32
    %dma_wait3A_282 = arith.constant 0 : i32
    %dma_wait3A_283 = arith.constant 2 : i32
    %dma_wait3A_284 = arith.constant 0 : i32
    %dma_wait3A_285 = arith.constant 0 : i32
    %dma_wait3A_286 = arith.constant 0 : i32
    %dma_wait3A_287 = tpu.memref_slice %arg7[%dma_wait3A_280, %dma_wait3A_281, %dma_wait3A_285, %dma_wait3A_286] : memref<4x4x8x129xf32, #tpu.memory_space<vmem>> -> memref<1x1x8x128xf32, #tpu.memory_space<vmem>>
    %dma_wait3A_288 = tpu.memref_squeeze %dma_wait3A_287 : memref<1x1x8x128xf32, #tpu.memory_space<vmem>> -> memref<8x128xf32, #tpu.memory_space<vmem>>
    %dma_wait3A_289 = arith.constant 0 : i32
    %dma_wait3A_290 = arith.constant 0 : i32
    %dma_wait3A_291 = tpu.memref_slice %arg4[%dma_wait3A_282, %dma_wait3A_283, %dma_wait3A_284, %dma_wait3A_289, %dma_wait3A_290] : memref<100x4x128x8x128xf32, #tpu.memory_space<hbm>> -> memref<1x1x1x8x128xf32, #tpu.memory_space<hbm>>
    %dma_wait3A_292 = tpu.memref_squeeze %dma_wait3A_291 : memref<1x1x1x8x128xf32, #tpu.memory_space<hbm>> -> memref<8x128xf32, #tpu.memory_space<hbm>>
    %dma_wait3A_293 = arith.constant 0 : i32
    %dma_wait3A_294 = arith.constant 0 : i32
    %dma_wait3A_295 = tpu.memref_slice %arg4[%dma_wait3A_282, %dma_wait3A_283, %dma_wait3A_284, %dma_wait3A_293, %dma_wait3A_294] : memref<100x4x128x8x128xf32, #tpu.memory_space<hbm>> -> memref<1x1x1x8x128xf32, #tpu.memory_space<hbm>>
    %dma_wait3A_296 = tpu.memref_squeeze %dma_wait3A_295 : memref<1x1x1x8x128xf32, #tpu.memory_space<hbm>> -> memref<8x128xf32, #tpu.memory_space<hbm>>
    %dma_wait3A_297 = arith.constant 0 : i32
    %dma_wait3A_298 = arith.constant 0 : i32
    %dma_wait3A_299 = tpu.memref_slice %arg7[%dma_wait3A_280, %dma_wait3A_281, %dma_wait3A_297, %dma_wait3A_298] : memref<4x4x8x129xf32, #tpu.memory_space<vmem>> -> memref<1x1x8x128xf32, #tpu.memory_space<vmem>>
    %dma_wait3A_300 = tpu.memref_squeeze %dma_wait3A_299 : memref<1x1x8x128xf32, #tpu.memory_space<vmem>> -> memref<8x128xf32, #tpu.memory_space<vmem>>
    tpu.wait_dma2 semaphore(%arg14 : memref<!tpu.dma_semaphore, #tpu.memory_space<semaphore_mem>>) src(%dma_wait3A_300 : memref<8x128xf32, #tpu.memory_space<vmem>>) dst(%dma_wait3A_296 : memref<8x128xf32, #tpu.memory_space<hbm>>)
    %dma_wait3A_301 = arith.constant 2 : i32
    %dma_wait3A_302 = arith.constant 3 : i32
    %dma_wait3A_303 = arith.constant 0 : i32
    %dma_wait3A_304 = arith.constant 3 : i32
    %dma_wait3A_305 = arith.constant 0 : i32
    %dma_wait3A_306 = arith.constant 0 : i32
    %dma_wait3A_307 = arith.constant 0 : i32
    %dma_wait3A_308 = tpu.memref_slice %arg7[%dma_wait3A_301, %dma_wait3A_302, %dma_wait3A_306, %dma_wait3A_307] : memref<4x4x8x129xf32, #tpu.memory_space<vmem>> -> memref<1x1x8x128xf32, #tpu.memory_space<vmem>>
    %dma_wait3A_309 = tpu.memref_squeeze %dma_wait3A_308 : memref<1x1x8x128xf32, #tpu.memory_space<vmem>> -> memref<8x128xf32, #tpu.memory_space<vmem>>
    %dma_wait3A_310 = arith.constant 0 : i32
    %dma_wait3A_311 = arith.constant 0 : i32
    %dma_wait3A_312 = tpu.memref_slice %arg4[%dma_wait3A_303, %dma_wait3A_304, %dma_wait3A_305, %dma_wait3A_310, %dma_wait3A_311] : memref<100x4x128x8x128xf32, #tpu.memory_space<hbm>> -> memref<1x1x1x8x128xf32, #tpu.memory_space<hbm>>
    %dma_wait3A_313 = tpu.memref_squeeze %dma_wait3A_312 : memref<1x1x1x8x128xf32, #tpu.memory_space<hbm>> -> memref<8x128xf32, #tpu.memory_space<hbm>>
    %dma_wait3A_314 = arith.constant 0 : i32
    %dma_wait3A_315 = arith.constant 0 : i32
    %dma_wait3A_316 = tpu.memref_slice %arg4[%dma_wait3A_303, %dma_wait3A_304, %dma_wait3A_305, %dma_wait3A_314, %dma_wait3A_315] : memref<100x4x128x8x128xf32, #tpu.memory_space<hbm>> -> memref<1x1x1x8x128xf32, #tpu.memory_space<hbm>>
    %dma_wait3A_317 = tpu.memref_squeeze %dma_wait3A_316 : memref<1x1x1x8x128xf32, #tpu.memory_space<hbm>> -> memref<8x128xf32, #tpu.memory_space<hbm>>
    %dma_wait3A_318 = arith.constant 0 : i32
    %dma_wait3A_319 = arith.constant 0 : i32
    %dma_wait3A_320 = tpu.memref_slice %arg7[%dma_wait3A_301, %dma_wait3A_302, %dma_wait3A_318, %dma_wait3A_319] : memref<4x4x8x129xf32, #tpu.memory_space<vmem>> -> memref<1x1x8x128xf32, #tpu.memory_space<vmem>>
    %dma_wait3A_321 = tpu.memref_squeeze %dma_wait3A_320 : memref<1x1x8x128xf32, #tpu.memory_space<vmem>> -> memref<8x128xf32, #tpu.memory_space<vmem>>
    tpu.wait_dma2 semaphore(%arg14 : memref<!tpu.dma_semaphore, #tpu.memory_space<semaphore_mem>>) src(%dma_wait3A_321 : memref<8x128xf32, #tpu.memory_space<vmem>>) dst(%dma_wait3A_317 : memref<8x128xf32, #tpu.memory_space<hbm>>)
    %dma_wait3A_322 = arith.constant 3 : i32
    %dma_wait3A_323 = arith.constant 0 : i32
    %dma_wait3A_324 = arith.constant 0 : i32
    %dma_wait3A_325 = arith.constant 0 : i32
    %dma_wait3A_326 = arith.constant 0 : i32
    %dma_wait3A_327 = arith.constant 0 : i32
    %dma_wait3A_328 = arith.constant 0 : i32
    %dma_wait3A_329 = tpu.memref_slice %arg7[%dma_wait3A_322, %dma_wait3A_323, %dma_wait3A_327, %dma_wait3A_328] : memref<4x4x8x129xf32, #tpu.memory_space<vmem>> -> memref<1x1x8x128xf32, #tpu.memory_space<vmem>>
    %dma_wait3A_330 = tpu.memref_squeeze %dma_wait3A_329 : memref<1x1x8x128xf32, #tpu.memory_space<vmem>> -> memref<8x128xf32, #tpu.memory_space<vmem>>
    %dma_wait3A_331 = arith.constant 0 : i32
    %dma_wait3A_332 = arith.constant 0 : i32
    %dma_wait3A_333 = tpu.memref_slice %arg4[%dma_wait3A_324, %dma_wait3A_325, %dma_wait3A_326, %dma_wait3A_331, %dma_wait3A_332] : memref<100x4x128x8x128xf32, #tpu.memory_space<hbm>> -> memref<1x1x1x8x128xf32, #tpu.memory_space<hbm>>
    %dma_wait3A_334 = tpu.memref_squeeze %dma_wait3A_333 : memref<1x1x1x8x128xf32, #tpu.memory_space<hbm>> -> memref<8x128xf32, #tpu.memory_space<hbm>>
    %dma_wait3A_335 = arith.constant 0 : i32
    %dma_wait3A_336 = arith.constant 0 : i32
    %dma_wait3A_337 = tpu.memref_slice %arg4[%dma_wait3A_324, %dma_wait3A_325, %dma_wait3A_326, %dma_wait3A_335, %dma_wait3A_336] : memref<100x4x128x8x128xf32, #tpu.memory_space<hbm>> -> memref<1x1x1x8x128xf32, #tpu.memory_space<hbm>>
    %dma_wait3A_338 = tpu.memref_squeeze %dma_wait3A_337 : memref<1x1x1x8x128xf32, #tpu.memory_space<hbm>> -> memref<8x128xf32, #tpu.memory_space<hbm>>
    %dma_wait3A_339 = arith.constant 0 : i32
    %dma_wait3A_340 = arith.constant 0 : i32
    %dma_wait3A_341 = tpu.memref_slice %arg7[%dma_wait3A_322, %dma_wait3A_323, %dma_wait3A_339, %dma_wait3A_340] : memref<4x4x8x129xf32, #tpu.memory_space<vmem>> -> memref<1x1x8x128xf32, #tpu.memory_space<vmem>>
    %dma_wait3A_342 = tpu.memref_squeeze %dma_wait3A_341 : memref<1x1x8x128xf32, #tpu.memory_space<vmem>> -> memref<8x128xf32, #tpu.memory_space<vmem>>
    tpu.wait_dma2 semaphore(%arg15 : memref<!tpu.dma_semaphore, #tpu.memory_space<semaphore_mem>>) src(%dma_wait3A_342 : memref<8x128xf32, #tpu.memory_space<vmem>>) dst(%dma_wait3A_338 : memref<8x128xf32, #tpu.memory_space<hbm>>)
    %dma_wait3A_343 = arith.constant 3 : i32
    %dma_wait3A_344 = arith.constant 1 : i32
    %dma_wait3A_345 = arith.constant 0 : i32
    %dma_wait3A_346 = arith.constant 1 : i32
    %dma_wait3A_347 = arith.constant 0 : i32
    %dma_wait3A_348 = arith.constant 0 : i32
    %dma_wait3A_349 = arith.constant 0 : i32
    %dma_wait3A_350 = tpu.memref_slice %arg7[%dma_wait3A_343, %dma_wait3A_344, %dma_wait3A_348, %dma_wait3A_349] : memref<4x4x8x129xf32, #tpu.memory_space<vmem>> -> memref<1x1x8x128xf32, #tpu.memory_space<vmem>>
    %dma_wait3A_351 = tpu.memref_squeeze %dma_wait3A_350 : memref<1x1x8x128xf32, #tpu.memory_space<vmem>> -> memref<8x128xf32, #tpu.memory_space<vmem>>
    %dma_wait3A_352 = arith.constant 0 : i32
    %dma_wait3A_353 = arith.constant 0 : i32
    %dma_wait3A_354 = tpu.memref_slice %arg4[%dma_wait3A_345, %dma_wait3A_346, %dma_wait3A_347, %dma_wait3A_352, %dma_wait3A_353] : memref<100x4x128x8x128xf32, #tpu.memory_space<hbm>> -> memref<1x1x1x8x128xf32, #tpu.memory_space<hbm>>
    %dma_wait3A_355 = tpu.memref_squeeze %dma_wait3A_354 : memref<1x1x1x8x128xf32, #tpu.memory_space<hbm>> -> memref<8x128xf32, #tpu.memory_space<hbm>>
    %dma_wait3A_356 = arith.constant 0 : i32
    %dma_wait3A_357 = arith.constant 0 : i32
    %dma_wait3A_358 = tpu.memref_slice %arg4[%dma_wait3A_345, %dma_wait3A_346, %dma_wait3A_347, %dma_wait3A_356, %dma_wait3A_357] : memref<100x4x128x8x128xf32, #tpu.memory_space<hbm>> -> memref<1x1x1x8x128xf32, #tpu.memory_space<hbm>>
    %dma_wait3A_359 = tpu.memref_squeeze %dma_wait3A_358 : memref<1x1x1x8x128xf32, #tpu.memory_space<hbm>> -> memref<8x128xf32, #tpu.memory_space<hbm>>
    %dma_wait3A_360 = arith.constant 0 : i32
    %dma_wait3A_361 = arith.constant 0 : i32
    %dma_wait3A_362 = tpu.memref_slice %arg7[%dma_wait3A_343, %dma_wait3A_344, %dma_wait3A_360, %dma_wait3A_361] : memref<4x4x8x129xf32, #tpu.memory_space<vmem>> -> memref<1x1x8x128xf32, #tpu.memory_space<vmem>>
    %dma_wait3A_363 = tpu.memref_squeeze %dma_wait3A_362 : memref<1x1x8x128xf32, #tpu.memory_space<vmem>> -> memref<8x128xf32, #tpu.memory_space<vmem>>
    tpu.wait_dma2 semaphore(%arg15 : memref<!tpu.dma_semaphore, #tpu.memory_space<semaphore_mem>>) src(%dma_wait3A_363 : memref<8x128xf32, #tpu.memory_space<vmem>>) dst(%dma_wait3A_359 : memref<8x128xf32, #tpu.memory_space<hbm>>)
    %dma_wait3A_364 = arith.constant 3 : i32
    %dma_wait3A_365 = arith.constant 2 : i32
    %dma_wait3A_366 = arith.constant 0 : i32
    %dma_wait3A_367 = arith.constant 2 : i32
    %dma_wait3A_368 = arith.constant 0 : i32
    %dma_wait3A_369 = arith.constant 0 : i32
    %dma_wait3A_370 = arith.constant 0 : i32
    %dma_wait3A_371 = tpu.memref_slice %arg7[%dma_wait3A_364, %dma_wait3A_365, %dma_wait3A_369, %dma_wait3A_370] : memref<4x4x8x129xf32, #tpu.memory_space<vmem>> -> memref<1x1x8x128xf32, #tpu.memory_space<vmem>>
    %dma_wait3A_372 = tpu.memref_squeeze %dma_wait3A_371 : memref<1x1x8x128xf32, #tpu.memory_space<vmem>> -> memref<8x128xf32, #tpu.memory_space<vmem>>
    %dma_wait3A_373 = arith.constant 0 : i32
    %dma_wait3A_374 = arith.constant 0 : i32
    %dma_wait3A_375 = tpu.memref_slice %arg4[%dma_wait3A_366, %dma_wait3A_367, %dma_wait3A_368, %dma_wait3A_373, %dma_wait3A_374] : memref<100x4x128x8x128xf32, #tpu.memory_space<hbm>> -> memref<1x1x1x8x128xf32, #tpu.memory_space<hbm>>
    %dma_wait3A_376 = tpu.memref_squeeze %dma_wait3A_375 : memref<1x1x1x8x128xf32, #tpu.memory_space<hbm>> -> memref<8x128xf32, #tpu.memory_space<hbm>>
    %dma_wait3A_377 = arith.constant 0 : i32
    %dma_wait3A_378 = arith.constant 0 : i32
    %dma_wait3A_379 = tpu.memref_slice %arg4[%dma_wait3A_366, %dma_wait3A_367, %dma_wait3A_368, %dma_wait3A_377, %dma_wait3A_378] : memref<100x4x128x8x128xf32, #tpu.memory_space<hbm>> -> memref<1x1x1x8x128xf32, #tpu.memory_space<hbm>>
    %dma_wait3A_380 = tpu.memref_squeeze %dma_wait3A_379 : memref<1x1x1x8x128xf32, #tpu.memory_space<hbm>> -> memref<8x128xf32, #tpu.memory_space<hbm>>
    %dma_wait3A_381 = arith.constant 0 : i32
    %dma_wait3A_382 = arith.constant 0 : i32
    %dma_wait3A_383 = tpu.memref_slice %arg7[%dma_wait3A_364, %dma_wait3A_365, %dma_wait3A_381, %dma_wait3A_382] : memref<4x4x8x129xf32, #tpu.memory_space<vmem>> -> memref<1x1x8x128xf32, #tpu.memory_space<vmem>>
    %dma_wait3A_384 = tpu.memref_squeeze %dma_wait3A_383 : memref<1x1x8x128xf32, #tpu.memory_space<vmem>> -> memref<8x128xf32, #tpu.memory_space<vmem>>
    tpu.wait_dma2 semaphore(%arg15 : memref<!tpu.dma_semaphore, #tpu.memory_space<semaphore_mem>>) src(%dma_wait3A_384 : memref<8x128xf32, #tpu.memory_space<vmem>>) dst(%dma_wait3A_380 : memref<8x128xf32, #tpu.memory_space<hbm>>)
    %dma_wait3A_385 = arith.constant 3 : i32
    %dma_wait3A_386 = arith.constant 3 : i32
    %dma_wait3A_387 = arith.constant 0 : i32
    %dma_wait3A_388 = arith.constant 3 : i32
    %dma_wait3A_389 = arith.constant 0 : i32
    %dma_wait3A_390 = arith.constant 0 : i32
    %dma_wait3A_391 = arith.constant 0 : i32
    %dma_wait3A_392 = tpu.memref_slice %arg7[%dma_wait3A_385, %dma_wait3A_386, %dma_wait3A_390, %dma_wait3A_391] : memref<4x4x8x129xf32, #tpu.memory_space<vmem>> -> memref<1x1x8x128xf32, #tpu.memory_space<vmem>>
    %dma_wait3A_393 = tpu.memref_squeeze %dma_wait3A_392 : memref<1x1x8x128xf32, #tpu.memory_space<vmem>> -> memref<8x128xf32, #tpu.memory_space<vmem>>
    %dma_wait3A_394 = arith.constant 0 : i32
    %dma_wait3A_395 = arith.constant 0 : i32
    %dma_wait3A_396 = tpu.memref_slice %arg4[%dma_wait3A_387, %dma_wait3A_388, %dma_wait3A_389, %dma_wait3A_394, %dma_wait3A_395] : memref<100x4x128x8x128xf32, #tpu.memory_space<hbm>> -> memref<1x1x1x8x128xf32, #tpu.memory_space<hbm>>
    %dma_wait3A_397 = tpu.memref_squeeze %dma_wait3A_396 : memref<1x1x1x8x128xf32, #tpu.memory_space<hbm>> -> memref<8x128xf32, #tpu.memory_space<hbm>>
    %dma_wait3A_398 = arith.constant 0 : i32
    %dma_wait3A_399 = arith.constant 0 : i32
    %dma_wait3A_400 = tpu.memref_slice %arg4[%dma_wait3A_387, %dma_wait3A_388, %dma_wait3A_389, %dma_wait3A_398, %dma_wait3A_399] : memref<100x4x128x8x128xf32, #tpu.memory_space<hbm>> -> memref<1x1x1x8x128xf32, #tpu.memory_space<hbm>>
    %dma_wait3A_401 = tpu.memref_squeeze %dma_wait3A_400 : memref<1x1x1x8x128xf32, #tpu.memory_space<hbm>> -> memref<8x128xf32, #tpu.memory_space<hbm>>
    %dma_wait3A_402 = arith.constant 0 : i32
    %dma_wait3A_403 = arith.constant 0 : i32
    %dma_wait3A_404 = tpu.memref_slice %arg7[%dma_wait3A_385, %dma_wait3A_386, %dma_wait3A_402, %dma_wait3A_403] : memref<4x4x8x129xf32, #tpu.memory_space<vmem>> -> memref<1x1x8x128xf32, #tpu.memory_space<vmem>>
    %dma_wait3A_405 = tpu.memref_squeeze %dma_wait3A_404 : memref<1x1x8x128xf32, #tpu.memory_space<vmem>> -> memref<8x128xf32, #tpu.memory_space<vmem>>
    tpu.wait_dma2 semaphore(%arg15 : memref<!tpu.dma_semaphore, #tpu.memory_space<semaphore_mem>>) src(%dma_wait3A_405 : memref<8x128xf32, #tpu.memory_space<vmem>>) dst(%dma_wait3A_401 : memref<8x128xf32, #tpu.memory_space<hbm>>)
    return
  }
}

</mosaic_0001>

<sc_bundles>
// kernel: kernel.3.cloned.1.call-start
scs
__scs_entry_jumppad:
0x0: {  	(pc) =	sbr.rel $0x88, $3  }
0x1: {  	(tag) =	ssettag $0x0;
	lr =	simm.s32 $0x1  }
0x2: {  	[smem:$0x3F9F] =	sst lr;
	_ =	strace $0xD0000000  }
0x3: {  	_ = 	snop  }
0x4: {  	_ = 	snop  }
0x5: {  	_ = 	snop  }
0x6: {  	_ = 	snop  }
0x7: {  	_ = 	snop  }
__scs_overlays_trampoline_lowered:
0x8: {  	[smem:$0x3FAE] =	sst s0  }
0x9: {  	[smem:$0x3FAF] =	sst s1  }
0xa: {  	[smem:$0x3FB0] =	sst s2  }
0xb: {  	[smem:$0x3FB1] =	sst s3  }
0xc: {  	[smem:$0x3FB2] =	sst s4  }
0xd: {  	[smem:$0x3FB3] =	sst s5  }
0xe: {  	[smem:$0x3FB4] =	sst s6  }
0xf: {  	[smem:$0x3FB5] =	sst s7  }
0x10: {  	[smem:$0x3FB6] =	sst s8  }
0x11: {  	[smem:$0x3FB7] =	sst s9;
	s0 =	simm.s32 @!p0 $0x0  }
0x12: {  	s1 =	sld [smem:$0x3F9D];
	s0 =	simm.s32 @p0 $0x1  }
0x13: {  	[smem:$0x3FB8] =	sst s0;
	s0 =	simm.s32 @!p1 $0x0  }
0x14: {  	s2 =	sld [smem:$0x3F9C];
	s0 =	simm.s32 @p1 $0x1  }
0x15: {  	[smem:$0x3FB9] =	sst s0;
	s0 =	simm.s32 @!p2 $0x0  }
0x16: {  	s3 =	sld [smem:$0x3FDB];
	s0 =	simm.s32 @p2 $0x1  }
0x17: {  	s4 =	simm.s32 $0x1BF5;
	[smem:$0x3FBB] =	sst s0  }
0x18: {  	s0 =	sld [smem:$0x3F9E];
	_ =	swait.ge [sflag:s4], $0x0  }
0x19: {  	s7 =	sld [smem:$0x3F9F]  }
0x1a: {  	s8 =	sadd.s32 $0xFFFFE003, lr  }
0x1b: {  	s9 =	sadd.s32 $0xFFFFFEF7, lr;
	s5 =	simm.s32 $0xFFFFFFFF;
	p2 =	slt.u32 s8, $0xFFFFF086  }
0x1c: {  	p1 =	slt.u32 s9, $0xF7A;
	s5 =	simm.s32 @!p2 $0x0  }
0x1d: {  	s5 =	simm.s32 @p1 $0x1;
	p0 =	seq.s32 s7, s2  }
0x1e: {  	s7 =	smul.u32 @!p0 $0xF7A, s2;
	p2 =	seq.s32 @!p0 s5, $0x0  }
0x1f: {  	s9 =	smul.u32 $0xF7A, s1;
	s8 =	simm.s32 @!p0 $0x1BF5;
	p2 =	por !p2, p0  }
0x20: {  	[sflag:s8] =	ssyncset.s32 @!p0 $0xFFFFF086;
	s6 =	sadd.s32 @!p0 s3, s7;
	s7 =	simm.s32 @!p0 $0x108  }
0x21: {  	s3 =	sadd.s32 s3, s9;
	s6 =	sadd.s32 @!p0 $0x88, s6;
	s7 =	simm.s32 @p2 $0x1082  }
0x22: {  	[simem:s7], [sflag:s8] =	dma.local @!p0 [hbm:s6], $0xF7A  }
0x23: {  	s9 =	sor.u32 $0xD0000000, s2;
	s6 =	simm.s32 $0x108;
	_ =	swait.ge @!p0 [sflag:s8], $0x0  }
0x24: {  	s3 =	sadd.s32 $0x88, s3;
	s6 =	simm.s32 @!p1 $0x1082;
	[sflag:s4] =	ssyncset.s32 $0xFFFFF086  }
0x25: {  	[simem:s6], [sflag:s4] =	dma.local [hbm:s3], $0xF7A  }
0x26: {  	[smem:$0x3F9F] =	sst s1;
	(tag) =	ssettag s2;
	_ =	strace s9  }
0x27: {  	s1 =	sld [smem:$0x3FAF]  }
0x28: {  	s2 =	sld [smem:$0x3FB0]  }
0x29: {  	s4 =	sld [smem:$0x3FB2]  }
0x2a: {  	p0 =	seq.s32 s5, $0x0;
	s5 =	sld [smem:$0x3FB3]  }
0x2b: {  	s6 =	sld [smem:$0x3FB4]  }
0x2c: {  	s7 =	sld [smem:$0x3FB5]  }
0x2d: {  	s3 =	simm.s32 $0x108;
	s8 =	sld [smem:$0x3FB6]  }
0x2e: {  	s3 =	simm.s32 @!p0 $0x1082;
	s9 =	sld [smem:$0x3FB7]  }
0x2f: {  	lr =	sadd.s32 s0, s3;
	s0 =	sld [smem:$0x3FAE]  }
0x30: {  	s3 =	sld [smem:$0x3FB1]  }
0x31: {  	[smem:$0x3FBA] =	sst s10  }
0x32: {  	s10 =	sld [smem:$0x3FB8];
	_ =	sdelay $0x3  }
0x33: {  	p0 =	seq.s32 s10, $0x1;
	s10 =	sld [smem:$0x3FBA];
	_ =	sdelay $0x3  }
0x34: {  	[smem:$0x3FBA] =	sst s10  }
0x35: {  	s10 =	sld [smem:$0x3FB9];
	_ =	sdelay $0x3  }
0x36: {  	p1 =	seq.s32 s10, $0x1;
	s10 =	sld [smem:$0x3FBA];
	_ =	sdelay $0x3  }
0x37: {  	[smem:$0x3FBA] =	sst s10  }
0x38: {  	s10 =	sld [smem:$0x3FBB]  }
0x39: {  	_ = 	snop;
	(pc) =	sbr.ind lr, $3  }
0x3a: {  	_ = 	snop  }
0x3b: {  	_ = 	snop  }
0x3c: {  	p2 =	seq.s32 s10, $0x1;
	s10 =	sld [smem:$0x3FBA]  }
0x3d: {  	_ =	shalt  }
0x3e: {  	_ =	shalt  }
0x3f: {  	_ =	shalt  }
0x40: {  	_ =	shalt  }
0x41: {  	_ =	shalt  }
0x42: {  	_ =	shalt  }
0x43: {  	_ =	shalt  }
0x44: {  	_ =	shalt  }
0x45: {  	_ =	shalt  }
0x46: {  	_ =	shalt  }
0x47: {  	_ =	shalt  }
0x48: {  	_ =	shalt  }
0x49: {  	_ =	shalt  }
0x4a: {  	_ =	shalt  }
0x4b: {  	_ =	shalt  }
0x4c: {  	_ =	shalt  }
0x4d: {  	_ =	shalt  }
0x4e: {  	_ =	shalt  }
0x4f: {  	_ =	shalt  }
0x50: {  	_ =	shalt  }
0x51: {  	_ =	shalt  }
0x52: {  	_ =	shalt  }
0x53: {  	_ =	shalt  }
0x54: {  	_ =	shalt  }
0x55: {  	_ =	shalt  }
0x56: {  	_ =	shalt  }
0x57: {  	_ =	shalt  }
0x58: {  	_ =	shalt  }
0x59: {  	_ =	shalt  }
0x5a: {  	_ =	shalt  }
0x5b: {  	_ =	shalt  }
0x5c: {  	_ =	shalt  }
0x5d: {  	_ =	shalt  }
0x5e: {  	_ =	shalt  }
0x5f: {  	_ =	shalt  }
0x60: {  	_ =	shalt  }
0x61: {  	_ =	shalt  }
0x62: {  	_ =	shalt  }
0x63: {  	_ =	shalt  }
0x64: {  	_ =	shalt  }
0x65: {  	_ =	shalt  }
0x66: {  	_ =	shalt  }
0x67: {  	_ =	shalt  }
0x68: {  	_ =	shalt  }
0x69: {  	_ =	shalt  }
0x6a: {  	_ =	shalt  }
0x6b: {  	_ =	shalt  }
0x6c: {  	_ =	shalt  }
0x6d: {  	_ =	shalt  }
0x6e: {  	_ =	shalt  }
0x6f: {  	_ =	shalt  }
0x70: {  	_ =	shalt  }
0x71: {  	_ =	shalt  }
0x72: {  	_ =	shalt  }
0x73: {  	_ =	shalt  }
0x74: {  	_ =	shalt  }
0x75: {  	_ =	shalt  }
0x76: {  	_ =	shalt  }
0x77: {  	_ =	shalt  }
0x78: {  	_ =	shalt  }
0x79: {  	_ =	shalt  }
0x7a: {  	_ =	shalt  }
0x7b: {  	_ =	shalt  }
0x7c: {  	_ =	shalt  }
0x7d: {  	_ =	shalt  }
0x7e: {  	_ =	shalt  }
0x7f: {  	_ =	shalt  }
0x80: {  	_ =	shalt  }
0x81: {  	_ =	shalt  }
0x82: {  	_ =	shalt  }
0x83: {  	_ =	shalt  }
0x84: {  	_ =	shalt  }
0x85: {  	_ =	shalt  }
0x86: {  	_ =	shalt  }
0x87: {  	_ =	shalt  }
.Lfunc_end0:
.L_simem_size_0:
called_computation.1_lowered:
.L_overlay_start_0:
0x88: {  	s2 =	sld [smem:$0x3FD9]  }
0x89: {  	s3 =	sld [smem:$0x3FFE];
	_ =	sdelay $0x1  }
0x8a: {  	s1 =	srdreg.scid  }
0x8b: {  	s0 =	sand.u32 $0x1, s1  }
0x8c: {  	s17 =	sshll.u32 s0, $0xA;
	s2 =	sadd.s32 s3, s2  }
0x8d: {  	s2 =	sadd.s32 s2, s17  }
0x8e: {  	[smem:$0x3FC6] =	sst s2  }
0x8f: {  	_ = 	snop  }
0x90: {  	s2 =	sld [smem:$0x3FD0];
	(tm) =	ssettm $0x1  }
0x91: {  	s18 =	sld [smem:$0x3FFB];
	_ =	sdelay $0x3  }
0x92: {  	_ =	strace s18  }
0x93: {  	s3 =	sld [smem:$0x3FFC];
	_ =	sdelay $0x3  }
0x94: {  	_ =	strace s3  }
0x95: {  	s3 =	sld [smem:$0x3FFD];
	_ =	sdelay $0x3  }
0x96: {  	_ =	strace s3  }
0x97: {  	_ =	strace $0x8FFFFFFF  }
0x98: {  	s19 =	sld [smem:$0x3FDB];
	_ =	sdelay $0x1  }
0x99: {  	s4 =	simm.s32 $_scs_section_size  }
0x9a: {  	s5 =	simm.s32 $_size__tile_overlayer_lowered;
	s6 =	simm.s32 $_tile_overlayer_lowered  }
0x9b: {  	s22 =	simm.s32 $0x1BFF;
	s21 =	sshll.u32 s6, $0x1;
	s3 =	sadd.s32 s4, s19  }
0x9c: {  	s7 =	simm.s32 $0x0;
	s20 =	sshll.u32 s5, $0x1;
	s5 =	sadd.s32 s21, s3  }
0x9d: {  	[timem:s7], [sflag:s22] =	dma.local [hbm:s5], s20  }
0x9e: {  	_ =	swait.ge [sflag:s22], s20  }
0x9f: {  	s4 =	ssub.s32 $0x0, s20;
	[sflag:s22] =	ssyncset.done $0x0  }
0xa0: {  	[sflag:s22] =	ssyncadd.s32 s4;
	_ =	sdelay $0x1  }
0xa1: {  	s23 =	simm.s32 $0x1B8B  }
0xa2: {  	_ =	swait.ge [sflag:s23], $0x1  }
0xa3: {  	[sflag:s23] =	ssyncset.done $0x0  }
0xa4: {  	s25 =	simm.s32 $0x1B8E;
	s24 =	sld [smem:$0x3FFE];
	[sflag:s23] =	ssyncadd.s32 $0xFFFFFFFF  }
0xa5: {  	s26 =	simm.s32 $execute0_lowered;
	[smem:$0x3FD2] =	sst s25  }
0xa6: {  	s5 =	sshll.u32 s26, $0x1;
	_ =	strace $0x80000049;
	[dreg:$0x1] =	wrdreg $0xFFFFFFFF  }
0xa7: {  	s28 =	simm.s32 $_size_execute0_lowered;
	s3 =	sadd.s32 s3, s5;
	[dreg:$0x0] =	wrdreg $0x0  }
0xa8: {  	s5 =	sshll.u32 s28, $0x1;
	[dreg:$0x2] =	wrdreg s3  }
0xa9: {  	[dreg:$0x3] =	wrdreg s5  }
0xaa: {  	[dreg:$0x4] =	wrdreg $0xC0  }
0xab: {  	_ =	task [dreg:s7], $0x5FFFF  }
0xac: {  	[dreg:$0x1] =	wrdreg $0xFFFFFFFF  }
0xad: {  	[dreg:$0x0] =	wrdreg $0x60  }
0xae: {  	[dreg:$0x2] =	wrdreg s24  }
0xaf: {  	[dreg:$0x3] =	wrdreg s2  }
0xb0: {  	[dreg:$0x4] =	wrdreg $0x9  }
0xb1: {  	_ =	task.clear_ibuf [dreg:s7], $0x5FFFF;
	_ =	strace $0x90000049  }
0xb2: {  	s29 =	simm.s32 $0x9;
	_ =	strace $0x8000004B  }
0xb3: {  	_ =	swait.ge [sflag:s29], $0x1  }
0xb4: {  	[sflag:s29] =	ssyncadd.s32 $0xFFFFFFFF  }
0xb5: {  	_ =	strace $0x9000004B  }
0xb6: {  	_ =	sfence  }
0xb7: {  	s30 =	sld [smem:$0x0];
	_ =	sdelay $0x2  }
0xb8: {  	s31 =	sshll.u32 s1, $0xD;
	s1 =	sshrl.u32 s1, $0x2  }
0xb9: {  	s3 =	sand.u32 $0x4000, s31;
	s1 =	sadd.s32 s1, s30  }
0xba: {  	s0 =	sor.u32 s3, s0;
	s1 =	sshll.u32 s1, $0x11  }
0xbb: {  	s0 =	sor.u32 s1, s0  }
0xbc: {  	s0 =	sadd.s32 $0x8F2B, s0  }
0xbd: {  	[sflag:s0] =	ssyncadd.remote.s32 $0x1  }
0xbe: {  	_ =	sfence.sel $0xFFFF  }
0xbf: {  	[dreg:$0x0] =	wrdreg $0xFFFFFFFF;
	(pc) =	sbr.abs _section_cstart, $3  }
0xc0: {  	[dreg:$0x1] =	wrdreg $0xFFFFFFFF  }
0xc1: {  	_ =	task.clear_ibuf [dreg:s7], $0x2FFFF;
	_ =	strace $0x9FFFFFFF  }
0xc2: {  	(tm) =	ssettm $0x7FFFFFFF  }
0xc3: {  	_ =	shalt  }
tec
execute0_lowered:
.L_overlay_start_1:
0x0: {  	(tag) =	ssettag $0x1  }
0x1: {  	s0 =	srdreg.scid;
	s2 =	stileid.u32  }
0x2: {  	s1 =	rddreg [dreg:$0x0];
	s9 =	simm.s32 $0x80;
	s16 =	simm.s32 $0x1  }
0x3: {  	s17 =	simm.s32 $0x10800;
	s25 =	simm.s32 $0x2;
	s26 =	simm.s32 $0x11900  }
0x4: {  	s13 =	simm.s32 $0x3;
	s14 =	simm.s32 $0x12A00;
	s28 =	simm.s32 $0x4  }
0x5: {  	s29 =	simm.s32 $0x13B00;
	s10 =	simm.s32 $0x14738;
	s11 =	simm.s32 $0x147C0  }
0x6: {  	s12 =	simm.s32 $0x14848;
	s8 =	simm.s32 $0x149E0;
	s15 =	simm.s32 $0x14A68  }
0x7: {  	v0 =	vlaneseq.u32;
	s18 =	simm.s32 $0x14AF0;
	s0 =	sand.u32 $0x1, s0;
	s3 =	sshll.u32 s2, $0x1  }
0x8: {  	v1 =	vimm.s32 $0x0;
	vm0 =	vcmask $0x300;
	s19 =	simm.s32 $0x14B78;
	s20 =	simm.s32 $0x0;
	v0 =	vmul.u32 $0x88, v0;
	s5 =	sor.u32 s0, s3  }
0x9: {  	s2 =	rddreg [dreg:$0x1];
	v1 =	vsel vm0, $0x3, v1;
	s0 =	ssub.s32 $0x2, s0;
	s4 =	smul.u32 $0x1900, s5  }
.Ltmp0:
0xa: {  	s3 =	simm.s32 $0x0;
	s7 =	sshrl.u32 s0, $0x1;
	v2 =	vadd.s32 $0x880, v0;
	v3 =	vor.u32 $0x1, v0;
	v4 =	vadd.s32 $0x881, v0;
	(pc) =	sbr.rel .LBB2_1-.Ltmp0, $4  }
0xb: {  	[smem:$0x7FF] =	sst s3;
	s5 =	smul.u32 $0x190, s5;
	v5 =	vor.u32 $0x2, v0;
	v6 =	vadd.s32 $0x882, v0;
	v7 =	vor.u32 $0x3, v0;
	s0 =	ssub.s32 s0, s7  }
0xc: {  	v8 =	vadd.s32 $0x883, v0;
	v9 =	vor.u32 $0x4, v0;
	v10 =	vadd.s32 $0x884, v0;
	_ =	strace $0x8000004A;
	s6 =	sadd.s32 s4, s1;
	s0 =	smax.u32 s0, $0x1  }
0xd: {  	v11 =	vor.u32 $0x5, v0;
	v12 =	vadd.s32 $0x885, v0;
	v13 =	vor.u32 $0x6, v0;
	s7 =	simm.s32 $0x14958;
	s31 =	sadd.s32 $0xF42E00, s6;
	[dreg:$0x4] =	wrdreg s0  }
0xe: {  	v14 =	vadd.s32 $0x886, v0;
	v15 =	vor.u32 $0x7, v0;
	v16 =	vadd.s32 $0x887, v0;
	s4 =	sadd.s32 $0xF74E00, s1;
	s6 =	simm.s32 $0x148D0;
	[dreg:$0x3] =	wrdreg s31  }
.LBB2_12:
0xf: {  	s0 =	simm.s32 $0x5  }
0x10: {  	_ =	swait.ge [sflag:s0], $0x400  }
0x11: {  	[sflag:s0] =	ssyncset.done $0x0  }
0x12: {  	[sflag:s0] =	ssyncadd.s32 $0xFFFFFC00  }
0x13: {  	_ =	swait.ge [sflag:s0], $0x400  }
0x14: {  	[sflag:s0] =	ssyncset.done $0x0  }
0x15: {  	[sflag:s0] =	ssyncadd.s32 $0xFFFFFC00  }
0x16: {  	_ =	swait.ge [sflag:s0], $0x400  }
0x17: {  	[sflag:s0] =	ssyncset.done $0x0  }
0x18: {  	[sflag:s0] =	ssyncadd.s32 $0xFFFFFC00  }
0x19: {  	_ =	swait.ge [sflag:s0], $0x400  }
0x1a: {  	[sflag:s0] =	ssyncset.done $0x0  }
0x1b: {  	s24 =	simm.s32 $0x6;
	[sflag:s0] =	ssyncadd.s32 $0xFFFFFC00  }
0x1c: {  	_ =	swait.ge [sflag:s24], $0x400  }
0x1d: {  	[sflag:s24] =	ssyncset.done $0x0  }
0x1e: {  	[sflag:s24] =	ssyncadd.s32 $0xFFFFFC00  }
0x1f: {  	_ =	swait.ge [sflag:s24], $0x400  }
0x20: {  	[sflag:s24] =	ssyncset.done $0x0  }
0x21: {  	[sflag:s24] =	ssyncadd.s32 $0xFFFFFC00  }
0x22: {  	_ =	swait.ge [sflag:s24], $0x400  }
0x23: {  	[sflag:s24] =	ssyncset.done $0x0  }
0x24: {  	[sflag:s24] =	ssyncadd.s32 $0xFFFFFC00  }
0x25: {  	_ =	swait.ge [sflag:s24], $0x400  }
0x26: {  	[sflag:s24] =	ssyncset.done $0x0  }
0x27: {  	s30 =	simm.s32 $0x7;
	[sflag:s24] =	ssyncadd.s32 $0xFFFFFC00  }
0x28: {  	_ =	swait.ge [sflag:s30], $0x400  }
0x29: {  	[sflag:s30] =	ssyncset.done $0x0  }
0x2a: {  	[sflag:s30] =	ssyncadd.s32 $0xFFFFFC00  }
0x2b: {  	_ =	swait.ge [sflag:s30], $0x400  }
0x2c: {  	[sflag:s30] =	ssyncset.done $0x0  }
0x2d: {  	[sflag:s30] =	ssyncadd.s32 $0xFFFFFC00  }
0x2e: {  	_ =	swait.ge [sflag:s30], $0x400  }
0x2f: {  	[sflag:s30] =	ssyncset.done $0x0  }
0x30: {  	[sflag:s30] =	ssyncadd.s32 $0xFFFFFC00  }
0x31: {  	_ =	swait.ge [sflag:s30], $0x400  }
0x32: {  	[sflag:s30] =	ssyncset.done $0x0  }
0x33: {  	s1 =	simm.s32 $0x8;
	[sflag:s30] =	ssyncadd.s32 $0xFFFFFC00  }
0x34: {  	_ =	swait.ge [sflag:s1], $0x400  }
0x35: {  	[sflag:s1] =	ssyncset.done $0x0  }
0x36: {  	[sflag:s1] =	ssyncadd.s32 $0xFFFFFC00  }
0x37: {  	_ =	swait.ge [sflag:s1], $0x400  }
0x38: {  	[sflag:s1] =	ssyncset.done $0x0  }
0x39: {  	[sflag:s1] =	ssyncadd.s32 $0xFFFFFC00  }
0x3a: {  	_ =	swait.ge [sflag:s1], $0x400  }
0x3b: {  	[sflag:s1] =	ssyncset.done $0x0  }
0x3c: {  	[sflag:s1] =	ssyncadd.s32 $0xFFFFFC00  }
0x3d: {  	_ =	swait.ge [sflag:s1], $0x400  }
0x3e: {  	s20 =	rddreg [dreg:$0x5]  }
0x3f: {  	s31 =	rddreg [dreg:$0x4];
	s20 =	sadd.s32 $0x1, s20  }
0x40: {  	p0 =	sne.s32 s20, s31  }
.Ltmp1:
0x41: {  	_ = 	snop;
	(pc) =	sbr.rel @!p0 .LBB2_13-.Ltmp1, $3  }
0x42: {  	_ =	sdelay $0x1  }
0x43: {  	[sflag:s1] =	ssyncset.done $0x0  }
0x44: {  	[sflag:s1] =	ssyncadd.s32 $0xFFFFFC00  }
.LBB2_1:
0x45: {  	[dreg:$0x5] =	wrdreg s20  }
0x46: {  	s0 =	rddreg [dreg:$0x3];
	s21 =	simm.s32 $0x9  }
0x47: {  	[tilespmem:s3], [sflag:$0x9] =	stream.linear.gather [hbm4b:s0+s3], $0xC800, $0x38;
	[tilespmem:$0x14C00] =	vst v63  }
0x48: {  	_ =	swait.ge [sflag:s21], $0xC800  }
0x49: {  	[sflag:s21] =	ssyncset.done $0x0  }
0x4a: {  	s22 =	simm.s32 $0xC800;
	[sflag:s21] =	ssyncadd.s32 $0xFFFF3800  }
0x4b: {  	[tilespmem:s22], [sflag:$0x1] =	stream.indirect.gather [hbm4b:s4+s9], $0x20, s3, s9, $0xb8;
	[tilespmem:$0x14C00] =	vst v63  }
0x4c: {  	s23 =	simm.s32 $0xD800  }
0x4d: {  	[tilespmem:s23], [sflag:$0x2] =	stream.indirect.gather [hbm4b:s4+s9], $0x20, s9, s9, $0xb8;
	[tilespmem:$0x14C00] =	vst v63  }
0x4e: {  	s24 =	simm.s32 $0x100;
	s1 =	simm.s32 $0xE800  }
0x4f: {  	[tilespmem:s1], [sflag:$0x3] =	stream.indirect.gather [hbm4b:s4+s9], $0x20, s24, s9, $0xb8;
	[tilespmem:$0x14C00] =	vst v63  }
0x50: {  	s30 =	simm.s32 $0x180;
	s31 =	simm.s32 $0xF800;
	s20 =	simm.s32 $0x0  }
0x51: {  	[tilespmem:s31], [sflag:$0x4] =	stream.indirect.gather [hbm4b:s4+s9], $0x20, s30, s9, $0xb8;
	[tilespmem:$0x14C00] =	vst v63  }
.LBB2_2:
0x52: {  	_ =	swait.ge [sflag:s16], $0x1000  }
0x53: {  	p0 =	seq.s32 s20, $0x0;
	[sflag:s16] =	ssyncset.done $0x0  }
0x54: {  	s1 =	simm.s32 @!p0 $0x5;
	[sflag:s16] =	ssyncadd.s32 $0xFFFFF000  }
0x55: {  	_ =	swait.ge @!p0 [sflag:s1], $0x400  }
0x56: {  	[sflag:s1] =	ssyncset.done @!p0 $0x0  }
0x57: {  	[sflag:s1] =	ssyncadd.s32 @!p0 $0xFFFFFC00  }
0x58: {  	s21 =	simm.s32 $0x0;
	_ =	swait.ge @!p0 [sflag:s1], $0x400  }
0x59: {  	s0 =	simm.s32 $0x1;
	s22 =	simm.s32 $0x2;
	[sflag:s1] =	ssyncset.done @!p0 $0x0  }
0x5a: {  	s23 =	simm.s32 $0x3;
	s24 =	simm.s32 $0x6;
	v17 =	vmov s21;
	[sflag:s1] =	ssyncadd.s32 @!p0 $0xFFFFFC00  }
0x5b: {  	v18 =	vmov s0;
	v19 =	vmov s22;
	s22 =	simm.s32 $0x4;
	v20 =	vmov s23;
	s0 =	simm.s32 $0x7;
	_ =	swait.ge @!p0 [sflag:s1], $0x400  }
0x5c: {  	s23 =	simm.s32 $0x5;
	v24 =	vmov s24;
	v21 =	vmov s22;
	v23 =	vmov s0;
	[sflag:s1] =	ssyncset.done @!p0 $0x0  }
0x5d: {  	v22 =	vmov s23;
	v18 =	vshrl.u32 v18, $0x3;
	v23 =	vshrl.u32 v23, $0x3;
	[sflag:s1] =	ssyncadd.s32 @!p0 $0xFFFFFC00  }
0x5e: {  	v19 =	vshrl.u32 v19, $0x3;
	v20 =	vshrl.u32 v20, $0x3;
	v23 =	vshll.u32 v23, v1;
	_ =	swait.ge @!p0 [sflag:s1], $0x400  }
0x5f: {  	v21 =	vshrl.u32 v21, $0x3;
	v18 =	vshll.u32 v18, v1;
	v25 =	vbroadcast v23, $0x0;
	[sflag:s1] =	ssyncset.done @!p0 $0x0  }
0x60: {  	s24 =	simm.s32 $0xC880;
	v22 =	vshrl.u32 v22, $0x3;
	v31 =	vbroadcast v18, $0x0;
	v18 =	vshll.u32 v19, v1;
	[sflag:s1] =	ssyncadd.s32 @!p0 $0xFFFFFC00  }
0x61: {  	v34 =	vbroadcast v18, $0x0;
	v18 =	vshll.u32 v20, v1;
	v26 =	vadd.s32 v15, v25;
	v23 =	vld [tilespmem:s24+$0x60]  }
0x62: {  	v28 =	vadd.s32 v3, v31;
	v20 =	vbroadcast v18, $0x0;
	v18 =	vshll.u32 v21, v1;
	v27 =	vld [tilespmem:s24+$0xFFFFFFA0]  }
0x63: {  	v29 =	vadd.s32 v5, v34;
	v19 =	vbroadcast v18, $0x0;
	v18 =	vshll.u32 v22, v1;
	v21 =	vld [tilespmem:s24+$0xFFFFFFC0]  }
0x64: {  	v22 =	vshrl.u32 v24, $0x3;
	v33 =	vadd.s32 v7, v20;
	v18 =	vbroadcast v18, $0x0;
	v32 =	vld [tilespmem:s24+$0xFFFFFFE0]  }
0x65: {  	v17 =	vshrl.u32 v17, $0x3;
	v22 =	vshll.u32 v22, v1;
	v39 =	vadd.s32 v9, v19;
	v37 =	vld [tilespmem:s24+$0x0]  }
0x66: {  	s21 =	simm.s32 $0x9;
	v24 =	vshll.u32 v17, v1;
	v22 =	vbroadcast v22, $0x0;
	v41 =	vadd.s32 v11, v18;
	v40 =	vld [tilespmem:s24+$0x20];
	[tilespmem:v26+s17+$0x0] =	vst.idx.msk $0xffff, v23  }
0x67: {  	s22 =	simm.s32 $0xA;
	v42 =	vmov s21;
	s23 =	simm.s32 $0xB;
	v25 =	vadd.s32 v16, v25;
	v23 =	vbroadcast v24, $0x0;
	[tilespmem:v28+s17+$0x0] =	vst.idx.msk $0xffff, v27;
	v24 =	vld [tilespmem:s24+$0x70]  }
0x68: {  	s0 =	simm.s32 $0x8;
	v43 =	vmov s22;
	v38 =	vmov s23;
	s23 =	simm.s32 $0xD;
	[tilespmem:v29+s17+$0x0] =	vst.idx.msk $0xffff, v21;
	v26 =	vld [tilespmem:s24+$0x40];
	v27 =	vadd.s32 v13, v22  }
0x69: {  	s21 =	sshll.u32 s20, $0x2;
	v36 =	vmov s23;
	v17 =	vmov s0;
	s0 =	simm.s32 $0xC;
	v28 =	vld [tilespmem:s24+$0xFFFFFF80];
	[tilespmem:v33+s17+$0x0] =	vst.idx.msk $0xffff, v32;
	v30 =	vadd.s32 v0, v23  }
0x6a: {  	s22 =	sadd.s32 s5, s21;
	v34 =	vadd.s32 v6, v34;
	v35 =	vmov s0;
	s0 =	simm.s32 $0xE;
	v33 =	vadd.s32 v4, v31;
	[tilespmem:v39+s17+$0x0] =	vst.idx.msk $0xffff, v37;
	v29 =	vld [tilespmem:s24+$0xFFFFFFB0]  }
0x6b: {  	s31 =	simm.s32 $0xF;
	s30 =	simm.s32 $0x10;
	s23 =	sshrl.u32 s22, $0x7;
	v21 =	vmov s0;
	v37 =	vshrl.u32 v42, $0x3;
	v31 =	vshrl.u32 v43, $0x3;
	[tilespmem:v41+s17+$0x0] =	vst.idx.msk $0xffff, v40;
	v32 =	vld [tilespmem:s24+$0xFFFFFFD0]  }
.LBB2_3:
0x6c: {  	p1 =	slt.u32 s30, $0x78;
	v38 =	vshrl.u32 v38, $0x3;
	v39 =	vmov s31;
	v40 =	vld [tilespmem:s24+$0xFFFFFFF0];
	v20 =	vadd.s32 v8, v20;
	[tilespmem:v25+s17+$0x0] =	vst.idx.msk $0xffff, v24  }
0x6d: {  	v24 =	vshrl.u32 v35, $0x3;
	v19 =	vadd.s32 v10, v19;
	v25 =	vshrl.u32 v39, $0x3;
	v35 =	vld [tilespmem:s24+$0x10];
	[tilespmem:v27+s17+$0x0] =	vst.idx.msk $0xffff, v26  }
0x6e: {  	v18 =	vadd.s32 v12, v18;
	v26 =	vshrl.u32 v36, $0x3;
	v25 =	vshll.u32 v25, v1;
	[tilespmem:v30+s17+$0x0] =	vst.idx.msk $0xffff, v28;
	v27 =	vld [tilespmem:s24+$0x30]  }
0x6f: {  	v22 =	vadd.s32 v14, v22;
	v28 =	vshll.u32 v37, v1;
	v25 =	vbroadcast v25, $0x0;
	[tilespmem:v33+s17+$0x0] =	vst.idx.msk $0xffff, v29;
	v29 =	vld [tilespmem:s24+$0x50]  }
0x70: {  	v23 =	vadd.s32 v2, v23;
	v33 =	vbroadcast v28, $0x0;
	v28 =	vshll.u32 v31, v1;
	v30 =	vld [tilespmem:s24+$0xFFFFFF90];
	[tilespmem:v34+s17+$0x0] =	vst.idx.msk $0xffff, v32;
	s24 =	sadd.s32 $0x100, s24  }
0x71: {  	v34 =	vbroadcast v28, $0x0;
	v28 =	vshll.u32 v38, v1;
	v31 =	vld [tilespmem:s24+$0x60];
	v32 =	vadd.s32 v15, v25;
	[tilespmem:v20+s17+$0x0] =	vst.idx.msk $0xffff, v40  }
0x72: {  	v24 =	vshll.u32 v24, v1;
	v37 =	vadd.s32 v3, v33;
	v20 =	vbroadcast v28, $0x0;
	v36 =	vld [tilespmem:s24+$0xFFFFFFA0];
	[tilespmem:v19+s17+$0x0] =	vst.idx.msk $0xffff, v35  }
0x73: {  	v35 =	vadd.s32 v5, v34;
	v19 =	vbroadcast v24, $0x0;
	v24 =	vshll.u32 v26, v1;
	v28 =	vld [tilespmem:s24+$0xFFFFFFC0];
	[tilespmem:v18+s17+$0x0] =	vst.idx.msk $0xffff, v27  }
0x74: {  	v21 =	vshrl.u32 v21, $0x3;
	v40 =	vadd.s32 v7, v20;
	v18 =	vbroadcast v24, $0x0;
	v39 =	vld [tilespmem:s24+$0xFFFFFFE0];
	[tilespmem:v22+s17+$0x0] =	vst.idx.msk $0xffff, v29  }
0x75: {  	v17 =	vshrl.u32 v17, $0x3;
	v21 =	vshll.u32 v21, v1;
	v42 =	vadd.s32 v9, v19;
	v41 =	vld [tilespmem:s24+$0x0];
	[tilespmem:v23+s17+$0x0] =	vst.idx.msk $0xffff, v30  }
0x76: {  	v22 =	vbroadcast v21, $0x0;
	v23 =	vshll.u32 v17, v1;
	v44 =	vadd.s32 v11, v18;
	v43 =	vld [tilespmem:s24+$0x20];
	[tilespmem:v32+s17+$0x0] =	vst.idx.msk $0xffff, v31  }
.Ltmp2:
0x77: {  	s1 =	sadd.s32 $0x1, s30;
	s31 =	sadd.s32 $0x2, s30;
	v25 =	vadd.s32 v16, v25;
	v17 =	vmov s30;
	v23 =	vbroadcast v23, $0x0;
	[tilespmem:v37+s17+$0x0] =	vst.idx.msk $0xffff, v36;
	v24 =	vld [tilespmem:s24+$0x70];
	(pc) =	sbr.rel @p1 .LBB2_3-.Ltmp2, $4  }
0x78: {  	v31 =	vmov s1;
	v32 =	vmov s31;
	s1 =	sadd.s32 $0x3, s30;
	s31 =	sadd.s32 $0x4, s30;
	v27 =	vadd.s32 v13, v22;
	[tilespmem:v35+s17+$0x0] =	vst.idx.msk $0xffff, v28;
	v26 =	vld [tilespmem:s24+$0x40]  }
0x79: {  	v38 =	vmov s1;
	s1 =	sadd.s32 $0x5, s30;
	v35 =	vmov s31;
	s31 =	sadd.s32 $0x6, s30;
	v30 =	vadd.s32 v0, v23;
	v28 =	vld [tilespmem:s24+$0xFFFFFF80];
	[tilespmem:v40+s17+$0x0] =	vst.idx.msk $0xffff, v39  }
0x7a: {  	v33 =	vadd.s32 v4, v33;
	v36 =	vmov s1;
	v21 =	vmov s31;
	v29 =	vld [tilespmem:s24+$0xFFFFFFB0];
	[tilespmem:v42+s17+$0x0] =	vst.idx.msk $0xffff, v41  }
0x7b: {  	v34 =	vadd.s32 v6, v34;
	v37 =	vshrl.u32 v31, $0x3;
	v31 =	vshrl.u32 v32, $0x3;
	s31 =	sadd.s32 $0x7, s30;
	s30 =	sadd.s32 $0x8, s30;
	v32 =	vld [tilespmem:s24+$0xFFFFFFD0];
	[tilespmem:v44+s17+$0x0] =	vst.idx.msk $0xffff, v43  }
0x7c: {  	_ =	sdelay $0x2  }
0x7d: {  	v38 =	vshrl.u32 v38, $0x3  }
0x7e: {  	v39 =	vmov s31;
	v40 =	vld [tilespmem:s24+$0xFFFFFFF0];
	v20 =	vadd.s32 v8, v20;
	[tilespmem:v25+s17+$0x0] =	vst.idx.msk $0xffff, v24;
	v24 =	vshrl.u32 v35, $0x3  }
0x7f: {  	v49 =	vld [tilespmem:s24+$0x10];
	v19 =	vadd.s32 v10, v19;
	v18 =	vadd.s32 v12, v18;
	v17 =	vshrl.u32 v17, $0x3;
	[tilespmem:v27+s17+$0x0] =	vst.idx.msk $0xffff, v26  }
0x80: {  	v22 =	vadd.s32 v14, v22;
	v25 =	vshrl.u32 v39, $0x3;
	v27 =	vld [tilespmem:s24+$0x30];
	v17 =	vshll.u32 v17, v1;
	[tilespmem:v30+s17+$0x0] =	vst.idx.msk $0xffff, v28  }
0x81: {  	v23 =	vadd.s32 v2, v23;
	v25 =	vshll.u32 v25, v1;
	v17 =	vbroadcast v17, $0x0;
	[tilespmem:v33+s17+$0x0] =	vst.idx.msk $0xffff, v29;
	v29 =	vld [tilespmem:s24+$0x50]  }
0x82: {  	s1 =	sadd.s32 $0x100, s24;
	v28 =	vshll.u32 v37, v1;
	v30 =	vshll.u32 v31, v1;
	v25 =	vbroadcast v25, $0x0;
	v31 =	vld [tilespmem:s24+$0xFFFFFF90];
	[tilespmem:v34+s17+$0x0] =	vst.idx.msk $0xffff, v32  }
0x83: {  	v26 =	vshrl.u32 v36, $0x3;
	v56 =	vld [tilespmem:s1+$0xFFFFFF80];
	v28 =	vbroadcast v28, $0x0;
	v57 =	vadd.s32 v0, v17;
	[tilespmem:v20+s17+$0x0] =	vst.idx.msk $0xffff, v40  }
0x84: {  	v50 =	vshll.u32 v38, v1;
	v51 =	vld [tilespmem:s1+$0x60];
	v30 =	vbroadcast v30, $0x0;
	v52 =	vadd.s32 v15, v25;
	[tilespmem:v19+s17+$0x0] =	vst.idx.msk $0xffff, v49  }
0x85: {  	v24 =	vshll.u32 v24, v1;
	v32 =	vbroadcast v50, $0x0;
	v20 =	vld [tilespmem:s1+$0xFFFFFFA0];
	v53 =	vadd.s32 v3, v28;
	[tilespmem:v18+s17+$0x0] =	vst.idx.msk $0xffff, v27  }
0x86: {  	v24 =	vbroadcast v24, $0x0;
	v26 =	vshll.u32 v26, v1;
	v19 =	vld [tilespmem:s1+$0xFFFFFFC0];
	v54 =	vadd.s32 v5, v30;
	[tilespmem:v22+s17+$0x0] =	vst.idx.msk $0xffff, v29  }
0x87: {  	v21 =	vshrl.u32 v21, $0x3;
	v26 =	vbroadcast v26, $0x0;
	v18 =	vld [tilespmem:s1+$0xFFFFFFE0];
	v27 =	vadd.s32 v7, v32;
	[tilespmem:v23+s17+$0x0] =	vst.idx.msk $0xffff, v31  }
0x88: {  	v21 =	vshll.u32 v21, v1;
	v22 =	vld [tilespmem:s1+$0x0];
	v29 =	vadd.s32 v9, v24;
	[tilespmem:v57+s17+$0x0] =	vst.idx.msk $0xffff, v56  }
0x89: {  	v21 =	vbroadcast v21, $0x0;
	v23 =	vld [tilespmem:s1+$0x20];
	v31 =	vadd.s32 v11, v26;
	[tilespmem:v52+s17+$0x0] =	vst.idx.msk $0xffff, v51  }
0x8a: {  	v25 =	vadd.s32 v16, v25;
	[tilespmem:v53+s17+$0x0] =	vst.idx.msk $0xffff, v20;
	v20 =	vld [tilespmem:s1+$0x70]  }
0x8b: {  	v55 =	vadd.s32 v13, v21;
	[tilespmem:v54+s17+$0x0] =	vst.idx.msk $0xffff, v19;
	v19 =	vld [tilespmem:s1+$0x40]  }
0x8c: {  	[tilespmem:v27+s17+$0x0] =	vst.idx.msk $0xffff, v18;
	v18 =	vld [tilespmem:s1+$0xFFFFFFB0];
	v27 =	vadd.s32 v4, v28  }
0x8d: {  	v28 =	vadd.s32 v6, v30;
	[tilespmem:v29+s17+$0x0] =	vst.idx.msk $0xffff, v22;
	v22 =	vld [tilespmem:s1+$0xFFFFFFD0]  }
0x8e: {  	[tilespmem:v31+s17+$0x0] =	vst.idx.msk $0xffff, v23;
	v23 =	vld [tilespmem:s1+$0xFFFFFFF0];
	v29 =	vadd.s32 v8, v32  }
0x8f: {  	v24 =	vadd.s32 v10, v24;
	[tilespmem:v25+s17+$0x0] =	vst.idx.msk $0xffff, v20;
	v20 =	vld [tilespmem:s1+$0x10]  }
0x90: {  	[tilespmem:v55+s17+$0x0] =	vst.idx.msk $0xffff, v19;
	v19 =	vld [tilespmem:s1+$0x30];
	v25 =	vadd.s32 v12, v26  }
0x91: {  	v21 =	vadd.s32 v14, v21;
	[tilespmem:v27+s17+$0x0] =	vst.idx.msk $0xffff, v18;
	v18 =	vld [tilespmem:s1+$0x50]  }
0x92: {  	v17 =	vadd.s32 v2, v17;
	v26 =	vld [tilespmem:s1+$0xFFFFFF90];
	[tilespmem:v28+s17+$0x0] =	vst.idx.msk $0xffff, v22  }
0x93: {  	s22 =	sshll.u32 s22, $0xA;
	s24 =	sshll.u32 s23, $0x11;
	[tilespmem:v29+s17+$0x0] =	vst.idx.msk $0xffff, v23  }
0x94: {  	s0 =	sshll.u32 s23, $0x13;
	s1 =	ssub.s32 s22, s24;
	[tilespmem:v24+s17+$0x0] =	vst.idx.msk $0xffff, v20  }
0x95: {  	s1 =	sadd.s32 s0, s1;
	[tilespmem:v25+s17+$0x0] =	vst.idx.msk $0xffff, v19  }
0x96: {  	s23 =	sshrl.u32 s1, $0x3;
	[tilespmem:v21+s17+$0x0] =	vst.idx.msk $0xffff, v18  }
0x97: {  	s22 =	sadd.s32 s2, s23;
	[tilespmem:v17+s17+$0x0] =	vst.idx.msk $0xffff, v26  }
0x98: {  	[hbm4b:s22+s3] =	stream.linear.scatter [tilespmem:s17], [sflag:$0x5], $0x80, $0x38;
	[tilespmem:$0x14C00] =	vst v63  }
0x99: {  	s0 =	simm.s32 $0x10888;
	s24 =	sadd.s32 $0x10, s22  }
0x9a: {  	[hbm4b:s24+s3] =	stream.linear.scatter [tilespmem:s0], [sflag:$0x5], $0x80, $0x38;
	[tilespmem:$0x14C00] =	vst v63  }
0x9b: {  	s0 =	sadd.s32 $0x20, s22;
	s24 =	simm.s32 $0x10910  }
0x9c: {  	[hbm4b:s0+s3] =	stream.linear.scatter [tilespmem:s24], [sflag:$0x5], $0x80, $0x38;
	[tilespmem:$0x14C00] =	vst v63  }
0x9d: {  	s0 =	sadd.s32 $0x30, s22;
	s24 =	simm.s32 $0x10998  }
0x9e: {  	[hbm4b:s0+s3] =	stream.linear.scatter [tilespmem:s24], [sflag:$0x5], $0x80, $0x38;
	[tilespmem:$0x14C00] =	vst v63  }
0x9f: {  	s0 =	sadd.s32 $0x40, s22;
	s24 =	simm.s32 $0x10A20  }
0xa0: {  	[hbm4b:s0+s3] =	stream.linear.scatter [tilespmem:s24], [sflag:$0x5], $0x80, $0x38;
	[tilespmem:$0x14C00] =	vst v63  }
0xa1: {  	s0 =	sadd.s32 $0x50, s22;
	s24 =	simm.s32 $0x10AA8  }
0xa2: {  	[hbm4b:s0+s3] =	stream.linear.scatter [tilespmem:s24], [sflag:$0x5], $0x80, $0x38;
	[tilespmem:$0x14C00] =	vst v63  }
0xa3: {  	s0 =	sadd.s32 $0x60, s22;
	s24 =	simm.s32 $0x10B30  }
0xa4: {  	[hbm4b:s0+s3] =	stream.linear.scatter [tilespmem:s24], [sflag:$0x5], $0x80, $0x38;
	[tilespmem:$0x14C00] =	vst v63  }
0xa5: {  	s23 =	sadd.s32 $0x20000, s1;
	s22 =	sadd.s32 $0x70, s22;
	s24 =	simm.s32 $0x10BB8  }
0xa6: {  	[hbm4b:s22+s3] =	stream.linear.scatter [tilespmem:s24], [sflag:$0x5], $0x80, $0x38;
	[tilespmem:$0x14C00] =	vst v63  }
0xa7: {  	s22 =	sshrl.u32 s23, $0x3  }
0xa8: {  	s24 =	simm.s32 $0x10C40;
	s22 =	sadd.s32 s2, s22  }
0xa9: {  	[hbm4b:s22+s3] =	stream.linear.scatter [tilespmem:s24], [sflag:$0x5], $0x80, $0x38;
	[tilespmem:$0x14C00] =	vst v63  }
0xaa: {  	s0 =	sadd.s32 $0x10, s22;
	s24 =	simm.s32 $0x10CC8  }
0xab: {  	[hbm4b:s0+s3] =	stream.linear.scatter [tilespmem:s24], [sflag:$0x5], $0x80, $0x38;
	[tilespmem:$0x14C00] =	vst v63  }
0xac: {  	s0 =	sadd.s32 $0x20, s22;
	s24 =	simm.s32 $0x10D50  }
0xad: {  	[hbm4b:s0+s3] =	stream.linear.scatter [tilespmem:s24], [sflag:$0x5], $0x80, $0x38;
	[tilespmem:$0x14C00] =	vst v63  }
0xae: {  	s0 =	sadd.s32 $0x30, s22;
	s24 =	simm.s32 $0x10DD8  }
0xaf: {  	[hbm4b:s0+s3] =	stream.linear.scatter [tilespmem:s24], [sflag:$0x5], $0x80, $0x38;
	[tilespmem:$0x14C00] =	vst v63  }
0xb0: {  	s0 =	sadd.s32 $0x40, s22;
	s24 =	simm.s32 $0x10E60  }
0xb1: {  	[hbm4b:s0+s3] =	stream.linear.scatter [tilespmem:s24], [sflag:$0x5], $0x80, $0x38;
	[tilespmem:$0x14C00] =	vst v63  }
0xb2: {  	s0 =	sadd.s32 $0x50, s22;
	s24 =	simm.s32 $0x10EE8  }
0xb3: {  	[hbm4b:s0+s3] =	stream.linear.scatter [tilespmem:s24], [sflag:$0x5], $0x80, $0x38;
	[tilespmem:$0x14C00] =	vst v63  }
0xb4: {  	s0 =	sadd.s32 $0x60, s22;
	s24 =	simm.s32 $0x10F70  }
0xb5: {  	[hbm4b:s0+s3] =	stream.linear.scatter [tilespmem:s24], [sflag:$0x5], $0x80, $0x38;
	[tilespmem:$0x14C00] =	vst v63  }
0xb6: {  	s23 =	sadd.s32 $0x40000, s1;
	s22 =	sadd.s32 $0x70, s22;
	s24 =	simm.s32 $0x10FF8  }
0xb7: {  	[hbm4b:s22+s3] =	stream.linear.scatter [tilespmem:s24], [sflag:$0x5], $0x80, $0x38;
	[tilespmem:$0x14C00] =	vst v63  }
0xb8: {  	s22 =	sshrl.u32 s23, $0x3  }
0xb9: {  	s24 =	simm.s32 $0x11080;
	s22 =	sadd.s32 s2, s22  }
0xba: {  	[hbm4b:s22+s3] =	stream.linear.scatter [tilespmem:s24], [sflag:$0x5], $0x80, $0x38;
	[tilespmem:$0x14C00] =	vst v63  }
0xbb: {  	s0 =	sadd.s32 $0x10, s22;
	s24 =	simm.s32 $0x11108  }
0xbc: {  	[hbm4b:s0+s3] =	stream.linear.scatter [tilespmem:s24], [sflag:$0x5], $0x80, $0x38;
	[tilespmem:$0x14C00] =	vst v63  }
0xbd: {  	s0 =	sadd.s32 $0x20, s22;
	s24 =	simm.s32 $0x11190  }
0xbe: {  	[hbm4b:s0+s3] =	stream.linear.scatter [tilespmem:s24], [sflag:$0x5], $0x80, $0x38;
	[tilespmem:$0x14C00] =	vst v63  }
0xbf: {  	s0 =	sadd.s32 $0x30, s22;
	s24 =	simm.s32 $0x11218  }
0xc0: {  	[hbm4b:s0+s3] =	stream.linear.scatter [tilespmem:s24], [sflag:$0x5], $0x80, $0x38;
	[tilespmem:$0x14C00] =	vst v63  }
0xc1: {  	s0 =	sadd.s32 $0x40, s22;
	s24 =	simm.s32 $0x112A0  }
0xc2: {  	[hbm4b:s0+s3] =	stream.linear.scatter [tilespmem:s24], [sflag:$0x5], $0x80, $0x38;
	[tilespmem:$0x14C00] =	vst v63  }
0xc3: {  	s0 =	sadd.s32 $0x50, s22;
	s24 =	simm.s32 $0x11328  }
0xc4: {  	[hbm4b:s0+s3] =	stream.linear.scatter [tilespmem:s24], [sflag:$0x5], $0x80, $0x38;
	[tilespmem:$0x14C00] =	vst v63  }
0xc5: {  	s1 =	sadd.s32 $0x60000, s1;
	s0 =	sadd.s32 $0x60, s22;
	s24 =	simm.s32 $0x113B0  }
0xc6: {  	[hbm4b:s0+s3] =	stream.linear.scatter [tilespmem:s24], [sflag:$0x5], $0x80, $0x38;
	[tilespmem:$0x14C00] =	vst v63  }
0xc7: {  	s1 =	sshrl.u32 s1, $0x3;
	s22 =	sadd.s32 $0x70, s22;
	s24 =	simm.s32 $0x11438  }
0xc8: {  	[hbm4b:s22+s3] =	stream.linear.scatter [tilespmem:s24], [sflag:$0x5], $0x80, $0x38;
	[tilespmem:$0x14C00] =	vst v63  }
0xc9: {  	s1 =	sadd.s32 s2, s1;
	s22 =	simm.s32 $0x114C0  }
0xca: {  	[hbm4b:s1+s3] =	stream.linear.scatter [tilespmem:s22], [sflag:$0x5], $0x80, $0x38;
	[tilespmem:$0x14C00] =	vst v63  }
0xcb: {  	s23 =	sadd.s32 $0x10, s1;
	s24 =	simm.s32 $0x11548  }
0xcc: {  	[hbm4b:s23+s3] =	stream.linear.scatter [tilespmem:s24], [sflag:$0x5], $0x80, $0x38;
	[tilespmem:$0x14C00] =	vst v63  }
0xcd: {  	s23 =	sadd.s32 $0x20, s1;
	s24 =	simm.s32 $0x115D0  }
0xce: {  	[hbm4b:s23+s3] =	stream.linear.scatter [tilespmem:s24], [sflag:$0x5], $0x80, $0x38;
	[tilespmem:$0x14C00] =	vst v63  }
0xcf: {  	s23 =	sadd.s32 $0x30, s1;
	s24 =	simm.s32 $0x11658  }
0xd0: {  	[hbm4b:s23+s3] =	stream.linear.scatter [tilespmem:s24], [sflag:$0x5], $0x80, $0x38;
	[tilespmem:$0x14C00] =	vst v63  }
0xd1: {  	s23 =	sadd.s32 $0x40, s1;
	s24 =	simm.s32 $0x116E0  }
0xd2: {  	[hbm4b:s23+s3] =	stream.linear.scatter [tilespmem:s24], [sflag:$0x5], $0x80, $0x38;
	[tilespmem:$0x14C00] =	vst v63  }
0xd3: {  	s23 =	sadd.s32 $0x50, s1;
	s24 =	simm.s32 $0x11768  }
0xd4: {  	[hbm4b:s23+s3] =	stream.linear.scatter [tilespmem:s24], [sflag:$0x5], $0x80, $0x38;
	[tilespmem:$0x14C00] =	vst v63  }
0xd5: {  	s0 =	sadd.s32 $0x60, s1;
	s23 =	simm.s32 $0x117F0  }
0xd6: {  	[hbm4b:s0+s3] =	stream.linear.scatter [tilespmem:s23], [sflag:$0x5], $0x80, $0x38;
	[tilespmem:$0x14C00] =	vst v63  }
0xd7: {  	p1 =	seq.s32 s20, $0x63;
	s1 =	sadd.s32 $0x70, s1;
	s24 =	simm.s32 $0x11878  }
0xd8: {  	[hbm4b:s1+s3] =	stream.linear.scatter [tilespmem:s24], [sflag:$0x5], $0x80, $0x38;
	[tilespmem:$0x14C00] =	vst v63  }
0xd9: {  	s1 =	sshll.u32 @!p1 s20, $0x9  }
0xda: {  	s22 =	sand.u32 @!p1 $0x3FFFFE00, s1  }
0xdb: {  	s23 =	simm.s32 @!p1 $0x80;
	s24 =	simm.s32 @!p1 $0xC800;
	s1 =	sadd.s32 @!p1 $0x200, s22  }
0xdc: {  	[tilespmem:s24], [sflag:$0x1] =	stream.indirect.gather @!p1 [hbm4b:s4+s23], $0x20, s1, s23, $0xb8;
	[tilespmem:$0x14C00] =	vst v63  }
0xdd: {  	_ =	swait.ge [sflag:s25], $0x1000  }
0xde: {  	[sflag:s25] =	ssyncset.done $0x0  }
0xdf: {  	s1 =	simm.s32 @!p0 $0x6;
	[sflag:s25] =	ssyncadd.s32 $0xFFFFF000  }
0xe0: {  	_ =	swait.ge @!p0 [sflag:s1], $0x400  }
0xe1: {  	s30 =	simm.s32 $0x3;
	[sflag:s1] =	ssyncset.done @!p0 $0x0  }
0xe2: {  	v20 =	vmov s30;
	s30 =	simm.s32 $0x7;
	[sflag:s1] =	ssyncadd.s32 @!p0 $0xFFFFFC00  }
0xe3: {  	v23 =	vmov s30;
	_ =	swait.ge @!p0 [sflag:s1], $0x400  }
0xe4: {  	v23 =	vshrl.u32 v23, $0x3;
	[sflag:s1] =	ssyncset.done @!p0 $0x0  }
0xe5: {  	v23 =	vshll.u32 v23, v1;
	[sflag:s1] =	ssyncadd.s32 @!p0 $0xFFFFFC00  }
0xe6: {  	v25 =	vbroadcast v23, $0x0;
	s0 =	simm.s32 $0x0;
	_ =	swait.ge @!p0 [sflag:s1], $0x400  }
0xe7: {  	v20 =	vshrl.u32 v20, $0x3;
	v17 =	vmov s0;
	s0 =	simm.s32 $0x2;
	s24 =	simm.s32 $0x1;
	[sflag:s1] =	ssyncset.done @!p0 $0x0  }
0xe8: {  	v26 =	vadd.s32 v15, v25;
	v19 =	vmov s0;
	s0 =	simm.s32 $0x4;
	v18 =	vmov s24;
	[sflag:s1] =	ssyncadd.s32 @!p0 $0xFFFFFC00  }
0xe9: {  	v21 =	vmov s0;
	s0 =	simm.s32 $0x6;
	v19 =	vshrl.u32 v19, $0x3;
	v18 =	vshrl.u32 v18, $0x3;
	_ =	swait.ge @!p0 [sflag:s1], $0x400  }
0xea: {  	v24 =	vmov s0;
	v21 =	vshrl.u32 v21, $0x3;
	s24 =	simm.s32 $0x5;
	v18 =	vshll.u32 v18, v1;
	[sflag:s1] =	ssyncset.done @!p0 $0x0  }
0xeb: {  	s30 =	simm.s32 $0xD8F0;
	v22 =	vmov s24;
	v31 =	vbroadcast v18, $0x0;
	v18 =	vshll.u32 v19, v1;
	[sflag:s1] =	ssyncadd.s32 @!p0 $0xFFFFFC00  }
0xec: {  	v22 =	vshrl.u32 v22, $0x3;
	v58 =	vbroadcast v18, $0x0;
	v18 =	vshll.u32 v20, v1;
	v23 =	vld [tilespmem:s30+$0xFFFFFFF0]  }
0xed: {  	v28 =	vadd.s32 v3, v31;
	v20 =	vbroadcast v18, $0x0;
	v18 =	vshll.u32 v21, v1;
	v27 =	vld [tilespmem:s30+$0xFFFFFF30]  }
0xee: {  	v29 =	vadd.s32 v5, v58;
	v19 =	vbroadcast v18, $0x0;
	v18 =	vshll.u32 v22, v1;
	v21 =	vld [tilespmem:s30+$0xFFFFFF50]  }
0xef: {  	v22 =	vshrl.u32 v24, $0x3;
	v60 =	vadd.s32 v7, v20;
	v18 =	vbroadcast v18, $0x0;
	v59 =	vld [tilespmem:s30+$0xFFFFFF70]  }
0xf0: {  	v17 =	vshrl.u32 v17, $0x3;
	v22 =	vshll.u32 v22, v1;
	v62 =	vadd.s32 v9, v19;
	v61 =	vld [tilespmem:s30+$0xFFFFFF90]  }
0xf1: {  	s0 =	simm.s32 $0xA;
	v24 =	vshll.u32 v17, v1;
	v22 =	vbroadcast v22, $0x0;
	v41 =	vadd.s32 v11, v18;
	v63 =	vld [tilespmem:s30+$0xFFFFFFB0];
	[tilespmem:v26+s26+$0x0] =	vst.idx.msk $0xffff, v23  }
0xf2: {  	v25 =	vadd.s32 v16, v25;
	v43 =	vmov s0;
	s0 =	simm.s32 $0xC;
	s24 =	simm.s32 $0x9;
	v23 =	vbroadcast v24, $0x0;
	[tilespmem:v28+s26+$0x0] =	vst.idx.msk $0xffff, v27;
	v24 =	vld [tilespmem:s30+$0x0]  }
0xf3: {  	v35 =	vmov s0;
	v42 =	vmov s24;
	s24 =	simm.s32 $0xB;
	[tilespmem:v29+s26+$0x0] =	vst.idx.msk $0xffff, v21;
	v26 =	vld [tilespmem:s30+$0xFFFFFFD0];
	v27 =	vadd.s32 v13, v22  }
0xf4: {  	s21 =	sadd.s32 s21, s5;
	s23 =	simm.s32 $0x8;
	v38 =	vmov s24;
	s24 =	simm.s32 $0xD;
	v37 =	vshrl.u32 v42, $0x3;
	v28 =	vld [tilespmem:s30+$0xFFFFFF10];
	[tilespmem:v60+s26+$0x0] =	vst.idx.msk $0xffff, v59;
	v30 =	vadd.s32 v0, v23  }
0xf5: {  	s0 =	simm.s32 $0xE;
	v36 =	vmov s24;
	v33 =	vadd.s32 v4, v31;
	v17 =	vmov s23;
	s23 =	sadd.s32 $0x1, s21;
	[tilespmem:v62+s26+$0x0] =	vst.idx.msk $0xffff, v61;
	v29 =	vld [tilespmem:s30+$0xFFFFFF40]  }
0xf6: {  	s31 =	simm.s32 $0x10;
	v31 =	vshrl.u32 v43, $0x3;
	v34 =	vadd.s32 v6, v58;
	s24 =	sshrl.u32 s23, $0x7;
	s1 =	simm.s32 $0xF;
	v21 =	vmov s0;
	[tilespmem:v41+s26+$0x0] =	vst.idx.msk $0xffff, v63;
	v32 =	vld [tilespmem:s30+$0xFFFFFF60]  }
.LBB2_5:
0xf7: {  	p2 =	slt.u32 s31, $0x78;
	v38 =	vshrl.u32 v38, $0x3;
	v39 =	vmov s1;
	v40 =	vld [tilespmem:s30+$0xFFFFFF80];
	v20 =	vadd.s32 v8, v20;
	[tilespmem:v25+s26+$0x0] =	vst.idx.msk $0xffff, v24  }
0xf8: {  	v24 =	vshrl.u32 v35, $0x3;
	v19 =	vadd.s32 v10, v19;
	v25 =	vshrl.u32 v39, $0x3;
	v35 =	vld [tilespmem:s30+$0xFFFFFFA0];
	[tilespmem:v27+s26+$0x0] =	vst.idx.msk $0xffff, v26  }
0xf9: {  	v18 =	vadd.s32 v12, v18;
	v26 =	vshrl.u32 v36, $0x3;
	v25 =	vshll.u32 v25, v1;
	[tilespmem:v30+s26+$0x0] =	vst.idx.msk $0xffff, v28;
	v27 =	vld [tilespmem:s30+$0xFFFFFFC0]  }
0xfa: {  	v22 =	vadd.s32 v14, v22;
	v28 =	vshll.u32 v37, v1;
	v25 =	vbroadcast v25, $0x0;
	[tilespmem:v33+s26+$0x0] =	vst.idx.msk $0xffff, v29;
	v29 =	vld [tilespmem:s30+$0xFFFFFFE0]  }
0xfb: {  	v23 =	vadd.s32 v2, v23;
	v33 =	vbroadcast v28, $0x0;
	v28 =	vshll.u32 v31, v1;
	v30 =	vld [tilespmem:s30+$0xFFFFFF20];
	[tilespmem:v34+s26+$0x0] =	vst.idx.msk $0xffff, v32;
	s30 =	sadd.s32 $0x100, s30  }
0xfc: {  	v34 =	vbroadcast v28, $0x0;
	v28 =	vshll.u32 v38, v1;
	v31 =	vld [tilespmem:s30+$0xFFFFFFF0];
	v32 =	vadd.s32 v15, v25;
	[tilespmem:v20+s26+$0x0] =	vst.idx.msk $0xffff, v40  }
0xfd: {  	v24 =	vshll.u32 v24, v1;
	v37 =	vadd.s32 v3, v33;
	v20 =	vbroadcast v28, $0x0;
	v36 =	vld [tilespmem:s30+$0xFFFFFF30];
	[tilespmem:v19+s26+$0x0] =	vst.idx.msk $0xffff, v35  }
0xfe: {  	v35 =	vadd.s32 v5, v34;
	v19 =	vbroadcast v24, $0x0;
	v24 =	vshll.u32 v26, v1;
	v28 =	vld [tilespmem:s30+$0xFFFFFF50];
	[tilespmem:v18+s26+$0x0] =	vst.idx.msk $0xffff, v27  }
0xff: {  	v21 =	vshrl.u32 v21, $0x3;
	v40 =	vadd.s32 v7, v20;
	v18 =	vbroadcast v24, $0x0;
	v39 =	vld [tilespmem:s30+$0xFFFFFF70];
	[tilespmem:v22+s26+$0x0] =	vst.idx.msk $0xffff, v29  }
0x100: {  	v17 =	vshrl.u32 v17, $0x3;
	v21 =	vshll.u32 v21, v1;
	v42 =	vadd.s32 v9, v19;
	v41 =	vld [tilespmem:s30+$0xFFFFFF90];
	[tilespmem:v23+s26+$0x0] =	vst.idx.msk $0xffff, v30  }
0x101: {  	v22 =	vbroadcast v21, $0x0;
	v23 =	vshll.u32 v17, v1;
	v44 =	vadd.s32 v11, v18;
	v43 =	vld [tilespmem:s30+$0xFFFFFFB0];
	[tilespmem:v32+s26+$0x0] =	vst.idx.msk $0xffff, v31  }
.Ltmp3:
0x102: {  	s1 =	sadd.s32 $0x1, s31;
	s0 =	sadd.s32 $0x2, s31;
	v25 =	vadd.s32 v16, v25;
	v17 =	vmov s31;
	v23 =	vbroadcast v23, $0x0;
	[tilespmem:v37+s26+$0x0] =	vst.idx.msk $0xffff, v36;
	v24 =	vld [tilespmem:s30+$0x0];
	(pc) =	sbr.rel @p2 .LBB2_5-.Ltmp3, $4  }
0x103: {  	v31 =	vmov s1;
	v32 =	vmov s0;
	s0 =	sadd.s32 $0x3, s31;
	s1 =	sadd.s32 $0x4, s31;
	v27 =	vadd.s32 v13, v22;
	[tilespmem:v35+s26+$0x0] =	vst.idx.msk $0xffff, v28;
	v26 =	vld [tilespmem:s30+$0xFFFFFFD0]  }
0x104: {  	v38 =	vmov s0;
	s0 =	sadd.s32 $0x5, s31;
	v35 =	vmov s1;
	s1 =	sadd.s32 $0x6, s31;
	v30 =	vadd.s32 v0, v23;
	v28 =	vld [tilespmem:s30+$0xFFFFFF10];
	[tilespmem:v40+s26+$0x0] =	vst.idx.msk $0xffff, v39  }
0x105: {  	v33 =	vadd.s32 v4, v33;
	v36 =	vmov s0;
	v21 =	vmov s1;
	v29 =	vld [tilespmem:s30+$0xFFFFFF40];
	[tilespmem:v42+s26+$0x0] =	vst.idx.msk $0xffff, v41  }
0x106: {  	v34 =	vadd.s32 v6, v34;
	v37 =	vshrl.u32 v31, $0x3;
	v31 =	vshrl.u32 v32, $0x3;
	s1 =	sadd.s32 $0x7, s31;
	s31 =	sadd.s32 $0x8, s31;
	v32 =	vld [tilespmem:s30+$0xFFFFFF60];
	[tilespmem:v44+s26+$0x0] =	vst.idx.msk $0xffff, v43  }
0x107: {  	_ =	sdelay $0x2  }
0x108: {  	v38 =	vshrl.u32 v38, $0x3  }
0x109: {  	v39 =	vmov s1;
	v40 =	vld [tilespmem:s30+$0xFFFFFF80];
	v20 =	vadd.s32 v8, v20;
	[tilespmem:v25+s26+$0x0] =	vst.idx.msk $0xffff, v24;
	v24 =	vshrl.u32 v35, $0x3  }
0x10a: {  	v49 =	vld [tilespmem:s30+$0xFFFFFFA0];
	v19 =	vadd.s32 v10, v19;
	v18 =	vadd.s32 v12, v18;
	v17 =	vshrl.u32 v17, $0x3;
	[tilespmem:v27+s26+$0x0] =	vst.idx.msk $0xffff, v26  }
0x10b: {  	v22 =	vadd.s32 v14, v22;
	v25 =	vshrl.u32 v39, $0x3;
	v27 =	vld [tilespmem:s30+$0xFFFFFFC0];
	v17 =	vshll.u32 v17, v1;
	[tilespmem:v30+s26+$0x0] =	vst.idx.msk $0xffff, v28  }
0x10c: {  	v23 =	vadd.s32 v2, v23;
	v25 =	vshll.u32 v25, v1;
	v17 =	vbroadcast v17, $0x0;
	[tilespmem:v33+s26+$0x0] =	vst.idx.msk $0xffff, v29;
	v29 =	vld [tilespmem:s30+$0xFFFFFFE0]  }
0x10d: {  	s0 =	sadd.s32 $0x100, s30;
	v28 =	vshll.u32 v37, v1;
	v30 =	vshll.u32 v31, v1;
	v25 =	vbroadcast v25, $0x0;
	v31 =	vld [tilespmem:s30+$0xFFFFFF20];
	[tilespmem:v34+s26+$0x0] =	vst.idx.msk $0xffff, v32  }
0x10e: {  	v26 =	vshrl.u32 v36, $0x3;
	v56 =	vld [tilespmem:s0+$0xFFFFFF10];
	v28 =	vbroadcast v28, $0x0;
	v57 =	vadd.s32 v0, v17;
	[tilespmem:v20+s26+$0x0] =	vst.idx.msk $0xffff, v40  }
0x10f: {  	v50 =	vshll.u32 v38, v1;
	v51 =	vld [tilespmem:s0+$0xFFFFFFF0];
	v30 =	vbroadcast v30, $0x0;
	v52 =	vadd.s32 v15, v25;
	[tilespmem:v19+s26+$0x0] =	vst.idx.msk $0xffff, v49  }
0x110: {  	v24 =	vshll.u32 v24, v1;
	v32 =	vbroadcast v50, $0x0;
	v20 =	vld [tilespmem:s0+$0xFFFFFF30];
	v53 =	vadd.s32 v3, v28;
	[tilespmem:v18+s26+$0x0] =	vst.idx.msk $0xffff, v27  }
0x111: {  	v24 =	vbroadcast v24, $0x0;
	v26 =	vshll.u32 v26, v1;
	v19 =	vld [tilespmem:s0+$0xFFFFFF50];
	v54 =	vadd.s32 v5, v30;
	[tilespmem:v22+s26+$0x0] =	vst.idx.msk $0xffff, v29  }
0x112: {  	v21 =	vshrl.u32 v21, $0x3;
	v26 =	vbroadcast v26, $0x0;
	v18 =	vld [tilespmem:s0+$0xFFFFFF70];
	v27 =	vadd.s32 v7, v32;
	[tilespmem:v23+s26+$0x0] =	vst.idx.msk $0xffff, v31  }
0x113: {  	v21 =	vshll.u32 v21, v1;
	v22 =	vld [tilespmem:s0+$0xFFFFFF90];
	v29 =	vadd.s32 v9, v24;
	[tilespmem:v57+s26+$0x0] =	vst.idx.msk $0xffff, v56  }
0x114: {  	v21 =	vbroadcast v21, $0x0;
	v23 =	vld [tilespmem:s0+$0xFFFFFFB0];
	v31 =	vadd.s32 v11, v26;
	[tilespmem:v52+s26+$0x0] =	vst.idx.msk $0xffff, v51  }
0x115: {  	v25 =	vadd.s32 v16, v25;
	[tilespmem:v53+s26+$0x0] =	vst.idx.msk $0xffff, v20;
	v20 =	vld [tilespmem:s0+$0x0]  }
0x116: {  	v55 =	vadd.s32 v13, v21;
	[tilespmem:v54+s26+$0x0] =	vst.idx.msk $0xffff, v19;
	v19 =	vld [tilespmem:s0+$0xFFFFFFD0]  }
0x117: {  	[tilespmem:v27+s26+$0x0] =	vst.idx.msk $0xffff, v18;
	v18 =	vld [tilespmem:s0+$0xFFFFFF40];
	v27 =	vadd.s32 v4, v28  }
0x118: {  	v28 =	vadd.s32 v6, v30;
	[tilespmem:v29+s26+$0x0] =	vst.idx.msk $0xffff, v22;
	v22 =	vld [tilespmem:s0+$0xFFFFFF60]  }
0x119: {  	[tilespmem:v31+s26+$0x0] =	vst.idx.msk $0xffff, v23;
	v23 =	vld [tilespmem:s0+$0xFFFFFF80];
	v29 =	vadd.s32 v8, v32  }
0x11a: {  	v24 =	vadd.s32 v10, v24;
	[tilespmem:v25+s26+$0x0] =	vst.idx.msk $0xffff, v20;
	v20 =	vld [tilespmem:s0+$0xFFFFFFA0]  }
0x11b: {  	[tilespmem:v55+s26+$0x0] =	vst.idx.msk $0xffff, v19;
	v19 =	vld [tilespmem:s0+$0xFFFFFFC0];
	v25 =	vadd.s32 v12, v26  }
0x11c: {  	v21 =	vadd.s32 v14, v21;
	[tilespmem:v27+s26+$0x0] =	vst.idx.msk $0xffff, v18;
	v18 =	vld [tilespmem:s0+$0xFFFFFFE0]  }
0x11d: {  	v17 =	vadd.s32 v2, v17;
	v26 =	vld [tilespmem:s0+$0xFFFFFF20];
	[tilespmem:v28+s26+$0x0] =	vst.idx.msk $0xffff, v22  }
0x11e: {  	s1 =	sshll.u32 s24, $0x11;
	s23 =	sshll.u32 s23, $0xA;
	[tilespmem:v29+s26+$0x0] =	vst.idx.msk $0xffff, v23  }
0x11f: {  	s24 =	sshll.u32 s24, $0x13;
	s0 =	ssub.s32 s23, s1;
	[tilespmem:v24+s26+$0x0] =	vst.idx.msk $0xffff, v20  }
0x120: {  	s0 =	sadd.s32 s24, s0;
	[tilespmem:v25+s26+$0x0] =	vst.idx.msk $0xffff, v19  }
0x121: {  	s23 =	sshrl.u32 s0, $0x3;
	[tilespmem:v21+s26+$0x0] =	vst.idx.msk $0xffff, v18  }
0x122: {  	s1 =	sadd.s32 s2, s23;
	[tilespmem:v17+s26+$0x0] =	vst.idx.msk $0xffff, v26  }
0x123: {  	[hbm4b:s1+s3] =	stream.linear.scatter [tilespmem:s26], [sflag:$0x6], $0x80, $0x38;
	[tilespmem:$0x14C00] =	vst v63  }
0x124: {  	s24 =	simm.s32 $0x11988;
	s23 =	sadd.s32 $0x10, s1  }
0x125: {  	[hbm4b:s23+s3] =	stream.linear.scatter [tilespmem:s24], [sflag:$0x6], $0x80, $0x38;
	[tilespmem:$0x14C00] =	vst v63  }
0x126: {  	s23 =	sadd.s32 $0x20, s1;
	s24 =	simm.s32 $0x11A10  }
0x127: {  	[hbm4b:s23+s3] =	stream.linear.scatter [tilespmem:s24], [sflag:$0x6], $0x80, $0x38;
	[tilespmem:$0x14C00] =	vst v63  }
0x128: {  	s23 =	sadd.s32 $0x30, s1;
	s24 =	simm.s32 $0x11A98  }
0x129: {  	[hbm4b:s23+s3] =	stream.linear.scatter [tilespmem:s24], [sflag:$0x6], $0x80, $0x38;
	[tilespmem:$0x14C00] =	vst v63  }
0x12a: {  	s23 =	sadd.s32 $0x40, s1;
	s24 =	simm.s32 $0x11B20  }
0x12b: {  	[hbm4b:s23+s3] =	stream.linear.scatter [tilespmem:s24], [sflag:$0x6], $0x80, $0x38;
	[tilespmem:$0x14C00] =	vst v63  }
0x12c: {  	s23 =	sadd.s32 $0x50, s1;
	s24 =	simm.s32 $0x11BA8  }
0x12d: {  	[hbm4b:s23+s3] =	stream.linear.scatter [tilespmem:s24], [sflag:$0x6], $0x80, $0x38;
	[tilespmem:$0x14C00] =	vst v63  }
0x12e: {  	s23 =	sadd.s32 $0x60, s1;
	s24 =	simm.s32 $0x11C30  }
0x12f: {  	[hbm4b:s23+s3] =	stream.linear.scatter [tilespmem:s24], [sflag:$0x6], $0x80, $0x38;
	[tilespmem:$0x14C00] =	vst v63  }
0x130: {  	s1 =	sadd.s32 $0x70, s1;
	s24 =	simm.s32 $0x11CB8;
	s23 =	sadd.s32 $0x20000, s0  }
0x131: {  	[hbm4b:s1+s3] =	stream.linear.scatter [tilespmem:s24], [sflag:$0x6], $0x80, $0x38;
	[tilespmem:$0x14C00] =	vst v63  }
0x132: {  	s1 =	sshrl.u32 s23, $0x3  }
0x133: {  	s24 =	simm.s32 $0x11D40;
	s1 =	sadd.s32 s2, s1  }
0x134: {  	[hbm4b:s1+s3] =	stream.linear.scatter [tilespmem:s24], [sflag:$0x6], $0x80, $0x38;
	[tilespmem:$0x14C00] =	vst v63  }
0x135: {  	s23 =	sadd.s32 $0x10, s1;
	s24 =	simm.s32 $0x11DC8  }
0x136: {  	[hbm4b:s23+s3] =	stream.linear.scatter [tilespmem:s24], [sflag:$0x6], $0x80, $0x38;
	[tilespmem:$0x14C00] =	vst v63  }
0x137: {  	s23 =	sadd.s32 $0x20, s1;
	s24 =	simm.s32 $0x11E50  }
0x138: {  	[hbm4b:s23+s3] =	stream.linear.scatter [tilespmem:s24], [sflag:$0x6], $0x80, $0x38;
	[tilespmem:$0x14C00] =	vst v63  }
0x139: {  	s23 =	sadd.s32 $0x30, s1;
	s24 =	simm.s32 $0x11ED8  }
0x13a: {  	[hbm4b:s23+s3] =	stream.linear.scatter [tilespmem:s24], [sflag:$0x6], $0x80, $0x38;
	[tilespmem:$0x14C00] =	vst v63  }
0x13b: {  	s23 =	sadd.s32 $0x40, s1;
	s24 =	simm.s32 $0x11F60  }
0x13c: {  	[hbm4b:s23+s3] =	stream.linear.scatter [tilespmem:s24], [sflag:$0x6], $0x80, $0x38;
	[tilespmem:$0x14C00] =	vst v63  }
0x13d: {  	s23 =	sadd.s32 $0x50, s1;
	s24 =	simm.s32 $0x11FE8  }
0x13e: {  	[hbm4b:s23+s3] =	stream.linear.scatter [tilespmem:s24], [sflag:$0x6], $0x80, $0x38;
	[tilespmem:$0x14C00] =	vst v63  }
0x13f: {  	s23 =	sadd.s32 $0x60, s1;
	s24 =	simm.s32 $0x12070  }
0x140: {  	[hbm4b:s23+s3] =	stream.linear.scatter [tilespmem:s24], [sflag:$0x6], $0x80, $0x38;
	[tilespmem:$0x14C00] =	vst v63  }
0x141: {  	s1 =	sadd.s32 $0x70, s1;
	s24 =	simm.s32 $0x120F8;
	s23 =	sadd.s32 $0x40000, s0  }
0x142: {  	[hbm4b:s1+s3] =	stream.linear.scatter [tilespmem:s24], [sflag:$0x6], $0x80, $0x38;
	[tilespmem:$0x14C00] =	vst v63  }
0x143: {  	s1 =	sshrl.u32 s23, $0x3  }
0x144: {  	s24 =	simm.s32 $0x12180;
	s1 =	sadd.s32 s2, s1  }
0x145: {  	[hbm4b:s1+s3] =	stream.linear.scatter [tilespmem:s24], [sflag:$0x6], $0x80, $0x38;
	[tilespmem:$0x14C00] =	vst v63  }
0x146: {  	s23 =	sadd.s32 $0x10, s1;
	s24 =	simm.s32 $0x12208  }
0x147: {  	[hbm4b:s23+s3] =	stream.linear.scatter [tilespmem:s24], [sflag:$0x6], $0x80, $0x38;
	[tilespmem:$0x14C00] =	vst v63  }
0x148: {  	s23 =	sadd.s32 $0x20, s1;
	s24 =	simm.s32 $0x12290  }
0x149: {  	[hbm4b:s23+s3] =	stream.linear.scatter [tilespmem:s24], [sflag:$0x6], $0x80, $0x38;
	[tilespmem:$0x14C00] =	vst v63  }
0x14a: {  	s23 =	sadd.s32 $0x30, s1;
	s24 =	simm.s32 $0x12318  }
0x14b: {  	[hbm4b:s23+s3] =	stream.linear.scatter [tilespmem:s24], [sflag:$0x6], $0x80, $0x38;
	[tilespmem:$0x14C00] =	vst v63  }
0x14c: {  	s23 =	sadd.s32 $0x40, s1;
	s24 =	simm.s32 $0x123A0  }
0x14d: {  	[hbm4b:s23+s3] =	stream.linear.scatter [tilespmem:s24], [sflag:$0x6], $0x80, $0x38;
	[tilespmem:$0x14C00] =	vst v63  }
0x14e: {  	s23 =	sadd.s32 $0x50, s1;
	s24 =	simm.s32 $0x12428  }
0x14f: {  	[hbm4b:s23+s3] =	stream.linear.scatter [tilespmem:s24], [sflag:$0x6], $0x80, $0x38;
	[tilespmem:$0x14C00] =	vst v63  }
0x150: {  	s0 =	sadd.s32 $0x60000, s0;
	s23 =	sadd.s32 $0x60, s1;
	s24 =	simm.s32 $0x124B0  }
0x151: {  	[hbm4b:s23+s3] =	stream.linear.scatter [tilespmem:s24], [sflag:$0x6], $0x80, $0x38;
	[tilespmem:$0x14C00] =	vst v63  }
0x152: {  	s0 =	sshrl.u32 s0, $0x3;
	s1 =	sadd.s32 $0x70, s1;
	s24 =	simm.s32 $0x12538  }
0x153: {  	[hbm4b:s1+s3] =	stream.linear.scatter [tilespmem:s24], [sflag:$0x6], $0x80, $0x38;
	[tilespmem:$0x14C00] =	vst v63  }
0x154: {  	s0 =	sadd.s32 s2, s0;
	s24 =	simm.s32 $0x125C0  }
0x155: {  	[hbm4b:s0+s3] =	stream.linear.scatter [tilespmem:s24], [sflag:$0x6], $0x80, $0x38;
	[tilespmem:$0x14C00] =	vst v63  }
0x156: {  	s23 =	sadd.s32 $0x10, s0;
	s24 =	simm.s32 $0x12648  }
0x157: {  	[hbm4b:s23+s3] =	stream.linear.scatter [tilespmem:s24], [sflag:$0x6], $0x80, $0x38;
	[tilespmem:$0x14C00] =	vst v63  }
0x158: {  	s23 =	sadd.s32 $0x20, s0;
	s24 =	simm.s32 $0x126D0  }
0x159: {  	[hbm4b:s23+s3] =	stream.linear.scatter [tilespmem:s24], [sflag:$0x6], $0x80, $0x38;
	[tilespmem:$0x14C00] =	vst v63  }
0x15a: {  	s23 =	sadd.s32 $0x30, s0;
	s24 =	simm.s32 $0x12758  }
0x15b: {  	[hbm4b:s23+s3] =	stream.linear.scatter [tilespmem:s24], [sflag:$0x6], $0x80, $0x38;
	[tilespmem:$0x14C00] =	vst v63  }
0x15c: {  	s23 =	sadd.s32 $0x40, s0;
	s24 =	simm.s32 $0x127E0  }
0x15d: {  	[hbm4b:s23+s3] =	stream.linear.scatter [tilespmem:s24], [sflag:$0x6], $0x80, $0x38;
	[tilespmem:$0x14C00] =	vst v63  }
0x15e: {  	s23 =	sadd.s32 $0x50, s0;
	s24 =	simm.s32 $0x12868  }
0x15f: {  	[hbm4b:s23+s3] =	stream.linear.scatter [tilespmem:s24], [sflag:$0x6], $0x80, $0x38;
	[tilespmem:$0x14C00] =	vst v63  }
0x160: {  	s23 =	sadd.s32 $0x60, s0;
	s24 =	simm.s32 $0x128F0  }
0x161: {  	[hbm4b:s23+s3] =	stream.linear.scatter [tilespmem:s24], [sflag:$0x6], $0x80, $0x38;
	[tilespmem:$0x14C00] =	vst v63  }
0x162: {  	s0 =	sadd.s32 $0x70, s0;
	s23 =	simm.s32 $0x12978  }
0x163: {  	[hbm4b:s0+s3] =	stream.linear.scatter [tilespmem:s23], [sflag:$0x6], $0x80, $0x38;
	[tilespmem:$0x14C00] =	vst v63  }
0x164: {  	s1 =	simm.s32 @!p1 $0x80;
	s0 =	sadd.s32 @!p1 $0x280, s22;
	s23 =	simm.s32 @!p1 $0xD800  }
0x165: {  	[tilespmem:s23], [sflag:$0x2] =	stream.indirect.gather @!p1 [hbm4b:s4+s1], $0x20, s0, s1, $0xb8;
	[tilespmem:$0x14C00] =	vst v63  }
0x166: {  	_ =	swait.ge [sflag:s13], $0x1000  }
0x167: {  	[sflag:s13] =	ssyncset.done $0x0  }
0x168: {  	s0 =	simm.s32 @!p0 $0x7;
	[sflag:s13] =	ssyncadd.s32 $0xFFFFF000  }
0x169: {  	_ =	swait.ge @!p0 [sflag:s0], $0x400  }
0x16a: {  	[sflag:s0] =	ssyncset.done @!p0 $0x0  }
0x16b: {  	[sflag:s0] =	ssyncadd.s32 @!p0 $0xFFFFFC00  }
0x16c: {  	s24 =	simm.s32 $0x0;
	_ =	swait.ge @!p0 [sflag:s0], $0x400  }
0x16d: {  	v17 =	vmov s24;
	s24 =	simm.s32 $0x3;
	[sflag:s0] =	ssyncset.done @!p0 $0x0  }
0x16e: {  	v20 =	vmov s24;
	s24 =	simm.s32 $0x7;
	[sflag:s0] =	ssyncadd.s32 @!p0 $0xFFFFFC00  }
0x16f: {  	v23 =	vmov s24;
	v20 =	vshrl.u32 v20, $0x3;
	s1 =	simm.s32 $0x1;
	s23 =	simm.s32 $0x2;
	_ =	swait.ge @!p0 [sflag:s0], $0x400  }
0x170: {  	v23 =	vshrl.u32 v23, $0x3;
	v18 =	vmov s1;
	v19 =	vmov s23;
	s1 =	simm.s32 $0x4;
	s23 =	simm.s32 $0x5;
	[sflag:s0] =	ssyncset.done @!p0 $0x0  }
0x171: {  	v23 =	vshll.u32 v23, v1;
	v21 =	vmov s1;
	v22 =	vmov s23;
	[sflag:s0] =	ssyncadd.s32 @!p0 $0xFFFFFC00  }
0x172: {  	s1 =	simm.s32 $0x6;
	v18 =	vshrl.u32 v18, $0x3;
	v19 =	vshrl.u32 v19, $0x3;
	v25 =	vbroadcast v23, $0x0;
	_ =	swait.ge @!p0 [sflag:s0], $0x400  }
0x173: {  	v24 =	vmov s1;
	v21 =	vshrl.u32 v21, $0x3;
	v18 =	vshll.u32 v18, v1;
	[sflag:s0] =	ssyncset.done @!p0 $0x0  }
0x174: {  	s30 =	simm.s32 $0xE8F0;
	v22 =	vshrl.u32 v22, $0x3;
	v31 =	vbroadcast v18, $0x0;
	v18 =	vshll.u32 v19, v1;
	[sflag:s0] =	ssyncadd.s32 @!p0 $0xFFFFFC00  }
0x175: {  	v26 =	vadd.s32 v15, v25;
	v58 =	vbroadcast v18, $0x0;
	v18 =	vshll.u32 v20, v1;
	v23 =	vld [tilespmem:s30+$0xFFFFFFF0]  }
0x176: {  	v28 =	vadd.s32 v3, v31;
	v20 =	vbroadcast v18, $0x0;
	v18 =	vshll.u32 v21, v1;
	v27 =	vld [tilespmem:s30+$0xFFFFFF30]  }
0x177: {  	v29 =	vadd.s32 v5, v58;
	v19 =	vbroadcast v18, $0x0;
	v18 =	vshll.u32 v22, v1;
	v21 =	vld [tilespmem:s30+$0xFFFFFF50]  }
0x178: {  	v22 =	vshrl.u32 v24, $0x3;
	v60 =	vadd.s32 v7, v20;
	v18 =	vbroadcast v18, $0x0;
	v59 =	vld [tilespmem:s30+$0xFFFFFF70]  }
0x179: {  	v17 =	vshrl.u32 v17, $0x3;
	v22 =	vshll.u32 v22, v1;
	v62 =	vadd.s32 v9, v19;
	v61 =	vld [tilespmem:s30+$0xFFFFFF90]  }
0x17a: {  	s24 =	simm.s32 $0xA;
	v24 =	vshll.u32 v17, v1;
	v22 =	vbroadcast v22, $0x0;
	v41 =	vadd.s32 v11, v18;
	v63 =	vld [tilespmem:s30+$0xFFFFFFB0];
	[tilespmem:v26+s14+$0x0] =	vst.idx.msk $0xffff, v23  }
0x17b: {  	v43 =	vmov s24;
	s24 =	simm.s32 $0xC;
	s23 =	simm.s32 $0x9;
	v25 =	vadd.s32 v16, v25;
	v23 =	vbroadcast v24, $0x0;
	[tilespmem:v28+s14+$0x0] =	vst.idx.msk $0xffff, v27;
	v24 =	vld [tilespmem:s30+$0x0]  }
0x17c: {  	v35 =	vmov s24;
	v42 =	vmov s23;
	s23 =	simm.s32 $0xB;
	[tilespmem:v29+s14+$0x0] =	vst.idx.msk $0xffff, v21;
	v26 =	vld [tilespmem:s30+$0xFFFFFFD0];
	v27 =	vadd.s32 v13, v22  }
0x17d: {  	s1 =	simm.s32 $0x8;
	v38 =	vmov s23;
	v37 =	vshrl.u32 v42, $0x3;
	v28 =	vld [tilespmem:s30+$0xFFFFFF10];
	[tilespmem:v60+s14+$0x0] =	vst.idx.msk $0xffff, v59;
	v30 =	vadd.s32 v0, v23  }
0x17e: {  	s24 =	simm.s32 $0xE;
	s23 =	sadd.s32 $0x2, s21;
	v33 =	vadd.s32 v4, v31;
	v31 =	vshrl.u32 v43, $0x3;
	v17 =	vmov s1;
	s1 =	simm.s32 $0xD;
	[tilespmem:v62+s14+$0x0] =	vst.idx.msk $0xffff, v61;
	v29 =	vld [tilespmem:s30+$0xFFFFFF40]  }
0x17f: {  	s31 =	simm.s32 $0x10;
	v34 =	vadd.s32 v6, v58;
	v36 =	vmov s1;
	s1 =	simm.s32 $0xF;
	v21 =	vmov s24;
	s24 =	sshrl.u32 s23, $0x7;
	[tilespmem:v41+s14+$0x0] =	vst.idx.msk $0xffff, v63;
	v32 =	vld [tilespmem:s30+$0xFFFFFF60]  }
.LBB2_7:
0x180: {  	p2 =	slt.u32 s31, $0x78;
	v38 =	vshrl.u32 v38, $0x3;
	v39 =	vmov s1;
	v40 =	vld [tilespmem:s30+$0xFFFFFF80];
	v20 =	vadd.s32 v8, v20;
	[tilespmem:v25+s14+$0x0] =	vst.idx.msk $0xffff, v24  }
0x181: {  	v24 =	vshrl.u32 v35, $0x3;
	v19 =	vadd.s32 v10, v19;
	v25 =	vshrl.u32 v39, $0x3;
	v35 =	vld [tilespmem:s30+$0xFFFFFFA0];
	[tilespmem:v27+s14+$0x0] =	vst.idx.msk $0xffff, v26  }
0x182: {  	v18 =	vadd.s32 v12, v18;
	v26 =	vshrl.u32 v36, $0x3;
	v25 =	vshll.u32 v25, v1;
	[tilespmem:v30+s14+$0x0] =	vst.idx.msk $0xffff, v28;
	v27 =	vld [tilespmem:s30+$0xFFFFFFC0]  }
0x183: {  	v22 =	vadd.s32 v14, v22;
	v28 =	vshll.u32 v37, v1;
	v25 =	vbroadcast v25, $0x0;
	[tilespmem:v33+s14+$0x0] =	vst.idx.msk $0xffff, v29;
	v29 =	vld [tilespmem:s30+$0xFFFFFFE0]  }
0x184: {  	v23 =	vadd.s32 v2, v23;
	v33 =	vbroadcast v28, $0x0;
	v28 =	vshll.u32 v31, v1;
	v30 =	vld [tilespmem:s30+$0xFFFFFF20];
	[tilespmem:v34+s14+$0x0] =	vst.idx.msk $0xffff, v32;
	s30 =	sadd.s32 $0x100, s30  }
0x185: {  	v34 =	vbroadcast v28, $0x0;
	v28 =	vshll.u32 v38, v1;
	v31 =	vld [tilespmem:s30+$0xFFFFFFF0];
	v32 =	vadd.s32 v15, v25;
	[tilespmem:v20+s14+$0x0] =	vst.idx.msk $0xffff, v40  }
0x186: {  	v24 =	vshll.u32 v24, v1;
	v37 =	vadd.s32 v3, v33;
	v20 =	vbroadcast v28, $0x0;
	v36 =	vld [tilespmem:s30+$0xFFFFFF30];
	[tilespmem:v19+s14+$0x0] =	vst.idx.msk $0xffff, v35  }
0x187: {  	v35 =	vadd.s32 v5, v34;
	v19 =	vbroadcast v24, $0x0;
	v24 =	vshll.u32 v26, v1;
	v28 =	vld [tilespmem:s30+$0xFFFFFF50];
	[tilespmem:v18+s14+$0x0] =	vst.idx.msk $0xffff, v27  }
0x188: {  	v21 =	vshrl.u32 v21, $0x3;
	v40 =	vadd.s32 v7, v20;
	v18 =	vbroadcast v24, $0x0;
	v39 =	vld [tilespmem:s30+$0xFFFFFF70];
	[tilespmem:v22+s14+$0x0] =	vst.idx.msk $0xffff, v29  }
0x189: {  	v17 =	vshrl.u32 v17, $0x3;
	v21 =	vshll.u32 v21, v1;
	v42 =	vadd.s32 v9, v19;
	v41 =	vld [tilespmem:s30+$0xFFFFFF90];
	[tilespmem:v23+s14+$0x0] =	vst.idx.msk $0xffff, v30  }
0x18a: {  	v22 =	vbroadcast v21, $0x0;
	v23 =	vshll.u32 v17, v1;
	v44 =	vadd.s32 v11, v18;
	v43 =	vld [tilespmem:s30+$0xFFFFFFB0];
	[tilespmem:v32+s14+$0x0] =	vst.idx.msk $0xffff, v31  }
.Ltmp4:
0x18b: {  	s0 =	sadd.s32 $0x1, s31;
	s1 =	sadd.s32 $0x2, s31;
	v25 =	vadd.s32 v16, v25;
	v17 =	vmov s31;
	v23 =	vbroadcast v23, $0x0;
	[tilespmem:v37+s14+$0x0] =	vst.idx.msk $0xffff, v36;
	v24 =	vld [tilespmem:s30+$0x0];
	(pc) =	sbr.rel @p2 .LBB2_7-.Ltmp4, $4  }
0x18c: {  	v31 =	vmov s0;
	v32 =	vmov s1;
	s0 =	sadd.s32 $0x3, s31;
	s1 =	sadd.s32 $0x4, s31;
	v27 =	vadd.s32 v13, v22;
	[tilespmem:v35+s14+$0x0] =	vst.idx.msk $0xffff, v28;
	v26 =	vld [tilespmem:s30+$0xFFFFFFD0]  }
0x18d: {  	v38 =	vmov s0;
	s0 =	sadd.s32 $0x5, s31;
	v35 =	vmov s1;
	s1 =	sadd.s32 $0x6, s31;
	v30 =	vadd.s32 v0, v23;
	v28 =	vld [tilespmem:s30+$0xFFFFFF10];
	[tilespmem:v40+s14+$0x0] =	vst.idx.msk $0xffff, v39  }
0x18e: {  	v33 =	vadd.s32 v4, v33;
	v36 =	vmov s0;
	v21 =	vmov s1;
	v29 =	vld [tilespmem:s30+$0xFFFFFF40];
	[tilespmem:v42+s14+$0x0] =	vst.idx.msk $0xffff, v41  }
0x18f: {  	v34 =	vadd.s32 v6, v34;
	v37 =	vshrl.u32 v31, $0x3;
	v31 =	vshrl.u32 v32, $0x3;
	s1 =	sadd.s32 $0x7, s31;
	s31 =	sadd.s32 $0x8, s31;
	v32 =	vld [tilespmem:s30+$0xFFFFFF60];
	[tilespmem:v44+s14+$0x0] =	vst.idx.msk $0xffff, v43  }
0x190: {  	_ =	sdelay $0x2  }
0x191: {  	v39 =	vmov s1  }
0x192: {  	v38 =	vshrl.u32 v38, $0x3;
	v40 =	vld [tilespmem:s30+$0xFFFFFF80];
	v20 =	vadd.s32 v8, v20;
	[tilespmem:v25+s14+$0x0] =	vst.idx.msk $0xffff, v24;
	v24 =	vshrl.u32 v35, $0x3  }
0x193: {  	v49 =	vld [tilespmem:s30+$0xFFFFFFA0];
	v19 =	vadd.s32 v10, v19;
	v18 =	vadd.s32 v12, v18;
	v17 =	vshrl.u32 v17, $0x3;
	[tilespmem:v27+s14+$0x0] =	vst.idx.msk $0xffff, v26  }
0x194: {  	v22 =	vadd.s32 v14, v22;
	v25 =	vshrl.u32 v39, $0x3;
	v27 =	vld [tilespmem:s30+$0xFFFFFFC0];
	v17 =	vshll.u32 v17, v1;
	[tilespmem:v30+s14+$0x0] =	vst.idx.msk $0xffff, v28  }
0x195: {  	v23 =	vadd.s32 v2, v23;
	v25 =	vshll.u32 v25, v1;
	v17 =	vbroadcast v17, $0x0;
	[tilespmem:v33+s14+$0x0] =	vst.idx.msk $0xffff, v29;
	v29 =	vld [tilespmem:s30+$0xFFFFFFE0]  }
0x196: {  	s0 =	sadd.s32 $0x100, s30;
	v28 =	vshll.u32 v37, v1;
	v30 =	vshll.u32 v31, v1;
	v25 =	vbroadcast v25, $0x0;
	v31 =	vld [tilespmem:s30+$0xFFFFFF20];
	[tilespmem:v34+s14+$0x0] =	vst.idx.msk $0xffff, v32  }
0x197: {  	v26 =	vshrl.u32 v36, $0x3;
	v56 =	vld [tilespmem:s0+$0xFFFFFF10];
	v28 =	vbroadcast v28, $0x0;
	v57 =	vadd.s32 v0, v17;
	[tilespmem:v20+s14+$0x0] =	vst.idx.msk $0xffff, v40  }
0x198: {  	v50 =	vshll.u32 v38, v1;
	v51 =	vld [tilespmem:s0+$0xFFFFFFF0];
	v30 =	vbroadcast v30, $0x0;
	v52 =	vadd.s32 v15, v25;
	[tilespmem:v19+s14+$0x0] =	vst.idx.msk $0xffff, v49  }
0x199: {  	v24 =	vshll.u32 v24, v1;
	v32 =	vbroadcast v50, $0x0;
	v20 =	vld [tilespmem:s0+$0xFFFFFF30];
	v53 =	vadd.s32 v3, v28;
	[tilespmem:v18+s14+$0x0] =	vst.idx.msk $0xffff, v27  }
0x19a: {  	v24 =	vbroadcast v24, $0x0;
	v26 =	vshll.u32 v26, v1;
	v19 =	vld [tilespmem:s0+$0xFFFFFF50];
	v54 =	vadd.s32 v5, v30;
	[tilespmem:v22+s14+$0x0] =	vst.idx.msk $0xffff, v29  }
0x19b: {  	v21 =	vshrl.u32 v21, $0x3;
	v26 =	vbroadcast v26, $0x0;
	v18 =	vld [tilespmem:s0+$0xFFFFFF70];
	v27 =	vadd.s32 v7, v32;
	[tilespmem:v23+s14+$0x0] =	vst.idx.msk $0xffff, v31  }
0x19c: {  	v21 =	vshll.u32 v21, v1;
	v22 =	vld [tilespmem:s0+$0xFFFFFF90];
	v29 =	vadd.s32 v9, v24;
	[tilespmem:v57+s14+$0x0] =	vst.idx.msk $0xffff, v56  }
0x19d: {  	v21 =	vbroadcast v21, $0x0;
	v23 =	vld [tilespmem:s0+$0xFFFFFFB0];
	v31 =	vadd.s32 v11, v26;
	[tilespmem:v52+s14+$0x0] =	vst.idx.msk $0xffff, v51  }
0x19e: {  	v25 =	vadd.s32 v16, v25;
	[tilespmem:v53+s14+$0x0] =	vst.idx.msk $0xffff, v20;
	v20 =	vld [tilespmem:s0+$0x0]  }
0x19f: {  	v55 =	vadd.s32 v13, v21;
	[tilespmem:v54+s14+$0x0] =	vst.idx.msk $0xffff, v19;
	v19 =	vld [tilespmem:s0+$0xFFFFFFD0]  }
0x1a0: {  	[tilespmem:v27+s14+$0x0] =	vst.idx.msk $0xffff, v18;
	v18 =	vld [tilespmem:s0+$0xFFFFFF40];
	v27 =	vadd.s32 v4, v28  }
0x1a1: {  	v28 =	vadd.s32 v6, v30;
	[tilespmem:v29+s14+$0x0] =	vst.idx.msk $0xffff, v22;
	v22 =	vld [tilespmem:s0+$0xFFFFFF60]  }
0x1a2: {  	[tilespmem:v31+s14+$0x0] =	vst.idx.msk $0xffff, v23;
	v23 =	vld [tilespmem:s0+$0xFFFFFF80];
	v29 =	vadd.s32 v8, v32  }
0x1a3: {  	v24 =	vadd.s32 v10, v24;
	[tilespmem:v25+s14+$0x0] =	vst.idx.msk $0xffff, v20;
	v20 =	vld [tilespmem:s0+$0xFFFFFFA0]  }
0x1a4: {  	[tilespmem:v55+s14+$0x0] =	vst.idx.msk $0xffff, v19;
	v19 =	vld [tilespmem:s0+$0xFFFFFFC0];
	v25 =	vadd.s32 v12, v26  }
0x1a5: {  	v21 =	vadd.s32 v14, v21;
	[tilespmem:v27+s14+$0x0] =	vst.idx.msk $0xffff, v18;
	v18 =	vld [tilespmem:s0+$0xFFFFFFE0]  }
0x1a6: {  	v17 =	vadd.s32 v2, v17;
	v26 =	vld [tilespmem:s0+$0xFFFFFF20];
	[tilespmem:v28+s14+$0x0] =	vst.idx.msk $0xffff, v22  }
0x1a7: {  	s1 =	sshll.u32 s24, $0x11;
	s30 =	sshll.u32 s23, $0xA;
	[tilespmem:v29+s14+$0x0] =	vst.idx.msk $0xffff, v23  }
0x1a8: {  	s31 =	sshll.u32 s24, $0x13;
	s0 =	ssub.s32 s30, s1;
	[tilespmem:v24+s14+$0x0] =	vst.idx.msk $0xffff, v20  }
0x1a9: {  	s0 =	sadd.s32 s31, s0;
	[tilespmem:v25+s14+$0x0] =	vst.idx.msk $0xffff, v19  }
0x1aa: {  	s24 =	sshrl.u32 s0, $0x3;
	[tilespmem:v21+s14+$0x0] =	vst.idx.msk $0xffff, v18  }
0x1ab: {  	s1 =	sadd.s32 s2, s24;
	[tilespmem:v17+s14+$0x0] =	vst.idx.msk $0xffff, v26  }
0x1ac: {  	[hbm4b:s1+s3] =	stream.linear.scatter [tilespmem:s14], [sflag:$0x7], $0x80, $0x38;
	[tilespmem:$0x14C00] =	vst v63  }
0x1ad: {  	s31 =	simm.s32 $0x12A88;
	s30 =	sadd.s32 $0x10, s1  }
0x1ae: {  	[hbm4b:s30+s3] =	stream.linear.scatter [tilespmem:s31], [sflag:$0x7], $0x80, $0x38;
	[tilespmem:$0x14C00] =	vst v63  }
0x1af: {  	s30 =	sadd.s32 $0x20, s1;
	s31 =	simm.s32 $0x12B10  }
0x1b0: {  	[hbm4b:s30+s3] =	stream.linear.scatter [tilespmem:s31], [sflag:$0x7], $0x80, $0x38;
	[tilespmem:$0x14C00] =	vst v63  }
0x1b1: {  	s30 =	sadd.s32 $0x30, s1;
	s31 =	simm.s32 $0x12B98  }
0x1b2: {  	[hbm4b:s30+s3] =	stream.linear.scatter [tilespmem:s31], [sflag:$0x7], $0x80, $0x38;
	[tilespmem:$0x14C00] =	vst v63  }
0x1b3: {  	s30 =	sadd.s32 $0x40, s1;
	s31 =	simm.s32 $0x12C20  }
0x1b4: {  	[hbm4b:s30+s3] =	stream.linear.scatter [tilespmem:s31], [sflag:$0x7], $0x80, $0x38;
	[tilespmem:$0x14C00] =	vst v63  }
0x1b5: {  	s30 =	sadd.s32 $0x50, s1;
	s31 =	simm.s32 $0x12CA8  }
0x1b6: {  	[hbm4b:s30+s3] =	stream.linear.scatter [tilespmem:s31], [sflag:$0x7], $0x80, $0x38;
	[tilespmem:$0x14C00] =	vst v63  }
0x1b7: {  	s24 =	sadd.s32 $0x60, s1;
	s30 =	simm.s32 $0x12D30  }
0x1b8: {  	[hbm4b:s24+s3] =	stream.linear.scatter [tilespmem:s30], [sflag:$0x7], $0x80, $0x38;
	[tilespmem:$0x14C00] =	vst v63  }
0x1b9: {  	s23 =	sadd.s32 $0x20000, s0;
	s1 =	sadd.s32 $0x70, s1;
	s31 =	simm.s32 $0x12DB8  }
0x1ba: {  	[hbm4b:s1+s3] =	stream.linear.scatter [tilespmem:s31], [sflag:$0x7], $0x80, $0x38;
	[tilespmem:$0x14C00] =	vst v63  }
0x1bb: {  	s1 =	sshrl.u32 s23, $0x3  }
0x1bc: {  	s24 =	simm.s32 $0x12E40;
	s1 =	sadd.s32 s2, s1  }
0x1bd: {  	[hbm4b:s1+s3] =	stream.linear.scatter [tilespmem:s24], [sflag:$0x7], $0x80, $0x38;
	[tilespmem:$0x14C00] =	vst v63  }
0x1be: {  	s31 =	simm.s32 $0x12EC8;
	s30 =	sadd.s32 $0x10, s1  }
0x1bf: {  	[hbm4b:s30+s3] =	stream.linear.scatter [tilespmem:s31], [sflag:$0x7], $0x80, $0x38;
	[tilespmem:$0x14C00] =	vst v63  }
0x1c0: {  	s30 =	sadd.s32 $0x20, s1;
	s31 =	simm.s32 $0x12F50  }
0x1c1: {  	[hbm4b:s30+s3] =	stream.linear.scatter [tilespmem:s31], [sflag:$0x7], $0x80, $0x38;
	[tilespmem:$0x14C00] =	vst v63  }
0x1c2: {  	s30 =	sadd.s32 $0x30, s1;
	s31 =	simm.s32 $0x12FD8  }
0x1c3: {  	[hbm4b:s30+s3] =	stream.linear.scatter [tilespmem:s31], [sflag:$0x7], $0x80, $0x38;
	[tilespmem:$0x14C00] =	vst v63  }
0x1c4: {  	s30 =	sadd.s32 $0x40, s1;
	s31 =	simm.s32 $0x13060  }
0x1c5: {  	[hbm4b:s30+s3] =	stream.linear.scatter [tilespmem:s31], [sflag:$0x7], $0x80, $0x38;
	[tilespmem:$0x14C00] =	vst v63  }
0x1c6: {  	s30 =	sadd.s32 $0x50, s1;
	s31 =	simm.s32 $0x130E8  }
0x1c7: {  	[hbm4b:s30+s3] =	stream.linear.scatter [tilespmem:s31], [sflag:$0x7], $0x80, $0x38;
	[tilespmem:$0x14C00] =	vst v63  }
0x1c8: {  	s24 =	sadd.s32 $0x60, s1;
	s30 =	simm.s32 $0x13170  }
0x1c9: {  	[hbm4b:s24+s3] =	stream.linear.scatter [tilespmem:s30], [sflag:$0x7], $0x80, $0x38;
	[tilespmem:$0x14C00] =	vst v63  }
0x1ca: {  	s23 =	sadd.s32 $0x40000, s0;
	s1 =	sadd.s32 $0x70, s1;
	s31 =	simm.s32 $0x131F8  }
0x1cb: {  	[hbm4b:s1+s3] =	stream.linear.scatter [tilespmem:s31], [sflag:$0x7], $0x80, $0x38;
	[tilespmem:$0x14C00] =	vst v63  }
0x1cc: {  	s1 =	sshrl.u32 s23, $0x3  }
0x1cd: {  	s24 =	simm.s32 $0x13280;
	s1 =	sadd.s32 s2, s1  }
0x1ce: {  	[hbm4b:s1+s3] =	stream.linear.scatter [tilespmem:s24], [sflag:$0x7], $0x80, $0x38;
	[tilespmem:$0x14C00] =	vst v63  }
0x1cf: {  	s31 =	simm.s32 $0x13308;
	s30 =	sadd.s32 $0x10, s1  }
0x1d0: {  	[hbm4b:s30+s3] =	stream.linear.scatter [tilespmem:s31], [sflag:$0x7], $0x80, $0x38;
	[tilespmem:$0x14C00] =	vst v63  }
0x1d1: {  	s30 =	sadd.s32 $0x20, s1;
	s31 =	simm.s32 $0x13390  }
0x1d2: {  	[hbm4b:s30+s3] =	stream.linear.scatter [tilespmem:s31], [sflag:$0x7], $0x80, $0x38;
	[tilespmem:$0x14C00] =	vst v63  }
0x1d3: {  	s30 =	sadd.s32 $0x30, s1;
	s31 =	simm.s32 $0x13418  }
0x1d4: {  	[hbm4b:s30+s3] =	stream.linear.scatter [tilespmem:s31], [sflag:$0x7], $0x80, $0x38;
	[tilespmem:$0x14C00] =	vst v63  }
0x1d5: {  	s30 =	sadd.s32 $0x40, s1;
	s31 =	simm.s32 $0x134A0  }
0x1d6: {  	[hbm4b:s30+s3] =	stream.linear.scatter [tilespmem:s31], [sflag:$0x7], $0x80, $0x38;
	[tilespmem:$0x14C00] =	vst v63  }
0x1d7: {  	s30 =	sadd.s32 $0x50, s1;
	s31 =	simm.s32 $0x13528  }
0x1d8: {  	[hbm4b:s30+s3] =	stream.linear.scatter [tilespmem:s31], [sflag:$0x7], $0x80, $0x38;
	[tilespmem:$0x14C00] =	vst v63  }
0x1d9: {  	s0 =	sadd.s32 $0x60000, s0;
	s24 =	sadd.s32 $0x60, s1;
	s30 =	simm.s32 $0x135B0  }
0x1da: {  	[hbm4b:s24+s3] =	stream.linear.scatter [tilespmem:s30], [sflag:$0x7], $0x80, $0x38;
	[tilespmem:$0x14C00] =	vst v63  }
0x1db: {  	s0 =	sshrl.u32 s0, $0x3;
	s1 =	sadd.s32 $0x70, s1;
	s31 =	simm.s32 $0x13638  }
0x1dc: {  	[hbm4b:s1+s3] =	stream.linear.scatter [tilespmem:s31], [sflag:$0x7], $0x80, $0x38;
	[tilespmem:$0x14C00] =	vst v63  }
0x1dd: {  	s0 =	sadd.s32 s2, s0;
	s24 =	simm.s32 $0x136C0  }
0x1de: {  	[hbm4b:s0+s3] =	stream.linear.scatter [tilespmem:s24], [sflag:$0x7], $0x80, $0x38;
	[tilespmem:$0x14C00] =	vst v63  }
0x1df: {  	s30 =	sadd.s32 $0x10, s0;
	s31 =	simm.s32 $0x13748  }
0x1e0: {  	[hbm4b:s30+s3] =	stream.linear.scatter [tilespmem:s31], [sflag:$0x7], $0x80, $0x38;
	[tilespmem:$0x14C00] =	vst v63  }
0x1e1: {  	s23 =	sadd.s32 $0x20, s0;
	s24 =	simm.s32 $0x137D0  }
0x1e2: {  	[hbm4b:s23+s3] =	stream.linear.scatter [tilespmem:s24], [sflag:$0x7], $0x80, $0x38;
	[tilespmem:$0x14C00] =	vst v63  }
0x1e3: {  	s30 =	sadd.s32 $0x30, s0;
	s31 =	simm.s32 $0x13858  }
0x1e4: {  	[hbm4b:s30+s3] =	stream.linear.scatter [tilespmem:s31], [sflag:$0x7], $0x80, $0x38;
	[tilespmem:$0x14C00] =	vst v63  }
0x1e5: {  	s23 =	sadd.s32 $0x40, s0;
	s24 =	simm.s32 $0x138E0  }
0x1e6: {  	[hbm4b:s23+s3] =	stream.linear.scatter [tilespmem:s24], [sflag:$0x7], $0x80, $0x38;
	[tilespmem:$0x14C00] =	vst v63  }
0x1e7: {  	s30 =	sadd.s32 $0x50, s0;
	s31 =	simm.s32 $0x13968  }
0x1e8: {  	[hbm4b:s30+s3] =	stream.linear.scatter [tilespmem:s31], [sflag:$0x7], $0x80, $0x38;
	[tilespmem:$0x14C00] =	vst v63  }
0x1e9: {  	s24 =	sadd.s32 $0x60, s0;
	s30 =	simm.s32 $0x139F0  }
0x1ea: {  	[hbm4b:s24+s3] =	stream.linear.scatter [tilespmem:s30], [sflag:$0x7], $0x80, $0x38;
	[tilespmem:$0x14C00] =	vst v63  }
0x1eb: {  	s0 =	sadd.s32 $0x70, s0;
	s31 =	simm.s32 $0x13A78  }
0x1ec: {  	[hbm4b:s0+s3] =	stream.linear.scatter [tilespmem:s31], [sflag:$0x7], $0x80, $0x38;
	[tilespmem:$0x14C00] =	vst v63  }
0x1ed: {  	s1 =	simm.s32 @!p1 $0x80;
	s0 =	sadd.s32 @!p1 $0x300, s22;
	s22 =	simm.s32 @!p1 $0xE800  }
0x1ee: {  	[tilespmem:s22], [sflag:$0x3] =	stream.indirect.gather @!p1 [hbm4b:s4+s1], $0x20, s0, s1, $0xb8;
	[tilespmem:$0x14C00] =	vst v63  }
0x1ef: {  	_ =	swait.ge [sflag:s28], $0x1000  }
0x1f0: {  	[sflag:s28] =	ssyncset.done $0x0  }
0x1f1: {  	s0 =	simm.s32 @!p0 $0x8;
	[sflag:s28] =	ssyncadd.s32 $0xFFFFF000  }
0x1f2: {  	_ =	swait.ge @!p0 [sflag:s0], $0x400  }
0x1f3: {  	[sflag:s0] =	ssyncset.done @!p0 $0x0  }
0x1f4: {  	[sflag:s0] =	ssyncadd.s32 @!p0 $0xFFFFFC00  }
0x1f5: {  	_ =	swait.ge @!p0 [sflag:s0], $0x400  }
0x1f6: {  	s23 =	simm.s32 $0x0;
	s24 =	simm.s32 $0x1;
	[sflag:s0] =	ssyncset.done @!p0 $0x0  }
0x1f7: {  	s30 =	simm.s32 $0x2;
	v18 =	vmov s24;
	s24 =	simm.s32 $0x5;
	[sflag:s0] =	ssyncadd.s32 @!p0 $0xFFFFFC00  }
0x1f8: {  	v17 =	vmov s23;
	v19 =	vmov s30;
	s30 =	simm.s32 $0x7;
	v22 =	vmov s24;
	_ =	swait.ge @!p0 [sflag:s0], $0x400  }
0x1f9: {  	s31 =	simm.s32 $0x3;
	v23 =	vmov s30;
	v18 =	vshrl.u32 v18, $0x3;
	v19 =	vshrl.u32 v19, $0x3;
	[sflag:s0] =	ssyncset.done @!p0 $0x0  }
0x1fa: {  	v20 =	vmov s31;
	s31 =	simm.s32 $0x6;
	v23 =	vshrl.u32 v23, $0x3;
	v18 =	vshll.u32 v18, v1;
	[sflag:s0] =	ssyncadd.s32 @!p0 $0xFFFFFC00  }
0x1fb: {  	v22 =	vshrl.u32 v22, $0x3;
	v24 =	vmov s31;
	v23 =	vshll.u32 v23, v1;
	_ =	swait.ge @!p0 [sflag:s0], $0x400  }
0x1fc: {  	s22 =	simm.s32 $0x4;
	v31 =	vbroadcast v18, $0x0;
	v18 =	vshll.u32 v19, v1;
	v25 =	vbroadcast v23, $0x0;
	[sflag:s0] =	ssyncset.done @!p0 $0x0  }
0x1fd: {  	s23 =	simm.s32 $0xF8F0;
	v20 =	vshrl.u32 v20, $0x3;
	v21 =	vmov s22;
	v58 =	vbroadcast v18, $0x0;
	[sflag:s0] =	ssyncadd.s32 @!p0 $0xFFFFFC00  }
0x1fe: {  	v18 =	vshll.u32 v20, v1;
	v21 =	vshrl.u32 v21, $0x3;
	v26 =	vadd.s32 v15, v25;
	v23 =	vld [tilespmem:s23+$0xFFFFFFF0]  }
0x1ff: {  	v28 =	vadd.s32 v3, v31;
	v20 =	vbroadcast v18, $0x0;
	v18 =	vshll.u32 v21, v1;
	v27 =	vld [tilespmem:s23+$0xFFFFFF30]  }
0x200: {  	v29 =	vadd.s32 v5, v58;
	v19 =	vbroadcast v18, $0x0;
	v18 =	vshll.u32 v22, v1;
	v21 =	vld [tilespmem:s23+$0xFFFFFF50]  }
0x201: {  	v60 =	vadd.s32 v7, v20;
	v22 =	vshrl.u32 v24, $0x3;
	v18 =	vbroadcast v18, $0x0;
	v59 =	vld [tilespmem:s23+$0xFFFFFF70]  }
0x202: {  	v17 =	vshrl.u32 v17, $0x3;
	v22 =	vshll.u32 v22, v1;
	v62 =	vadd.s32 v9, v19;
	v61 =	vld [tilespmem:s23+$0xFFFFFF90]  }
0x203: {  	s30 =	simm.s32 $0x9;
	v24 =	vshll.u32 v17, v1;
	v22 =	vbroadcast v22, $0x0;
	v41 =	vadd.s32 v11, v18;
	v63 =	vld [tilespmem:s23+$0xFFFFFFB0];
	[tilespmem:v26+s29+$0x0] =	vst.idx.msk $0xffff, v23  }
0x204: {  	v42 =	vmov s30;
	s30 =	simm.s32 $0xD;
	v25 =	vadd.s32 v16, v25;
	v23 =	vbroadcast v24, $0x0;
	[tilespmem:v28+s29+$0x0] =	vst.idx.msk $0xffff, v27;
	v24 =	vld [tilespmem:s23+$0x0]  }
0x205: {  	s31 =	simm.s32 $0xA;
	v36 =	vmov s30;
	v37 =	vshrl.u32 v42, $0x3;
	s22 =	simm.s32 $0xB;
	[tilespmem:v29+s29+$0x0] =	vst.idx.msk $0xffff, v21;
	v26 =	vld [tilespmem:s23+$0xFFFFFFD0];
	v27 =	vadd.s32 v13, v22  }
0x206: {  	s24 =	simm.s32 $0x8;
	v43 =	vmov s31;
	v38 =	vmov s22;
	v28 =	vld [tilespmem:s23+$0xFFFFFF10];
	[tilespmem:v60+s29+$0x0] =	vst.idx.msk $0xffff, v59;
	v30 =	vadd.s32 v0, v23  }
0x207: {  	s21 =	sadd.s32 $0x3, s21;
	s31 =	simm.s32 $0xE;
	v33 =	vadd.s32 v4, v31;
	v31 =	vshrl.u32 v43, $0x3;
	v17 =	vmov s24;
	s24 =	simm.s32 $0xC;
	[tilespmem:v62+s29+$0x0] =	vst.idx.msk $0xffff, v61;
	v29 =	vld [tilespmem:s23+$0xFFFFFF40]  }
0x208: {  	s1 =	simm.s32 $0xF;
	s22 =	sshrl.u32 s21, $0x7;
	v34 =	vadd.s32 v6, v58;
	v35 =	vmov s24;
	s24 =	simm.s32 $0x10;
	v21 =	vmov s31;
	[tilespmem:v41+s29+$0x0] =	vst.idx.msk $0xffff, v63;
	v32 =	vld [tilespmem:s23+$0xFFFFFF60]  }
.LBB2_9:
0x209: {  	p0 =	slt.u32 s24, $0x78;
	v38 =	vshrl.u32 v38, $0x3;
	v39 =	vmov s1;
	v40 =	vld [tilespmem:s23+$0xFFFFFF80];
	v20 =	vadd.s32 v8, v20;
	[tilespmem:v25+s29+$0x0] =	vst.idx.msk $0xffff, v24  }
0x20a: {  	v24 =	vshrl.u32 v35, $0x3;
	v19 =	vadd.s32 v10, v19;
	v25 =	vshrl.u32 v39, $0x3;
	v35 =	vld [tilespmem:s23+$0xFFFFFFA0];
	[tilespmem:v27+s29+$0x0] =	vst.idx.msk $0xffff, v26  }
0x20b: {  	v18 =	vadd.s32 v12, v18;
	v26 =	vshrl.u32 v36, $0x3;
	v25 =	vshll.u32 v25, v1;
	[tilespmem:v30+s29+$0x0] =	vst.idx.msk $0xffff, v28;
	v27 =	vld [tilespmem:s23+$0xFFFFFFC0]  }
0x20c: {  	v22 =	vadd.s32 v14, v22;
	v28 =	vshll.u32 v37, v1;
	v25 =	vbroadcast v25, $0x0;
	[tilespmem:v33+s29+$0x0] =	vst.idx.msk $0xffff, v29;
	v29 =	vld [tilespmem:s23+$0xFFFFFFE0]  }
0x20d: {  	v23 =	vadd.s32 v2, v23;
	v33 =	vbroadcast v28, $0x0;
	v28 =	vshll.u32 v31, v1;
	v30 =	vld [tilespmem:s23+$0xFFFFFF20];
	[tilespmem:v34+s29+$0x0] =	vst.idx.msk $0xffff, v32;
	s23 =	sadd.s32 $0x100, s23  }
0x20e: {  	v34 =	vbroadcast v28, $0x0;
	v28 =	vshll.u32 v38, v1;
	v31 =	vld [tilespmem:s23+$0xFFFFFFF0];
	v32 =	vadd.s32 v15, v25;
	[tilespmem:v20+s29+$0x0] =	vst.idx.msk $0xffff, v40  }
0x20f: {  	v24 =	vshll.u32 v24, v1;
	v37 =	vadd.s32 v3, v33;
	v20 =	vbroadcast v28, $0x0;
	v36 =	vld [tilespmem:s23+$0xFFFFFF30];
	[tilespmem:v19+s29+$0x0] =	vst.idx.msk $0xffff, v35  }
0x210: {  	v35 =	vadd.s32 v5, v34;
	v19 =	vbroadcast v24, $0x0;
	v24 =	vshll.u32 v26, v1;
	v28 =	vld [tilespmem:s23+$0xFFFFFF50];
	[tilespmem:v18+s29+$0x0] =	vst.idx.msk $0xffff, v27  }
0x211: {  	v21 =	vshrl.u32 v21, $0x3;
	v40 =	vadd.s32 v7, v20;
	v18 =	vbroadcast v24, $0x0;
	v39 =	vld [tilespmem:s23+$0xFFFFFF70];
	[tilespmem:v22+s29+$0x0] =	vst.idx.msk $0xffff, v29  }
0x212: {  	v17 =	vshrl.u32 v17, $0x3;
	v21 =	vshll.u32 v21, v1;
	v42 =	vadd.s32 v9, v19;
	v41 =	vld [tilespmem:s23+$0xFFFFFF90];
	[tilespmem:v23+s29+$0x0] =	vst.idx.msk $0xffff, v30  }
0x213: {  	v22 =	vbroadcast v21, $0x0;
	v23 =	vshll.u32 v17, v1;
	v44 =	vadd.s32 v11, v18;
	v43 =	vld [tilespmem:s23+$0xFFFFFFB0];
	[tilespmem:v32+s29+$0x0] =	vst.idx.msk $0xffff, v31  }
.Ltmp5:
0x214: {  	s0 =	sadd.s32 $0x1, s24;
	s1 =	sadd.s32 $0x2, s24;
	v25 =	vadd.s32 v16, v25;
	v17 =	vmov s24;
	v23 =	vbroadcast v23, $0x0;
	[tilespmem:v37+s29+$0x0] =	vst.idx.msk $0xffff, v36;
	v24 =	vld [tilespmem:s23+$0x0];
	(pc) =	sbr.rel @p0 .LBB2_9-.Ltmp5, $4  }
0x215: {  	v31 =	vmov s0;
	v32 =	vmov s1;
	s0 =	sadd.s32 $0x3, s24;
	s1 =	sadd.s32 $0x4, s24;
	v27 =	vadd.s32 v13, v22;
	[tilespmem:v35+s29+$0x0] =	vst.idx.msk $0xffff, v28;
	v26 =	vld [tilespmem:s23+$0xFFFFFFD0]  }
0x216: {  	v38 =	vmov s0;
	s0 =	sadd.s32 $0x5, s24;
	v35 =	vmov s1;
	s1 =	sadd.s32 $0x6, s24;
	v30 =	vadd.s32 v0, v23;
	v28 =	vld [tilespmem:s23+$0xFFFFFF10];
	[tilespmem:v40+s29+$0x0] =	vst.idx.msk $0xffff, v39  }
0x217: {  	v33 =	vadd.s32 v4, v33;
	v36 =	vmov s0;
	v21 =	vmov s1;
	v29 =	vld [tilespmem:s23+$0xFFFFFF40];
	[tilespmem:v42+s29+$0x0] =	vst.idx.msk $0xffff, v41  }
0x218: {  	v34 =	vadd.s32 v6, v34;
	v37 =	vshrl.u32 v31, $0x3;
	v31 =	vshrl.u32 v32, $0x3;
	s1 =	sadd.s32 $0x7, s24;
	s24 =	sadd.s32 $0x8, s24;
	v32 =	vld [tilespmem:s23+$0xFFFFFF60];
	[tilespmem:v44+s29+$0x0] =	vst.idx.msk $0xffff, v43  }
0x219: {  	_ =	sdelay $0x2  }
0x21a: {  	v39 =	vmov s1;
	v20 =	vadd.s32 v8, v20  }
0x21b: {  	v38 =	vshrl.u32 v38, $0x3;
	v40 =	vld [tilespmem:s23+$0xFFFFFF80];
	[tilespmem:v25+s29+$0x0] =	vst.idx.msk $0xffff, v24;
	v19 =	vadd.s32 v10, v19;
	v18 =	vadd.s32 v12, v18  }
0x21c: {  	v55 =	vshrl.u32 v35, $0x3;
	v57 =	vld [tilespmem:s23+$0xFFFFFFA0];
	v60 =	vshll.u32 v37, v1;
	v22 =	vadd.s32 v14, v22;
	[tilespmem:v27+s29+$0x0] =	vst.idx.msk $0xffff, v26  }
0x21d: {  	v58 =	vshrl.u32 v36, $0x3;
	v59 =	vld [tilespmem:s23+$0xFFFFFFC0];
	v62 =	vshll.u32 v31, v1;
	v23 =	vadd.s32 v2, v23;
	[tilespmem:v30+s29+$0x0] =	vst.idx.msk $0xffff, v28  }
0x21e: {  	v21 =	vshrl.u32 v21, $0x3;
	v24 =	vshll.u32 v55, v1;
	v61 =	vld [tilespmem:s23+$0xFFFFFFE0];
	v28 =	vbroadcast v60, $0x0;
	[tilespmem:v33+s29+$0x0] =	vst.idx.msk $0xffff, v29  }
0x21f: {  	s0 =	sadd.s32 $0x100, s23;
	v17 =	vshrl.u32 v17, $0x3;
	v56 =	vshrl.u32 v39, $0x3;
	v24 =	vbroadcast v24, $0x0;
	v63 =	vld [tilespmem:s23+$0xFFFFFF20];
	[tilespmem:v34+s29+$0x0] =	vst.idx.msk $0xffff, v32  }
0x220: {  	v44 =	vld [tilespmem:s0+$0xFFFFFF30];
	v17 =	vshll.u32 v17, v1;
	v30 =	vbroadcast v62, $0x0;
	v45 =	vadd.s32 v3, v28;
	[tilespmem:v20+s29+$0x0] =	vst.idx.msk $0xffff, v40  }
0x221: {  	v48 =	vld [tilespmem:s0+$0xFFFFFF90];
	v25 =	vshll.u32 v56, v1;
	v17 =	vbroadcast v17, $0x0;
	v49 =	vadd.s32 v9, v24;
	[tilespmem:v19+s29+$0x0] =	vst.idx.msk $0xffff, v57  }
0x222: {  	v41 =	vshll.u32 v38, v1;
	v25 =	vbroadcast v25, $0x0;
	v46 =	vadd.s32 v5, v30;
	v19 =	vld [tilespmem:s0+$0xFFFFFF50];
	[tilespmem:v18+s29+$0x0] =	vst.idx.msk $0xffff, v59  }
0x223: {  	v26 =	vshll.u32 v58, v1;
	v54 =	vld [tilespmem:s0+$0xFFFFFF10];
	v32 =	vbroadcast v41, $0x0;
	v55 =	vadd.s32 v0, v17;
	[tilespmem:v22+s29+$0x0] =	vst.idx.msk $0xffff, v61  }
0x224: {  	v42 =	vld [tilespmem:s0+$0xFFFFFFF0];
	v21 =	vshll.u32 v21, v1;
	v26 =	vbroadcast v26, $0x0;
	v43 =	vadd.s32 v15, v25;
	[tilespmem:v23+s29+$0x0] =	vst.idx.msk $0xffff, v63  }
0x225: {  	v21 =	vbroadcast v21, $0x0;
	v18 =	vld [tilespmem:s0+$0xFFFFFF70];
	v47 =	vadd.s32 v7, v32;
	[tilespmem:v45+s29+$0x0] =	vst.idx.msk $0xffff, v44  }
0x226: {  	v50 =	vld [tilespmem:s0+$0xFFFFFFB0];
	v51 =	vadd.s32 v11, v26;
	[tilespmem:v49+s29+$0x0] =	vst.idx.msk $0xffff, v48  }
0x227: {  	v53 =	vadd.s32 v13, v21;
	[tilespmem:v46+s29+$0x0] =	vst.idx.msk $0xffff, v19;
	v19 =	vld [tilespmem:s0+$0xFFFFFFD0]  }
0x228: {  	v24 =	vadd.s32 v10, v24;
	[tilespmem:v55+s29+$0x0] =	vst.idx.msk $0xffff, v54;
	v61 =	vld [tilespmem:s0+$0xFFFFFFA0]  }
0x229: {  	v17 =	vadd.s32 v2, v17;
	[tilespmem:v43+s29+$0x0] =	vst.idx.msk $0xffff, v42;
	v63 =	vld [tilespmem:s0+$0xFFFFFF20]  }
0x22a: {  	v56 =	vadd.s32 v4, v28;
	[tilespmem:v47+s29+$0x0] =	vst.idx.msk $0xffff, v18;
	v18 =	vld [tilespmem:s0+$0xFFFFFF40]  }
0x22b: {  	v25 =	vadd.s32 v16, v25;
	[tilespmem:v51+s29+$0x0] =	vst.idx.msk $0xffff, v50;
	v52 =	vld [tilespmem:s0+$0x0]  }
0x22c: {  	v58 =	vadd.s32 v6, v30;
	v57 =	vld [tilespmem:s0+$0xFFFFFF60];
	[tilespmem:v53+s29+$0x0] =	vst.idx.msk $0xffff, v19  }
0x22d: {  	v60 =	vadd.s32 v8, v32;
	v59 =	vld [tilespmem:s0+$0xFFFFFF80];
	[tilespmem:v24+s29+$0x0] =	vst.idx.msk $0xffff, v61  }
0x22e: {  	v62 =	vadd.s32 v12, v26;
	v19 =	vld [tilespmem:s0+$0xFFFFFFC0];
	[tilespmem:v17+s29+$0x0] =	vst.idx.msk $0xffff, v63  }
0x22f: {  	v21 =	vadd.s32 v14, v21;
	[tilespmem:v56+s29+$0x0] =	vst.idx.msk $0xffff, v18;
	v18 =	vld [tilespmem:s0+$0xFFFFFFE0]  }
0x230: {  	s24 =	sshll.u32 s22, $0x11;
	s30 =	sshll.u32 s21, $0xA;
	[tilespmem:v25+s29+$0x0] =	vst.idx.msk $0xffff, v52  }
0x231: {  	s31 =	sshll.u32 s22, $0x13;
	[tilespmem:v58+s29+$0x0] =	vst.idx.msk $0xffff, v57;
	s0 =	ssub.s32 s30, s24  }
0x232: {  	[tilespmem:v60+s29+$0x0] =	vst.idx.msk $0xffff, v59;
	s0 =	sadd.s32 s31, s0  }
0x233: {  	s22 =	sshrl.u32 s0, $0x3;
	[tilespmem:v62+s29+$0x0] =	vst.idx.msk $0xffff, v19  }
0x234: {  	s1 =	sadd.s32 s2, s22;
	[tilespmem:v21+s29+$0x0] =	vst.idx.msk $0xffff, v18  }
0x235: {  	[hbm4b:s1+s3] =	stream.linear.scatter [tilespmem:s29], [sflag:$0x8], $0x80, $0x38;
	[tilespmem:$0x14C00] =	vst v63  }
0x236: {  	s24 =	simm.s32 $0x13B88;
	s23 =	sadd.s32 $0x10, s1  }
0x237: {  	[hbm4b:s23+s3] =	stream.linear.scatter [tilespmem:s24], [sflag:$0x8], $0x80, $0x38;
	[tilespmem:$0x14C00] =	vst v63  }
0x238: {  	s31 =	simm.s32 $0x13C10;
	s30 =	sadd.s32 $0x20, s1  }
0x239: {  	[hbm4b:s30+s3] =	stream.linear.scatter [tilespmem:s31], [sflag:$0x8], $0x80, $0x38;
	[tilespmem:$0x14C00] =	vst v63  }
0x23a: {  	s23 =	sadd.s32 $0x30, s1;
	s24 =	simm.s32 $0x13C98  }
0x23b: {  	[hbm4b:s23+s3] =	stream.linear.scatter [tilespmem:s24], [sflag:$0x8], $0x80, $0x38;
	[tilespmem:$0x14C00] =	vst v63  }
0x23c: {  	s30 =	sadd.s32 $0x40, s1;
	s31 =	simm.s32 $0x13D20  }
0x23d: {  	[hbm4b:s30+s3] =	stream.linear.scatter [tilespmem:s31], [sflag:$0x8], $0x80, $0x38;
	[tilespmem:$0x14C00] =	vst v63  }
0x23e: {  	s22 =	sadd.s32 $0x50, s1;
	s23 =	simm.s32 $0x13DA8  }
0x23f: {  	[hbm4b:s22+s3] =	stream.linear.scatter [tilespmem:s23], [sflag:$0x8], $0x80, $0x38;
	[tilespmem:$0x14C00] =	vst v63  }
0x240: {  	s24 =	sadd.s32 $0x60, s1;
	s30 =	simm.s32 $0x13E30  }
0x241: {  	[hbm4b:s24+s3] =	stream.linear.scatter [tilespmem:s30], [sflag:$0x8], $0x80, $0x38;
	[tilespmem:$0x14C00] =	vst v63  }
0x242: {  	s21 =	sadd.s32 $0x20000, s0;
	s1 =	sadd.s32 $0x70, s1;
	s31 =	simm.s32 $0x13EB8  }
0x243: {  	[hbm4b:s1+s3] =	stream.linear.scatter [tilespmem:s31], [sflag:$0x8], $0x80, $0x38;
	[tilespmem:$0x14C00] =	vst v63  }
0x244: {  	s1 =	sshrl.u32 s21, $0x3  }
0x245: {  	s22 =	simm.s32 $0x13F40;
	s1 =	sadd.s32 s2, s1  }
0x246: {  	[hbm4b:s1+s3] =	stream.linear.scatter [tilespmem:s22], [sflag:$0x8], $0x80, $0x38;
	[tilespmem:$0x14C00] =	vst v63  }
0x247: {  	s24 =	simm.s32 $0x13FC8;
	s23 =	sadd.s32 $0x10, s1  }
0x248: {  	[hbm4b:s23+s3] =	stream.linear.scatter [tilespmem:s24], [sflag:$0x8], $0x80, $0x38;
	[tilespmem:$0x14C00] =	vst v63  }
0x249: {  	s31 =	simm.s32 $0x14050;
	s30 =	sadd.s32 $0x20, s1  }
0x24a: {  	[hbm4b:s30+s3] =	stream.linear.scatter [tilespmem:s31], [sflag:$0x8], $0x80, $0x38;
	[tilespmem:$0x14C00] =	vst v63  }
0x24b: {  	s23 =	sadd.s32 $0x30, s1;
	s24 =	simm.s32 $0x140D8  }
0x24c: {  	[hbm4b:s23+s3] =	stream.linear.scatter [tilespmem:s24], [sflag:$0x8], $0x80, $0x38;
	[tilespmem:$0x14C00] =	vst v63  }
0x24d: {  	s30 =	sadd.s32 $0x40, s1;
	s31 =	simm.s32 $0x14160  }
0x24e: {  	[hbm4b:s30+s3] =	stream.linear.scatter [tilespmem:s31], [sflag:$0x8], $0x80, $0x38;
	[tilespmem:$0x14C00] =	vst v63  }
0x24f: {  	s22 =	sadd.s32 $0x50, s1;
	s23 =	simm.s32 $0x141E8  }
0x250: {  	[hbm4b:s22+s3] =	stream.linear.scatter [tilespmem:s23], [sflag:$0x8], $0x80, $0x38;
	[tilespmem:$0x14C00] =	vst v63  }
0x251: {  	s24 =	sadd.s32 $0x60, s1;
	s30 =	simm.s32 $0x14270  }
0x252: {  	[hbm4b:s24+s3] =	stream.linear.scatter [tilespmem:s30], [sflag:$0x8], $0x80, $0x38;
	[tilespmem:$0x14C00] =	vst v63  }
0x253: {  	s21 =	sadd.s32 $0x40000, s0;
	s1 =	sadd.s32 $0x70, s1;
	s31 =	simm.s32 $0x142F8  }
0x254: {  	[hbm4b:s1+s3] =	stream.linear.scatter [tilespmem:s31], [sflag:$0x8], $0x80, $0x38;
	[tilespmem:$0x14C00] =	vst v63  }
0x255: {  	s1 =	sshrl.u32 s21, $0x3  }
0x256: {  	s22 =	simm.s32 $0x14380;
	s1 =	sadd.s32 s2, s1  }
0x257: {  	[hbm4b:s1+s3] =	stream.linear.scatter [tilespmem:s22], [sflag:$0x8], $0x80, $0x38;
	[tilespmem:$0x14C00] =	vst v63  }
0x258: {  	s24 =	simm.s32 $0x14408;
	s23 =	sadd.s32 $0x10, s1  }
0x259: {  	[hbm4b:s23+s3] =	stream.linear.scatter [tilespmem:s24], [sflag:$0x8], $0x80, $0x38;
	[tilespmem:$0x14C00] =	vst v63  }
0x25a: {  	s31 =	simm.s32 $0x14490;
	s30 =	sadd.s32 $0x20, s1  }
0x25b: {  	[hbm4b:s30+s3] =	stream.linear.scatter [tilespmem:s31], [sflag:$0x8], $0x80, $0x38;
	[tilespmem:$0x14C00] =	vst v63  }
0x25c: {  	s23 =	sadd.s32 $0x30, s1;
	s24 =	simm.s32 $0x14518  }
0x25d: {  	[hbm4b:s23+s3] =	stream.linear.scatter [tilespmem:s24], [sflag:$0x8], $0x80, $0x38;
	[tilespmem:$0x14C00] =	vst v63  }
0x25e: {  	s30 =	sadd.s32 $0x40, s1;
	s31 =	simm.s32 $0x145A0  }
0x25f: {  	[hbm4b:s30+s3] =	stream.linear.scatter [tilespmem:s31], [sflag:$0x8], $0x80, $0x38;
	[tilespmem:$0x14C00] =	vst v63  }
0x260: {  	s23 =	sadd.s32 $0x50, s1;
	s24 =	simm.s32 $0x14628  }
0x261: {  	[hbm4b:s23+s3] =	stream.linear.scatter [tilespmem:s24], [sflag:$0x8], $0x80, $0x38;
	[tilespmem:$0x14C00] =	vst v63  }
0x262: {  	s0 =	sadd.s32 $0x60000, s0;
	s30 =	sadd.s32 $0x60, s1;
	s31 =	simm.s32 $0x146B0  }
0x263: {  	[hbm4b:s30+s3] =	stream.linear.scatter [tilespmem:s31], [sflag:$0x8], $0x80, $0x38;
	[tilespmem:$0x14C00] =	vst v63  }
0x264: {  	s0 =	sshrl.u32 s0, $0x3;
	s1 =	sadd.s32 $0x70, s1  }
0x265: {  	[hbm4b:s1+s3] =	stream.linear.scatter [tilespmem:s10], [sflag:$0x8], $0x80, $0x38;
	[tilespmem:$0x14C00] =	vst v63  }
0x266: {  	s0 =	sadd.s32 s2, s0  }
0x267: {  	[hbm4b:s0+s3] =	stream.linear.scatter [tilespmem:s11], [sflag:$0x8], $0x80, $0x38;
	[tilespmem:$0x14C00] =	vst v63  }
0x268: {  	s21 =	sadd.s32 $0x10, s0  }
0x269: {  	[hbm4b:s21+s3] =	stream.linear.scatter [tilespmem:s12], [sflag:$0x8], $0x80, $0x38;
	[tilespmem:$0x14C00] =	vst v63  }
0x26a: {  	s22 =	sadd.s32 $0x20, s0  }
0x26b: {  	[hbm4b:s22+s3] =	stream.linear.scatter [tilespmem:s6], [sflag:$0x8], $0x80, $0x38;
	[tilespmem:$0x14C00] =	vst v63  }
0x26c: {  	s23 =	sadd.s32 $0x30, s0  }
0x26d: {  	[hbm4b:s23+s3] =	stream.linear.scatter [tilespmem:s7], [sflag:$0x8], $0x80, $0x38;
	[tilespmem:$0x14C00] =	vst v63  }
0x26e: {  	s24 =	sadd.s32 $0x40, s0  }
0x26f: {  	[hbm4b:s24+s3] =	stream.linear.scatter [tilespmem:s8], [sflag:$0x8], $0x80, $0x38;
	[tilespmem:$0x14C00] =	vst v63  }
0x270: {  	s30 =	sadd.s32 $0x50, s0  }
0x271: {  	[hbm4b:s30+s3] =	stream.linear.scatter [tilespmem:s15], [sflag:$0x8], $0x80, $0x38;
	[tilespmem:$0x14C00] =	vst v63  }
.Ltmp6:
0x272: {  	_ = 	snop;
	(pc) =	sbr.rel @p1 .LBB2_12-.Ltmp6, $4  }
0x273: {  	s31 =	sadd.s32 $0x60, s0  }
0x274: {  	[hbm4b:s31+s3] =	stream.linear.scatter [tilespmem:s18], [sflag:$0x8], $0x80, $0x38;
	[tilespmem:$0x14C00] =	vst v63  }
0x275: {  	s0 =	sadd.s32 $0x70, s0  }
0x276: {  	[hbm4b:s0+s3] =	stream.linear.scatter [tilespmem:s19], [sflag:$0x8], $0x80, $0x38;
	[tilespmem:$0x14C00] =	vst v63  }
.Ltmp7:
0x277: {  	(pc) =	sbr.rel .LBB2_2-.Ltmp7, $4  }
0x278: {  	s0 =	sshll.u32 s20, $0x9  }
0x279: {  	s0 =	sand.u32 $0x3FFFFE00, s0  }
0x27a: {  	s1 =	simm.s32 $0xF800;
	s20 =	sadd.s32 $0x1, s20;
	s0 =	sadd.s32 $0x380, s0  }
0x27b: {  	[tilespmem:s1], [sflag:$0x4] =	stream.indirect.gather [hbm4b:s4+s9], $0x20, s0, s9, $0xb8;
	[tilespmem:$0x14C00] =	vst v63  }
.LBB2_13:
0x27c: {  	_ =	sfence.sel $0x180000  }
0x27d: {  	[bflag:$0x0] =	sbarrier.arrive $0xFFFF  }
0x27e: {  	_ =	strace $0x9000004A  }
0x27f: {  	s0 =	stileid.u32;
	[bflag:$0x2] =	sbarrier.arrive $0xFFFF  }
0x280: {  	p0 =	sne.s32 s0, $0x0;
	s0 =	rddreg [dreg:$0x2]  }
0x281: {  	s0 =	sadd.s32 @!p0 $0x100000, s0  }
0x282: {  	[sflag:s0] =	ssyncadd.tile.s32 @!p0 $0x1;
	_ =	shalt  }
.Lfunc_end2:
_tile_overlayer_lowered:
.L_overlay_start_2:
0x283: {  	(tag) =	ssettag $0x2  }
0x284: {  	s0 =	rddreg [dreg:$0x0];
	s2 =	stileid.u32  }
0x285: {  	s1 =	rddreg [dreg:$0x1];
	p0 =	sne.s32 s2, $0x0  }
0x286: {  	s3 =	rddreg [dreg:$0x2];
	[bflag:$0x3] =	sbarrier.arrive $0xFFFF;
	s2 =	simm.s32 @!p0 $0x1C09  }
0x287: {  	[timem:s3], [sflag:s2] =	dma.local @!p0 [hbm:s0], s1  }
0x288: {  	s0 =	simm.s32 @!p0 $0x9  }
0x289: {  	_ =	swait.ge @!p0 [sflag:s0], s1  }
0x28a: {  	s1 =	ssub.s32 @!p0 $0x0, s1;
	[sflag:s0] =	ssyncset.done @!p0 $0x0  }
0x28b: {  	[sflag:s0] =	ssyncadd.s32 @!p0 s1  }
0x28c: {  	[bflag:$0x3] =	sbarrier.arrive $0xFFFF  }
0x28d: {  	_ =	shalt  }

// kernel: sparse-core-data-format-call.cloned.1.call-start
scs
called_computation_lowered:
.L_overlay_start_0:
0x0: {  	s2 =	sld [smem:$0x3FD9]  }
0x1: {  	s3 =	sld [smem:$0x3FFE];
	_ =	sdelay $0x1  }
0x2: {  	s1 =	srdreg.scid  }
0x3: {  	s0 =	sand.u32 $0x1, s1  }
0x4: {  	s18 =	sshll.u32 s0, $0xA;
	s2 =	sadd.s32 s3, s2  }
0x5: {  	s2 =	sadd.s32 s2, s18  }
0x6: {  	[smem:$0x3FC6] =	sst s2  }
0x7: {  	_ = 	snop  }
0x8: {  	s2 =	sld [smem:$0x3FC8];
	(tm) =	ssettm $0x1  }
0x9: {  	s19 =	sld [smem:$0x3FFB];
	_ =	sdelay $0x3  }
0xa: {  	_ =	strace s19  }
0xb: {  	s3 =	sld [smem:$0x3FFC];
	_ =	sdelay $0x3  }
0xc: {  	_ =	strace s3  }
0xd: {  	s3 =	sld [smem:$0x3FFD];
	_ =	sdelay $0x3  }
0xe: {  	_ =	strace s3  }
0xf: {  	_ =	strace $0x8FFFFFFF  }
0x10: {  	s20 =	sld [smem:$0x3FDB];
	_ =	sdelay $0x1  }
0x11: {  	s4 =	simm.s32 $_scs_section_size  }
0x12: {  	s5 =	simm.s32 $_size__tile_overlayer_lowered;
	s6 =	simm.s32 $_tile_overlayer_lowered  }
0x13: {  	s23 =	simm.s32 $0x1BFF;
	s22 =	sshll.u32 s6, $0x1;
	s3 =	sadd.s32 s4, s20  }
0x14: {  	s7 =	simm.s32 $0x0;
	s21 =	sshll.u32 s5, $0x1;
	s5 =	sadd.s32 s22, s3  }
0x15: {  	[timem:s7], [sflag:s23] =	dma.local [hbm:s5], s21  }
0x16: {  	_ =	swait.ge [sflag:s23], s21  }
0x17: {  	s4 =	ssub.s32 $0x0, s21;
	[sflag:s23] =	ssyncset.done $0x0  }
0x18: {  	[sflag:s23] =	ssyncadd.s32 s4;
	_ =	sdelay $0x1  }
0x19: {  	s24 =	simm.s32 $0x1B8B  }
0x1a: {  	_ =	swait.ge [sflag:s24], $0x1  }
0x1b: {  	[sflag:s24] =	ssyncset.done $0x0  }
0x1c: {  	s26 =	simm.s32 $0x1B8E;
	s25 =	sld [smem:$0x3FFE];
	[sflag:s24] =	ssyncadd.s32 $0xFFFFFFFF  }
0x1d: {  	s27 =	simm.s32 $execute0_lowered;
	[smem:$0x3FD2] =	sst s26  }
0x1e: {  	s5 =	sshll.u32 s27, $0x1;
	_ =	strace $0x80000046;
	[dreg:$0x1] =	wrdreg $0xFFFFFFFF  }
0x1f: {  	s28 =	simm.s32 $_size_execute0_lowered;
	s3 =	sadd.s32 s3, s5;
	[dreg:$0x0] =	wrdreg $0x0  }
0x20: {  	s5 =	sshll.u32 s28, $0x1;
	[dreg:$0x2] =	wrdreg s3  }
0x21: {  	[dreg:$0x3] =	wrdreg s5  }
0x22: {  	[dreg:$0x4] =	wrdreg $0xC0  }
0x23: {  	_ =	task [dreg:s7], $0x5FFFF  }
0x24: {  	[dreg:$0x1] =	wrdreg $0xFFFFFFFF  }
0x25: {  	[dreg:$0x0] =	wrdreg $0x60  }
0x26: {  	[dreg:$0x2] =	wrdreg s2  }
0x27: {  	[dreg:$0x3] =	wrdreg s25  }
0x28: {  	[dreg:$0x4] =	wrdreg $0x9  }
0x29: {  	_ =	task.clear_ibuf [dreg:s7], $0x5FFFF;
	_ =	strace $0x90000046  }
0x2a: {  	s29 =	simm.s32 $0x9;
	_ =	strace $0x80000048  }
0x2b: {  	_ =	swait.ge [sflag:s29], $0x1  }
0x2c: {  	[sflag:s29] =	ssyncadd.s32 $0xFFFFFFFF  }
0x2d: {  	_ =	strace $0x90000048  }
0x2e: {  	_ =	sfence  }
0x2f: {  	s30 =	sld [smem:$0x0];
	_ =	sdelay $0x2  }
0x30: {  	s31 =	sshll.u32 s1, $0xD;
	s1 =	sshrl.u32 s1, $0x2  }
0x31: {  	s3 =	sand.u32 $0x4000, s31;
	s1 =	sadd.s32 s1, s30  }
0x32: {  	s0 =	sor.u32 s3, s0;
	s1 =	sshll.u32 s1, $0x11  }
0x33: {  	s0 =	sor.u32 s1, s0  }
0x34: {  	s0 =	sadd.s32 $0x8F2B, s0  }
0x35: {  	[sflag:s0] =	ssyncadd.remote.s32 $0x1  }
0x36: {  	_ =	sfence.sel $0xFFFF  }
0x37: {  	[dreg:$0x0] =	wrdreg $0xFFFFFFFF;
	(pc) =	sbr.abs _section_cstart, $3  }
0x38: {  	[dreg:$0x1] =	wrdreg $0xFFFFFFFF  }
0x39: {  	_ =	task.clear_ibuf [dreg:s7], $0x2FFFF;
	_ =	strace $0x9FFFFFFF  }
0x3a: {  	(tm) =	ssettm $0x7FFFFFFF  }
0x3b: {  	_ =	shalt  }
tec
execute0_lowered:
.L_overlay_start_1:
0x0: {  	(tag) =	ssettag $0x1  }
0x1: {  	s0 =	srdreg.scid;
	s2 =	rddreg [dreg:$0x0]  }
0x2: {  	s5 =	rddreg [dreg:$0x1];
	s1 =	stileid.u32  }
0x3: {  	s4 =	simm.s32 $0x1;
	s6 =	simm.s32 $0x2;
	s15 =	simm.s32 $0x0  }
0x4: {  	p0 =	por $0x0, $0x0;
	s8 =	simm.s32 $0x80;
	s0 =	sshll.u32 s0, $0x4  }
0x5: {  	s14 =	simm.s32 $0x0;
	s9 =	simm.s32 $0x0;
	s3 =	sand.u32 $0x10, s0  }
.Ltmp0:
0x6: {  	s10 =	simm.s32 $0x0;
	s3 =	sor.u32 s1, s3;
	(pc) =	sbr.rel .LBB1_1-.Ltmp0, $4  }
0x7: {  	s0 =	rddreg [dreg:$0x2];
	_ =	strace $0x80000047;
	s3 =	sshll.u32 s3, $0x7  }
0x8: {  	s12 =	simm.s32 $0x0;
	[sflag:s4] =	ssyncpa.u1 $0x0;
	s7 =	ssub.s32 $0xF4200, s3  }
0x9: {  	s13 =	simm.s32 $0x0;
	[sflag:s6] =	ssyncpa.u1 $0x0;
	s6 =	sshrl.u32 s7, $0xC  }
0xa: {  	s5 =	sadd.s32 $0xA00, s5;
	s11 =	smov.u32 s3;
	s7 =	sadd.s32 $0x2, s6  }
.LBB1_5:
0xb: {  	p1 =	slt.u32 s13, $0x2  }
0xc: {  	s17 =	smov.u32 s15;
	p2 =	sgt.s32 @!p1 s15, $0xF41C0;
	s16 =	sshra.s32 @!p1 s15, $0x1F  }
0xd: {  	p3 =	sgt.s32 @!p1 s14, $0x60;
	s18 =	sshra.s32 @!p1 s14, $0x1F;
	p2 =	por !p2, p1  }
0xe: {  	s15 =	sand.u32 @!p1 s16, s15;
	p3 =	por !p3, p1;
	s16 =	smov.u32 s14  }
0xf: {  	s14 =	sand.u32 @!p1 s18, s14;
	s17 =	simm.s32 @p2 $0xF41C0;
	s16 =	simm.s32 @p3 $0x60  }
0x10: {  	s15 =	ssub.s32 @!p1 s17, s15;
	s14 =	ssub.s32 @!p1 s16, s14  }
0x11: {  	s18 =	smov.u32 s12;
	s16 =	sadd.s32 @!p1 $0xFFF0BE40, s15;
	s17 =	sadd.s32 @!p1 $0xFFFFFFA0, s14  }
0x12: {  	s15 =	ssub.s32 @!p1 $0xF4240, s15;
	p2 =	sgt.s32 @!p1 s16, $0x7F;
	p3 =	sgt.s32 @!p1 s17, $0x1F  }
0x13: {  	s14 =	ssub.s32 @!p1 $0x80, s14;
	p2 =	por !p2, p1;
	p3 =	por !p3, p1  }
0x14: {  	s16 =	sadd.s32 $0x1000, s11;
	s15 =	simm.s32 @!p2 $0x0;
	s14 =	simm.s32 @!p3 $0x0  }
0x15: {  	p2 =	sgt.s32 s16, $0xF423F;
	s14 =	smul.u32 @!p1 s14, s15;
	s15 =	sadd.s32 $0x20, s12  }
0x16: {  	s18 =	smov.u32 @p2 s15  }
0x17: {  	s16 =	smov.u32 @p2 s3;
	p2 =	sgt.s32 s18, $0x1F  }
0x18: {  	s18 =	simm.s32 @p2 $0x0;
	p2 =	sne.s32 s13, s7  }
.Ltmp1:
0x19: {  	p0 =	por !p0, !p0;
	s17 =	simm.s32 @!p1 $0x2;
	(pc) =	sbr.rel @!p2 .LBB1_6-.Ltmp1, $4  }
0x1a: {  	s15 =	smov.u32 s9;
	s9 =	smov.u32 s11;
	s14 =	sand.u32 @!p1 $0x3FFFFFFF, s14  }
0x1b: {  	s11 =	smov.u32 s16;
	_ =	swait.ge @!p1 [sflag:s17], s14;
	s19 =	ssub.s32 @!p1 $0x0, s14  }
0x1c: {  	s14 =	smov.u32 s10;
	s13 =	sadd.s32 $0x1, s13;
	[sflag:s17] =	ssyncset.done @!p1 $0x0  }
0x1d: {  	s10 =	smov.u32 s12;
	s12 =	smov.u32 s18;
	[sflag:s17] =	ssyncadd.s32 @!p1 s19  }
.LBB1_1:
0x1e: {  	p1 =	sgt.u32 s13, s6  }
0x1f: {  	s16 =	sshrl.u32 @!p1 s12, $0x3  }
0x20: {  	s17 =	sshll.u32 @!p1 s11, $0x3;
	s16 =	smul.u32 @!p1 $0x7A1400, s16  }
0x21: {  	s18 =	sshll.u32 @!p1 s12, $0x7;
	s17 =	sand.u32 @!p1 $0xFFFFFC00, s17  }
0x22: {  	s16 =	sadd.s32 @!p1 s16, s17;
	s17 =	sand.u32 @!p1 $0x380, s18  }
0x23: {  	s18 =	sand.u32 @!p1 $0x7F, s11;
	s16 =	sor.u32 @!p1 s17, s16  }
0x24: {  	s17 =	sor.u32 @!p1 s18, s16  }
0x25: {  	s18 =	smulhi.u32 @!p1 $0x218D6287, s17;
	_ =	sdelay $0x1  }
0x26: {  	s16 =	smulhi.u32 @!p1 $0x218D6287, s16;
	s18 =	sshrl.u32 @!p1 s18, $0x11  }
0x27: {  	s18 =	smul.u32 @!p1 $0xF4280, s18  }
0x28: {  	s19 =	sxor.u32 @!p1 $0xFFFFFFFF, s13;
	s16 =	sshrl.u32 @!p1 s16, $0x11  }
0x29: {  	s19 =	sshll.u32 @!p1 s19, $0xC;
	s16 =	sand.u32 @!p1 $0x1F, s16;
	s17 =	ssub.s32 @!p1 s17, s18  }
0x2a: {  	s16 =	smul.u32 @!p1 $0x1E850, s16;
	s18 =	sshrl.u32 @!p1 s17, $0x3;
	s17 =	sand.u32 @!p1 $0x7, s17  }
0x2b: {  	s19 =	sand.u32 @!p1 $0x1000, s19;
	s18 =	sadd.s32 @!p1 s2, s18;
	s17 =	sshll.u32 @!p1 s17, $0x12  }
0x2c: {  	s16 =	sadd.s32 @!p1 s16, s18;
	s17 =	sor.u32 @!p1 $0x400, s17;
	s18 =	simm.s32 @!p1 $0x7A1400  }
0x2d: {  	[tilespmem:s19], [sflag:$0x1] =	stream.strided.gather @!p1 [hbm4b:s16+s17], $0x1000, s18, s17, $0x38;
	[tilespmem:$0x4100] =	vst v63  }
0x2e: {  	p1 =	seq.s32 s13, $0x0  }
0x2f: {  	p2 =	sge.u32 @!p1 s13, s7  }
0x30: {  	p1 =	por p1, p2  }
.Ltmp2:
0x31: {  	_ = 	snop;
	(pc) =	sbr.rel @p1 .LBB1_5-.Ltmp2, $1  }
0x32: {  	_ =	sdelay $0x3  }
0x33: {  	s16 =	simm.s32 $0x1  }
0x34: {  	_ =	swait.ge [sflag:s4], $0x1000;
	s16 =	simm.s32 @!p0 $0x0  }
0x35: {  	[sflag:s4] =	ssyncset.done $0x0;
	s17 =	sshll.u32 s16, $0xC  }
0x36: {  	[sflag:s4] =	ssyncadd.s32 $0xFFFFF000;
	s17 =	sor.u32 $0x40, s17  }
0x37: {  	s16 =	smul.u32 $0x4200, s16;
	v0 =	vld [tilespmem:s17+$0x30]  }
0x38: {  	v1 =	vld [tilespmem:s17+$0xFFFFFFD0]  }
0x39: {  	s16 =	sshrl.u32 s16, $0x2;
	v5 =	vld [tilespmem:s17+$0xFFFFFFE0]  }
0x3a: {  	v6 =	vld [tilespmem:s17+$0xFFFFFFF0];
	s19 =	sor.u32 $0x2000, s16  }
0x3b: {  	s31 =	sand.u32 $0x1, s13;
	v4 =	vld [tilespmem:s17+$0x0];
	s18 =	sadd.s32 $0x0, s19  }
0x3c: {  	v3 =	vld [tilespmem:s17+$0x10];
	s16 =	smul.u32 $0x4200, s31;
	[tilespmem:s18+$0xE70 ss:$0x21] =	vst.msk $0xffff, v0  }
0x3d: {  	v2 =	vld [tilespmem:s17+$0x20];
	[tilespmem:s18+$0x210 ss:$0x21] =	vst.msk $0xffff, v1  }
0x3e: {  	s16 =	sshrl.u32 s16, $0x2;
	v1 =	vld [tilespmem:s17+$0xFFFFFFC0];
	[tilespmem:s18+$0x420 ss:$0x21] =	vst.msk $0xffff, v5;
	s17 =	sadd.s32 $0x80, s17  }
0x3f: {  	s20 =	simm.s32 $0x4;
	s21 =	simm.s32 $0x8;
	s16 =	sor.u32 $0x2000, s16;
	[tilespmem:s18+$0x630 ss:$0x21] =	vst.msk $0xffff, v6;
	v0 =	vld [tilespmem:s17+$0x30]  }
.LBB1_3:
0x40: {  	p1 =	sne.s32 s21, $0x7C;
	v5 =	vld [tilespmem:s17+$0xFFFFFFD0];
	[tilespmem:s18+$0x840 ss:$0x21] =	vst.msk $0xffff, v4  }
0x41: {  	v6 =	vld [tilespmem:s17+$0xFFFFFFE0];
	[tilespmem:s18+$0xA50 ss:$0x21] =	vst.msk $0xffff, v3  }
0x42: {  	s22 =	sshra.s32 s20, $0x2;
	s20 =	smov.u32 s21;
	v7 =	vld [tilespmem:s17+$0xFFFFFFF0];
	[tilespmem:s18+$0xC60 ss:$0x21] =	vst.msk $0xffff, v2  }
.Ltmp3:
0x43: {  	v4 =	vld [tilespmem:s17+$0x0];
	[tilespmem:s18+$0x0 ss:$0x21] =	vst.msk $0xffff, v1;
	s18 =	sadd.s32 s22, s19;
	(pc) =	sbr.rel @p1 .LBB1_3-.Ltmp3, $4  }
0x44: {  	v3 =	vld [tilespmem:s17+$0x10];
	[tilespmem:s18+$0xE70 ss:$0x21] =	vst.msk $0xffff, v0  }
0x45: {  	[tilespmem:s18+$0x210 ss:$0x21] =	vst.msk $0xffff, v5;
	v2 =	vld [tilespmem:s17+$0x20]  }
0x46: {  	v1 =	vld [tilespmem:s17+$0xFFFFFFC0];
	[tilespmem:s18+$0x420 ss:$0x21] =	vst.msk $0xffff, v6;
	s17 =	sadd.s32 $0x80, s17  }
0x47: {  	s21 =	sadd.s32 $0x4, s21;
	v0 =	vld [tilespmem:s17+$0x30];
	[tilespmem:s18+$0x630 ss:$0x21] =	vst.msk $0xffff, v7  }
0x48: {  	s21 =	sshll.u32 s9, $0x7;
	s22 =	sshll.u32 s10, $0x3;
	s20 =	sshra.s32 s20, $0x2  }
0x49: {  	p1 =	sgt.s32 s9, $0xF41C0;
	s30 =	sshra.s32 s9, $0x1F;
	s25 =	sshra.s32 s10, $0x1F  }
0x4a: {  	v5 =	vld [tilespmem:s17+$0xFFFFFFD0];
	s28 =	sshrl.u32 s10, $0x3;
	s23 =	sand.u32 $0xFFFFFC00, s21;
	s22 =	sand.u32 $0xFFFFFC00, s22  }
0x4b: {  	[tilespmem:s18+$0x840 ss:$0x21] =	vst.msk $0xffff, v4;
	v58 =	vld [tilespmem:s17+$0xFFFFFFE0];
	s21 =	sand.u32 $0x380, s21;
	s19 =	sadd.s32 s20, s19;
	s22 =	sadd.s32 s22, s23  }
0x4c: {  	v59 =	vld [tilespmem:s17+$0xFFFFFFF0];
	[tilespmem:s18+$0xA50 ss:$0x21] =	vst.msk $0xffff, v3;
	s29 =	sor.u32 s21, s22;
	s21 =	smov.u32 s9;
	s22 =	sand.u32 s30, s9  }
0x4d: {  	v60 =	vld [tilespmem:s17+$0x0];
	[tilespmem:s18+$0xC60 ss:$0x21] =	vst.msk $0xffff, v2;
	s30 =	sand.u32 $0x7, s10;
	s20 =	sshrl.u32 s29, $0x7;
	s21 =	simm.s32 @!p1 $0xF41C0  }
0x4e: {  	v61 =	vld [tilespmem:s17+$0x10];
	[tilespmem:s18+$0x0 ss:$0x21] =	vst.msk $0xffff, v1;
	p1 =	sgt.s32 s10, $0x60;
	s24 =	ssub.s32 s21, s22;
	s21 =	smov.u32 s10  }
0x4f: {  	v62 =	vld [tilespmem:s17+$0x20];
	[tilespmem:s19+$0xE70 ss:$0x21] =	vst.msk $0xffff, v0;
	s31 =	smulhi.u32 $0x218DEF5, s20;
	s22 =	sand.u32 s25, s10;
	s21 =	simm.s32 @!p1 $0x60  }
0x50: {  	v63 =	vld [tilespmem:s17+$0xFFFFFFC0];
	[tilespmem:s19+$0x210 ss:$0x21] =	vst.msk $0xffff, v5;
	s26 =	sadd.s32 $0xFFF0BE40, s24;
	s17 =	ssub.s32 $0xF4240, s24;
	s21 =	ssub.s32 s21, s22  }
0x51: {  	[tilespmem:s19+$0x420 ss:$0x21] =	vst.msk $0xffff, v58;
	s23 =	sshrl.u32 s31, $0xD;
	p1 =	sgt.s32 s26, $0x7F;
	s27 =	sadd.s32 $0xFFFFFFA0, s21  }
0x52: {  	[tilespmem:s19+$0x630 ss:$0x21] =	vst.msk $0xffff, v59;
	s23 =	smul.u32 $0xF4240, s23;
	s18 =	ssub.s32 $0x80, s21;
	p2 =	sgt.s32 s27, $0x1F  }
.Ltmp4:
0x53: {  	[tilespmem:s19+$0x840 ss:$0x21] =	vst.msk $0xffff, v60;
	s17 =	simm.s32 @p1 $0x0;
	s18 =	simm.s32 @p2 $0x0;
	(pc) =	sbr.rel .LBB1_5-.Ltmp4, $4  }
0x54: {  	s29 =	sand.u32 $0xF, s28;
	[tilespmem:s19+$0xA50 ss:$0x21] =	vst.msk $0xffff, v61;
	s20 =	ssub.s32 s20, s23;
	s17 =	smul.u32 s18, s17  }
0x55: {  	[tilespmem:s19+$0xC60 ss:$0x21] =	vst.msk $0xffff, v62;
	s21 =	sshll.u32 s30, $0x12;
	s20 =	sshll.u32 s20, $0x4;
	s18 =	sadd.s32 s5, s29  }
0x56: {  	[tilespmem:s19+$0x0 ss:$0x21] =	vst.msk $0xffff, v63;
	s31 =	sor.u32 $0x20, s21;
	s18 =	sadd.s32 s20, s18;
	s17 =	sand.u32 $0x3FFFFFFF, s17  }
0x57: {  	[hbm4b:s18+s31] =	stream.strided.scatter [tilespmem:s16], [sflag:$0x2], s17, s8, s31, $0x10;
	[tilespmem:$0x4100] =	vst v63  }
.LBB1_6:
0x58: {  	_ =	sfence.sel $0x180000  }
0x59: {  	s2 =	simm.s32 $0x1;
	[bflag:$0x0] =	sbarrier.arrive $0xFFFF  }
0x5a: {  	s31 =	simm.s32 $0x2;
	[sflag:s2] =	ssyncpa.u1 $0x1  }
0x5b: {  	[sflag:s31] =	ssyncpa.u1 $0x1  }
0x5c: {  	p0 =	sne.s32 s1, $0x0;
	_ =	strace $0x90000047  }
0x5d: {  	s0 =	sadd.s32 @!p0 $0x100000, s0;
	[bflag:$0x2] =	sbarrier.arrive $0xFFFF  }
0x5e: {  	[sflag:s0] =	ssyncadd.tile.s32 @!p0 $0x1;
	_ =	shalt  }
.Lfunc_end1:
_tile_overlayer_lowered:
.L_overlay_start_2:
0x5f: {  	(tag) =	ssettag $0x2  }
0x60: {  	s0 =	rddreg [dreg:$0x0];
	s2 =	stileid.u32  }
0x61: {  	s1 =	rddreg [dreg:$0x1];
	p0 =	sne.s32 s2, $0x0  }
0x62: {  	s3 =	rddreg [dreg:$0x2];
	[bflag:$0x3] =	sbarrier.arrive $0xFFFF;
	s2 =	simm.s32 @!p0 $0x1C01  }
0x63: {  	[timem:s3], [sflag:s2] =	dma.local @!p0 [hbm:s0], s1  }
0x64: {  	s0 =	simm.s32 @!p0 $0x1  }
0x65: {  	_ =	swait.ge @!p0 [sflag:s0], s1  }
0x66: {  	s1 =	ssub.s32 @!p0 $0x0, s1;
	[sflag:s0] =	ssyncset.done @!p0 $0x0  }
0x67: {  	[sflag:s0] =	ssyncadd.s32 @!p0 s1  }
0x68: {  	[bflag:$0x3] =	sbarrier.arrive $0xFFFF  }
0x69: {  	_ =	shalt  }

</sc_bundles>
